<compile_context>
chip_gen: v7x
topology: tpu7x:2x2x1
jax: 0.10.2.dev20260603
libtpu: 0.0.44.dev20260713+nightly
codegen_flags: <defaults>
</compile_context>

<pallas_src>
import functools

import jax
import jax.numpy as jnp
from jax import lax
from jax.experimental import pallas as pl
from jax.experimental.pallas import tpu as pltpu
from jax.experimental.pallas import tpu_sc as plsc

_N = 10000
_E = 320000
_D = 128
_TE = 65536
_C = 7

_NC = 2
_NS = 16
_NW = _NC * _NS
_K = 128
_NCHUNK = _E // _K
_NITER = 80
_ZR = 80
_NZBLK = _N // _ZR


def _seg_sum_sc(rows_in, sd):
    mesh = plsc.VectorSubcoreMesh(core_axis_name="c", subcore_axis_name="s")

    @functools.partial(
        pl.kernel,
        out_type=jax.ShapeDtypeStruct((_NC, _N, _D), jnp.float32),
        mesh=mesh,
        scratch_types=[
            pltpu.VMEM((2, _K), jnp.int32),
            pltpu.VMEM((2, _K), jnp.int32),
            pltpu.VMEM((2, _K), jnp.int32),
            pltpu.VMEM((2, _K), jnp.int32),
            pltpu.VMEM((_K, _D), jnp.float32),
            pltpu.VMEM((_K, _D), jnp.float32),
            pltpu.VMEM_SHARED((_N, _D), jnp.float32),
            pltpu.SemaphoreType.DMA,
            pltpu.SemaphoreType.DMA,
            pltpu.SemaphoreType.DMA,
            pltpu.SemaphoreType.DMA,
            pltpu.SemaphoreType.DMA,
            pltpu.SemaphoreType.DMA,
        ],
    )
    def kfn(x_hbm, sd_hbm, pp_hbm, sidx0, sidx1, sidx2, sidx3, rows0, rows1,
            agg_sh, si0, si1, si2, si3, sr0, sr1):
        c = lax.axis_index("c")
        s = lax.axis_index("s")
        wid = s * _NC + c

        sidx = (sidx0, sidx1, sidx2, sidx3)
        sis = (si0, si1, si2, si3)
        rows = (rows0, rows1)
        srs = (sr0, sr1)

        zrow = jnp.zeros((16,), jnp.float32)

        def zbody(r, carry):
            for q in range(8):
                rows0[r, pl.ds(q * 16, 16)] = zrow
            return carry

        lax.fori_loop(0, _K, zbody, 0)

        def zsc(k, carry):
            blk = s + _NS * k

            @pl.when(blk < _NZBLK)
            def _():
                pltpu.sync_copy(rows0.at[pl.ds(0, _ZR)],
                                agg_sh.at[pl.ds(blk * _ZR, _ZR)])
            return carry

        lax.fori_loop(0, (_NZBLK + _NS - 1) // _NS, zsc, 0)
        plsc.subcore_barrier()

        def ch_of(j):
            cr = wid + _NW * j
            return jnp.minimum(cr, _NCHUNK - 1), cr < _NCHUNK

        def fire_idx(j, b):
            ch, _ = ch_of(j)
            pltpu.async_copy(sd_hbm.at[ch], sidx[b], sis[b])

        def wait_idx(j, b):
            ch, _ = ch_of(j)
            pltpu.make_async_copy(sd_hbm.at[ch], sidx[b], sis[b]).wait()

        def fire_rows(ib, rb):
            pltpu.async_copy(x_hbm.at[sidx[ib].at[0]], rows[rb], srs[rb])

        def wait_rows(ib, rb):
            pltpu.make_async_copy(x_hbm.at[sidx[ib].at[0]], rows[rb], srs[rb]).wait()

        def scatter(j, ib, rb):
            _, ok = ch_of(j)

            @pl.when(ok)
            def _():
                pltpu.sync_copy(rows[rb], agg_sh.at[sidx[ib].at[1]], add=True)

        fire_idx(0, 0)
        fire_idx(1, 1)
        fire_idx(2, 2)
        fire_idx(3, 3)
        wait_idx(0, 0)
        fire_rows(0, 0)

        def quad(kk, carry):
            b = 4 * kk
            wait_idx(b + 1, 1)
            fire_rows(1, 1)
            wait_rows(0, 0)
            scatter(b, 0, 0)
            fire_idx(b + 4, 0)
            wait_idx(b + 2, 2)
            fire_rows(2, 0)
            wait_rows(1, 1)
            scatter(b + 1, 1, 1)
            fire_idx(b + 5, 1)
            wait_idx(b + 3, 3)
            fire_rows(3, 1)
            wait_rows(2, 0)
            scatter(b + 2, 2, 0)
            fire_idx(b + 6, 2)
            wait_rows(3, 1)
            scatter(b + 3, 3, 1)
            fire_idx(b + 7, 3)
            wait_idx(b + 4, 0)
            fire_rows(0, 0)
            return carry

        lax.fori_loop(0, _NITER // 4, quad, 0)

        wait_rows(0, 0)
        wait_idx(_NITER + 1, 1)
        wait_idx(_NITER + 2, 2)
        wait_idx(_NITER + 3, 3)

        plsc.subcore_barrier()

        def wout(k, carry):
            blk = s + _NS * k

            @pl.when(blk < _NZBLK)
            def _():
                r0 = blk * _ZR
                pltpu.sync_copy(agg_sh.at[pl.ds(r0, _ZR)], rows0.at[pl.ds(0, _ZR)])
                pltpu.sync_copy(rows0.at[pl.ds(0, _ZR)], pp_hbm.at[c, pl.ds(r0, _ZR)])
            return carry

        lax.fori_loop(0, (_NZBLK + _NS - 1) // _NS, wout, 0)

    return kfn(rows_in, sd)


_TCHUNK = _TE // _K
_TPW = _TCHUNK // _NW


def _readout_sc(z, src1, dst1, te2):
    mesh = plsc.VectorSubcoreMesh(core_axis_name="c", subcore_axis_name="s")

    @functools.partial(
        pl.kernel,
        out_type=jax.ShapeDtypeStruct((_TE, _D), jnp.float32),
        mesh=mesh,
        scratch_types=[
            pltpu.VMEM((_K,), jnp.int32),
            pltpu.VMEM((_K,), jnp.int32),
            pltpu.VMEM((_K,), jnp.int32),
            pltpu.VMEM((_K, _D), jnp.float32),
            pltpu.VMEM((_K, _D), jnp.float32),
            pltpu.SemaphoreType.DMA,
            pltpu.SemaphoreType.DMA,
            pltpu.SemaphoreType.DMA,
        ],
    )
    def kfn(z_hbm, src_hbm, dst_hbm, te_hbm, w_hbm, te_v, sv, dv, x1_v, x2_v,
            sp, s1, s2):
        c = lax.axis_index("c")
        s = lax.axis_index("s")
        wid = s * _NC + c

        def chunk(jc, carry):
            ch = wid + _NW * jc
            pltpu.sync_copy(te_hbm.at[ch], te_v)
            pltpu.async_copy(src_hbm.at[te_v], sv, sp)
            pltpu.async_copy(dst_hbm.at[te_v], dv, s1)
            pltpu.make_async_copy(src_hbm.at[te_v], sv, sp).wait()
            pltpu.make_async_copy(dst_hbm.at[te_v], dv, s1).wait()
            pltpu.async_copy(z_hbm.at[sv], x1_v, s2)
            pltpu.async_copy(z_hbm.at[dv], x2_v, sp)
            pltpu.make_async_copy(z_hbm.at[sv], x1_v, s2).wait()
            pltpu.make_async_copy(z_hbm.at[dv], x2_v, sp).wait()

            def mrow(r, cc):
                for q in range(8):
                    sl = pl.ds(q * 16, 16)
                    x1_v[r, sl] = x1_v[r, sl] * x2_v[r, sl]
                return cc

            lax.fori_loop(0, _K, mrow, 0)
            pltpu.sync_copy(x1_v, w_hbm.at[pl.ds(ch * _K, _K)])
            return carry

        lax.fori_loop(0, _TPW, chunk, 0)

    return kfn(z, src1, dst1, te2)


def _vm(shape):
    return pl.BlockSpec(shape, lambda: (0,) * len(shape))


def _mlp1_tc(x, p0, p1, W1, b1, W2, b2, W3, b3, g1, be1, eps1):

    def body(eps_ref, x_ref, p0_ref, p1_ref, w1_ref, b1_ref, w2_ref, b2_ref,
             w3_ref, b3_ref, g_ref, be_ref, h_ref):
        t = (1.0 + eps_ref[0]) * x_ref[...] + p0_ref[...] + p1_ref[...]
        h = jnp.maximum(jnp.dot(t, w1_ref[...], preferred_element_type=jnp.float32) + b1_ref[...], 0.0)
        h = jnp.maximum(jnp.dot(h, w2_ref[...], preferred_element_type=jnp.float32) + b2_ref[...], 0.0)
        h = jnp.maximum(jnp.dot(h, w3_ref[...], preferred_element_type=jnp.float32) + b3_ref[...], 0.0)
        m = jnp.sum(h, axis=0, keepdims=True) * (1.0 / _N)
        q = jnp.sum(h * h, axis=0, keepdims=True) * (1.0 / _N)
        rstd = lax.rsqrt(q - m * m + 1e-5)
        h_ref[...] = (h - m) * rstd * g_ref[...] + be_ref[...]

    return pl.pallas_call(
        body,
        in_specs=[
            pl.BlockSpec(memory_space=pltpu.SMEM),
            _vm((_N, _D)), _vm((_N, _D)), _vm((_N, _D)),
            _vm((_D, _D)), _vm((1, _D)),
            _vm((_D, _D)), _vm((1, _D)),
            _vm((_D, _D)), _vm((1, _D)),
            _vm((1, _D)), _vm((1, _D)),
        ],
        out_specs=_vm((_N, _D)),
        out_shape=jax.ShapeDtypeStruct((_N, _D), jnp.float32),
    )(eps1, x, p0, p1, W1, b1, W2, b2, W3, b3, g1, be1)


def _conv2_head_tc(h, q0, q1, W4, b4, g2, be2, eps2, Wl1, bl1, Wl2, bl2):

    def body(eps_ref, h_ref, q0_ref, q1_ref, w4_ref, b4_ref, g_ref, be_ref,
             wl1_ref, bl1_ref, wl2_ref, bl2_ref, z_ref):
        t = (1.0 + eps_ref[0]) * h_ref[...] + q0_ref[...] + q1_ref[...]
        o = jnp.maximum(jnp.dot(t, w4_ref[...], preferred_element_type=jnp.float32) + b4_ref[...], 0.0)
        m = jnp.sum(o, axis=0, keepdims=True) * (1.0 / _N)
        q = jnp.sum(o * o, axis=0, keepdims=True) * (1.0 / _N)
        rstd = lax.rsqrt(q - m * m + 1e-5)
        hn = (o - m) * rstd * g_ref[...] + be_ref[...]
        z1 = jnp.maximum(jnp.dot(hn, wl1_ref[...], preferred_element_type=jnp.float32) + bl1_ref[...], 0.0)
        z_ref[...] = jnp.dot(z1, wl2_ref[...], preferred_element_type=jnp.float32) + bl2_ref[...]

    return pl.pallas_call(
        body,
        in_specs=[
            pl.BlockSpec(memory_space=pltpu.SMEM),
            _vm((_N, _D)), _vm((_N, _D)), _vm((_N, _D)),
            _vm((_D, _D)), _vm((1, _D)), _vm((1, _D)), _vm((1, _D)),
            _vm((_D, _D)), _vm((1, _D)), _vm((_D, _D)), _vm((1, _D)),
        ],
        out_specs=_vm((_N, _D)),
        out_shape=jax.ShapeDtypeStruct((_N, _D), jnp.float32),
    )(eps2, h, q0, q1, W4, b4, g2, be2, Wl1, bl1, Wl2, bl2)


_RF = 2048
_GF = _TE // _RF


def _fc_tc(w, Wf, bf):
    def body(w_ref, wf_ref, bf_ref, o_ref):
        o_ref[...] = jnp.dot(w_ref[...], wf_ref[...], preferred_element_type=jnp.float32) + bf_ref[...]

    return pl.pallas_call(
        body,
        grid=(_GF,),
        in_specs=[
            pl.BlockSpec((_RF, _D), lambda i: (i, 0)),
            pl.BlockSpec((_D, _C), lambda i: (0, 0)),
            pl.BlockSpec((1, _C), lambda i: (0, 0)),
        ],
        out_specs=pl.BlockSpec((_RF, _C), lambda i: (i, 0)),
        out_shape=jax.ShapeDtypeStruct((_TE, _C), jnp.float32),
    )(w, Wf, bf)


def kernel(x, edge_index, train_edge_id, W1, b1, W2, b2, W3, b3, g1, be1, eps1,
           W4, b4, g2, be2, eps2, Wl1, bl1, Wl2, bl2, Wf, bf):
    src2 = edge_index[0].reshape(_NCHUNK, _K)
    dst2 = edge_index[1].reshape(_NCHUNK, _K)
    sd = jnp.stack([src2, dst2], axis=1)
    te2 = train_edge_id.reshape(_TE // _K, _K)

    b1r, b2r, b3r, b4r = (v.reshape(1, _D) for v in (b1, b2, b3, b4))
    bl1r, bl2r = bl1.reshape(1, _D), bl2.reshape(1, _D)
    g1r, be1r = g1.reshape(1, _D), be1.reshape(1, _D)
    g2r, be2r = g2.reshape(1, _D), be2.reshape(1, _D)
    bfr = bf.reshape(1, _C)
    e1 = eps1.reshape(1)
    e2 = eps2.reshape(1)

    pp = _seg_sum_sc(x, sd)
    h = _mlp1_tc(x, pp[0], pp[1], W1, b1r, W2, b2r, W3, b3r, g1r, be1r, e1)
    qq = _seg_sum_sc(h, sd)
    z = _conv2_head_tc(h, qq[0], qq[1], W4, b4r, g2r, be2r, e2,
                       Wl1, bl1r, Wl2, bl2r)
    w = _readout_sc(z, edge_index[0], edge_index[1], te2)
    return _fc_tc(w, Wf, bfr)

# --- scband reference (transcript-rebuilt; emitter-appended) ---
"""Pipeline reference for scband-gin-net2-31439160607359 (READ-ONLY COPY).

The authoritative reference and input builder live on the scoring server;
editing this copy changes nothing except your own understanding.
"""

import jax, jax.numpy as jnp
import numpy as np

N = 10000
E = 320000
D = 128
H = 128
TE = 65536
C = 7


def _bn(h, g, b):
    m = h.mean(axis=0)
    v = h.var(axis=0)
    return (h - m) / jnp.sqrt(v + 1e-5) * g + b


def setup_inputs(seed: int = 0) -> dict:
    key = jax.random.key(seed)
    ks = jax.random.split(key, 24)
    inp = {}
    inp['x'] = jax.random.normal(ks[0], (N, D), dtype=jnp.float32)
    inp['edge_index'] = jax.random.randint(ks[1], (2, E), 0, N, dtype=jnp.int32)
    inp['train_edge_id'] = jax.random.randint(ks[2], (TE,), 0, E, dtype=jnp.int32)
    s = 0.05
    # gin_conv1 MLP: Linear(D,H), Linear(H,H), Linear(H,H), BN(H)
    inp['W1'] = jax.random.normal(ks[3], (D, H), jnp.float32) * s
    inp['b1'] = jnp.zeros((H,), jnp.float32)
    inp['W2'] = jax.random.normal(ks[4], (H, H), jnp.float32) * s
    inp['b2'] = jnp.zeros((H,), jnp.float32)
    inp['W3'] = jax.random.normal(ks[5], (H, H), jnp.float32) * s
    inp['b3'] = jnp.zeros((H,), jnp.float32)
    inp['g1'] = jnp.ones((H,), jnp.float32)
    inp['be1'] = jnp.zeros((H,), jnp.float32)
    inp['eps1'] = jnp.float32(0.0)
    # gin_convs[0] MLP: Linear(H,H), BN(H)
    inp['W4'] = jax.random.normal(ks[6], (H, H), jnp.float32) * s
    inp['b4'] = jnp.zeros((H,), jnp.float32)
    inp['g2'] = jnp.ones((H,), jnp.float32)
    inp['be2'] = jnp.zeros((H,), jnp.float32)
    inp['eps2'] = jnp.float32(0.0)
    # lin1, lin2, fc2
    inp['Wl1'] = jax.random.normal(ks[7], (H, H), jnp.float32) * s
    inp['bl1'] = jnp.zeros((H,), jnp.float32)
    inp['Wl2'] = jax.random.normal(ks[8], (H, H), jnp.float32) * s
    inp['bl2'] = jnp.zeros((H,), jnp.float32)
    inp['Wf'] = jax.random.normal(ks[9], (H, C), jnp.float32) * s
    inp['bf'] = jnp.zeros((C,), jnp.float32)
    return inp


def reference(x, edge_index, train_edge_id, W1, b1, W2, b2, W3, b3, g1, be1, eps1,
              W4, b4, g2, be2, eps2, Wl1, bl1, Wl2, bl2, Wf, bf):
    src = edge_index[0]
    dst = edge_index[1]
    # GINConv 1: out = MLP((1+eps)*x + sum_{j in N(i)} x_j)
    agg = jax.ops.segment_sum(x[src], dst, num_segments=N)
    h = (1.0 + eps1) * x + agg
    h = jax.nn.relu(h @ W1 + b1)
    h = jax.nn.relu(h @ W2 + b2)
    h = jax.nn.relu(h @ W3 + b3)
    h = _bn(h, g1, be1)
    # GINConv 2
    agg2 = jax.ops.segment_sum(h[src], dst, num_segments=N)
    h2 = (1.0 + eps2) * h + agg2
    h2 = jax.nn.relu(h2 @ W4 + b4)
    h2 = _bn(h2, g2, be2)
    # lin1 -> relu -> dropout(eval: identity) -> lin2
    z = jax.nn.relu(h2 @ Wl1 + bl1)
    z = z @ Wl2 + bl2
    # edge readout: gather endpoints of selected training edges, multiply, classify
    node_id = edge_index[:, train_edge_id]
    x1 = z[node_id[0]]
    x2 = z[node_id[1]]
    out = (x1 * x2) @ Wf + bf
    return out

if __name__ == "__main__":
    import jax
    _d = setup_inputs()
    print(jax.jit(kernel)(*tuple(_d.values())))

</pallas_src>

<mosaic_0001>
#map = affine_map<(d0, d1) -> (0, 0)>
#map1 = affine_map<(d0, d1) -> (0, 0, 0)>
module attributes {stable_mosaic.version = 14 : i64} {
  func.func @kfn(%arg0: i32, %arg1: i32, %arg2: memref<10000x128xf32, #tpu.memory_space<hbm>>, %arg3: memref<2500x2x128xi32, #tpu.memory_space<hbm>>, %arg4: memref<2x10000x128xf32, #tpu.memory_space<hbm>>, %arg5: memref<2x128xi32, #tpu.memory_space<vmem>>, %arg6: memref<2x128xi32, #tpu.memory_space<vmem>>, %arg7: memref<2x128xi32, #tpu.memory_space<vmem>>, %arg8: memref<2x128xi32, #tpu.memory_space<vmem>>, %arg9: memref<128x128xf32, #tpu.memory_space<vmem>>, %arg10: memref<128x128xf32, #tpu.memory_space<vmem>>, %arg11: memref<10000x128xf32, #tpu.memory_space<vmem_shared>>, %arg12: memref<!tpu.dma_semaphore, #tpu.memory_space<semaphore_mem>>, %arg13: memref<!tpu.dma_semaphore, #tpu.memory_space<semaphore_mem>>, %arg14: memref<!tpu.dma_semaphore, #tpu.memory_space<semaphore_mem>>, %arg15: memref<!tpu.dma_semaphore, #tpu.memory_space<semaphore_mem>>, %arg16: memref<!tpu.dma_semaphore, #tpu.memory_space<semaphore_mem>>, %arg17: memref<!tpu.dma_semaphore, #tpu.memory_space<semaphore_mem>>) attributes {dimension_semantics = [#tpu.dimension_semantics<core_parallel>, #tpu.dimension_semantics<subcore_parallel>], iteration_bounds = array<i64: 2, 16>, scalar_prefetch = 0 : i64, scratch_operands = 13 : i64, tpu.core_type = #tpu.core_type<sc_vector_subcore>, window_params = [{transform_indices = #map}, {transform_indices = #map1}, {transform_indices = #map1}]} {
    %mul3A = arith.constant 2 : i32
    %mul3A_0 = arith.muli %arg1, %mul3A : i32
    %add3A = arith.addi %mul3A_0, %arg0 : i32
    %broadcast_in_dim3A = arith.constant 0.000000e+00 : f32
    %broadcast_in_dim3A_1 = vector.broadcast %broadcast_in_dim3A : f32 to vector<16xf32>
    %scan3A = arith.constant 0 : i32
    %scan3A_2 = arith.constant 0 : i32
    %scan3A_3 = arith.constant 128 : i32
    %scan3A_4 = arith.addi %scan3A_2, %scan3A_3 : i32
    %scan3A_5 = arith.constant 1 : i32
    scf.for %scan3A_148 = %scan3A_2 to %scan3A_4 step %scan3A_5  : i32 {
      %swap3A = arith.index_cast %scan3A_148 : i32 to index
      %swap3A_149 = arith.constant 0 : index
      %swap3A_150 = tpu.vector_load %arg9[%swap3A, %swap3A_149] {strides = array<i32>} : memref<128x128xf32, #tpu.memory_space<vmem>>, vector<1x16xf32>,
      %swap3A_151 = vector.shape_cast %swap3A_150 : vector<1x16xf32> to vector<16xf32>
      %swap3A_152 = vector.shape_cast %broadcast_in_dim3A_1 : vector<16xf32> to vector<1x16xf32>
      tpu.vector_store %arg9[%swap3A, %swap3A_149], %swap3A_152 {strides = array<i32>} : memref<128x128xf32, #tpu.memory_space<vmem>>, vector<1x16xf32>,
      %swap3A_153 = arith.index_cast %scan3A_148 : i32 to index
      %swap3A_154 = arith.constant 16 : index
      %swap3A_155 = tpu.vector_load %arg9[%swap3A_153, %swap3A_154] {strides = array<i32>} : memref<128x128xf32, #tpu.memory_space<vmem>>, vector<1x16xf32>,
      %swap3A_156 = vector.shape_cast %swap3A_155 : vector<1x16xf32> to vector<16xf32>
      %swap3A_157 = vector.shape_cast %broadcast_in_dim3A_1 : vector<16xf32> to vector<1x16xf32>
      tpu.vector_store %arg9[%swap3A_153, %swap3A_154], %swap3A_157 {strides = array<i32>} : memref<128x128xf32, #tpu.memory_space<vmem>>, vector<1x16xf32>,
      %swap3A_158 = arith.index_cast %scan3A_148 : i32 to index
      %swap3A_159 = arith.constant 32 : index
      %swap3A_160 = tpu.vector_load %arg9[%swap3A_158, %swap3A_159] {strides = array<i32>} : memref<128x128xf32, #tpu.memory_space<vmem>>, vector<1x16xf32>,
      %swap3A_161 = vector.shape_cast %swap3A_160 : vector<1x16xf32> to vector<16xf32>
      %swap3A_162 = vector.shape_cast %broadcast_in_dim3A_1 : vector<16xf32> to vector<1x16xf32>
      tpu.vector_store %arg9[%swap3A_158, %swap3A_159], %swap3A_162 {strides = array<i32>} : memref<128x128xf32, #tpu.memory_space<vmem>>, vector<1x16xf32>,
      %swap3A_163 = arith.index_cast %scan3A_148 : i32 to index
      %swap3A_164 = arith.constant 48 : index
      %swap3A_165 = tpu.vector_load %arg9[%swap3A_163, %swap3A_164] {strides = array<i32>} : memref<128x128xf32, #tpu.memory_space<vmem>>, vector<1x16xf32>,
      %swap3A_166 = vector.shape_cast %swap3A_165 : vector<1x16xf32> to vector<16xf32>
      %swap3A_167 = vector.shape_cast %broadcast_in_dim3A_1 : vector<16xf32> to vector<1x16xf32>
      tpu.vector_store %arg9[%swap3A_163, %swap3A_164], %swap3A_167 {strides = array<i32>} : memref<128x128xf32, #tpu.memory_space<vmem>>, vector<1x16xf32>,
      %swap3A_168 = arith.index_cast %scan3A_148 : i32 to index
      %swap3A_169 = arith.constant 64 : index
      %swap3A_170 = tpu.vector_load %arg9[%swap3A_168, %swap3A_169] {strides = array<i32>} : memref<128x128xf32, #tpu.memory_space<vmem>>, vector<1x16xf32>,
      %swap3A_171 = vector.shape_cast %swap3A_170 : vector<1x16xf32> to vector<16xf32>
      %swap3A_172 = vector.shape_cast %broadcast_in_dim3A_1 : vector<16xf32> to vector<1x16xf32>
      tpu.vector_store %arg9[%swap3A_168, %swap3A_169], %swap3A_172 {strides = array<i32>} : memref<128x128xf32, #tpu.memory_space<vmem>>, vector<1x16xf32>,
      %swap3A_173 = arith.index_cast %scan3A_148 : i32 to index
      %swap3A_174 = arith.constant 80 : index
      %swap3A_175 = tpu.vector_load %arg9[%swap3A_173, %swap3A_174] {strides = array<i32>} : memref<128x128xf32, #tpu.memory_space<vmem>>, vector<1x16xf32>,
      %swap3A_176 = vector.shape_cast %swap3A_175 : vector<1x16xf32> to vector<16xf32>
      %swap3A_177 = vector.shape_cast %broadcast_in_dim3A_1 : vector<16xf32> to vector<1x16xf32>
      tpu.vector_store %arg9[%swap3A_173, %swap3A_174], %swap3A_177 {strides = array<i32>} : memref<128x128xf32, #tpu.memory_space<vmem>>, vector<1x16xf32>,
      %swap3A_178 = arith.index_cast %scan3A_148 : i32 to index
      %swap3A_179 = arith.constant 96 : index
      %swap3A_180 = tpu.vector_load %arg9[%swap3A_178, %swap3A_179] {strides = array<i32>} : memref<128x128xf32, #tpu.memory_space<vmem>>, vector<1x16xf32>,
      %swap3A_181 = vector.shape_cast %swap3A_180 : vector<1x16xf32> to vector<16xf32>
      %swap3A_182 = vector.shape_cast %broadcast_in_dim3A_1 : vector<16xf32> to vector<1x16xf32>
      tpu.vector_store %arg9[%swap3A_178, %swap3A_179], %swap3A_182 {strides = array<i32>} : memref<128x128xf32, #tpu.memory_space<vmem>>, vector<1x16xf32>,
      %swap3A_183 = arith.index_cast %scan3A_148 : i32 to index
      %swap3A_184 = arith.constant 112 : index
      %swap3A_185 = tpu.vector_load %arg9[%swap3A_183, %swap3A_184] {strides = array<i32>} : memref<128x128xf32, #tpu.memory_space<vmem>>, vector<1x16xf32>,
      %swap3A_186 = vector.shape_cast %swap3A_185 : vector<1x16xf32> to vector<16xf32>
      %swap3A_187 = vector.shape_cast %broadcast_in_dim3A_1 : vector<16xf32> to vector<1x16xf32>
      tpu.vector_store %arg9[%swap3A_183, %swap3A_184], %swap3A_187 {strides = array<i32>} : memref<128x128xf32, #tpu.memory_space<vmem>>, vector<1x16xf32>,
    }
    %scan3A_6 = arith.constant 128 : i32
    %scan3A_7 = arith.constant 0 : i32
    %scan3A_8 = arith.constant 0 : i32
    %scan3A_9 = arith.constant 8 : i32
    %scan3A_10 = arith.addi %scan3A_8, %scan3A_9 : i32
    %scan3A_11 = arith.constant 1 : i32
    scf.for %scan3A_148 = %scan3A_8 to %scan3A_10 step %scan3A_11  : i32 {
      %mul3A_149 = arith.constant 16 : i32
      %mul3A_150 = arith.muli %mul3A_149, %scan3A_148 : i32
      %add3A_151 = arith.addi %arg1, %mul3A_150 : i32
      %lt3A_152 = arith.constant 125 : i32
      %lt3A_153 = arith.cmpi slt, %add3A_151, %lt3A_152 : i32
      %convert_element_type3A = arith.extui %lt3A_153 : i1 to i32
      %cond3A = arith.constant 0 : i32
      %cond3A_154 = arith.cmpi ne, %convert_element_type3A, %cond3A : i32
      scf.if %cond3A_154 {
        %mul3A_155 = arith.constant 80 : i32
        %mul3A_156 = arith.muli %add3A_151, %mul3A_155 : i32
        "tpu.region"() ({
          %run_scoped3A = tpu.sem_alloc : memref<!tpu.dma_semaphore, #tpu.memory_space<semaphore_mem>>
          %dma_start3A_157 = arith.constant 0 : i32
          %dma_start3A_158 = arith.constant 0 : i32
          %dma_start3A_159 = tpu.memref_slice %arg9[%dma_start3A_157, %dma_start3A_158] : memref<128x128xf32, #tpu.memory_space<vmem>> -> memref<80x128xf32, #tpu.memory_space<vmem>>
          %dma_start3A_160 = arith.constant 0 : i32
          %dma_start3A_161 = tpu.memref_slice %arg11[%mul3A_156, %dma_start3A_160] : memref<10000x128xf32, #tpu.memory_space<vmem_shared>> -> memref<80x128xf32, #tpu.memory_space<vmem_shared>>
          %dma_start3A_162 = arith.constant 0 : i32
          %dma_start3A_163 = tpu.memref_slice %arg11[%mul3A_156, %dma_start3A_162] : memref<10000x128xf32, #tpu.memory_space<vmem_shared>> -> memref<80x128xf32, #tpu.memory_space<vmem_shared>>
          %dma_start3A_164 = arith.constant 0 : i32
          %dma_start3A_165 = arith.constant 0 : i32
          %dma_start3A_166 = tpu.memref_slice %arg9[%dma_start3A_164, %dma_start3A_165] : memref<128x128xf32, #tpu.memory_space<vmem>> -> memref<80x128xf32, #tpu.memory_space<vmem>>
          tpu.enqueue_dma source(%dma_start3A_166 : memref<80x128xf32, #tpu.memory_space<vmem>>) target(%dma_start3A_163 : memref<80x128xf32, #tpu.memory_space<vmem_shared>>) target_semaphore(%run_scoped3A : memref<!tpu.dma_semaphore, #tpu.memory_space<semaphore_mem>>)
          %dma_wait3A_167 = arith.constant 0 : i32
          %dma_wait3A_168 = arith.constant 0 : i32
          %dma_wait3A_169 = tpu.memref_slice %arg9[%dma_wait3A_167, %dma_wait3A_168] : memref<128x128xf32, #tpu.memory_space<vmem>> -> memref<80x128xf32, #tpu.memory_space<vmem>>
          %dma_wait3A_170 = arith.constant 0 : i32
          %dma_wait3A_171 = tpu.memref_slice %arg11[%mul3A_156, %dma_wait3A_170] : memref<10000x128xf32, #tpu.memory_space<vmem_shared>> -> memref<80x128xf32, #tpu.memory_space<vmem_shared>>
          %dma_wait3A_172 = arith.constant 0 : i32
          %dma_wait3A_173 = tpu.memref_slice %arg11[%mul3A_156, %dma_wait3A_172] : memref<10000x128xf32, #tpu.memory_space<vmem_shared>> -> memref<80x128xf32, #tpu.memory_space<vmem_shared>>
          %dma_wait3A_174 = arith.constant 0 : i32
          %dma_wait3A_175 = arith.constant 0 : i32
          %dma_wait3A_176 = tpu.memref_slice %arg9[%dma_wait3A_174, %dma_wait3A_175] : memref<128x128xf32, #tpu.memory_space<vmem>> -> memref<80x128xf32, #tpu.memory_space<vmem>>
          tpu.wait_dma2 semaphore(%run_scoped3A : memref<!tpu.dma_semaphore, #tpu.memory_space<semaphore_mem>>) src(%dma_wait3A_176 : memref<80x128xf32, #tpu.memory_space<vmem>>) dst(%dma_wait3A_173 : memref<80x128xf32, #tpu.memory_space<vmem_shared>>)
          tpu.yield
        }) : () -> ()
      } else {
      }
    }
    %scan3A_12 = arith.constant 8 : i32
    %barrier3A = arith.constant 0 : index
    tpu.barrier barrier_id(%barrier3A)
    %add3A_13 = arith.constant 0 : i32
    %add3A_14 = arith.addi %add3A, %add3A_13 : i32
    %min3A = arith.constant 2499 : i32
    %min3A_15 = arith.minsi %add3A_14, %min3A : i32
    %lt3A = arith.constant 2500 : i32
    %lt3A_16 = arith.cmpi slt, %add3A_14, %lt3A : i32
    %dma_start3A = arith.constant 0 : i32
    %dma_start3A_17 = arith.constant 0 : i32
    %dma_start3A_18 = tpu.memref_slice %arg3[%min3A_15, %dma_start3A, %dma_start3A_17] : memref<2500x2x128xi32, #tpu.memory_space<hbm>> -> memref<1x2x128xi32, #tpu.memory_space<hbm>>
    %dma_start3A_19 = tpu.memref_squeeze %dma_start3A_18 : memref<1x2x128xi32, #tpu.memory_space<hbm>> -> memref<2x128xi32, #tpu.memory_space<hbm>>
    %dma_start3A_20 = arith.constant 0 : i32
    %dma_start3A_21 = arith.constant 0 : i32
    %dma_start3A_22 = tpu.memref_slice %arg3[%min3A_15, %dma_start3A_20, %dma_start3A_21] : memref<2500x2x128xi32, #tpu.memory_space<hbm>> -> memref<1x2x128xi32, #tpu.memory_space<hbm>>
    %dma_start3A_23 = tpu.memref_squeeze %dma_start3A_22 : memref<1x2x128xi32, #tpu.memory_space<hbm>> -> memref<2x128xi32, #tpu.memory_space<hbm>>
    tpu.enqueue_dma source(%dma_start3A_23 : memref<2x128xi32, #tpu.memory_space<hbm>>) target(%arg5 : memref<2x128xi32, #tpu.memory_space<vmem>>) target_semaphore(%arg12 : memref<!tpu.dma_semaphore, #tpu.memory_space<semaphore_mem>>)
    %add3A_24 = arith.constant 32 : i32
    %add3A_25 = arith.addi %add3A, %add3A_24 : i32
    %min3A_26 = arith.constant 2499 : i32
    %min3A_27 = arith.minsi %add3A_25, %min3A_26 : i32
    %lt3A_28 = arith.constant 2500 : i32
    %lt3A_29 = arith.cmpi slt, %add3A_25, %lt3A_28 : i32
    %dma_start3A_30 = arith.constant 0 : i32
    %dma_start3A_31 = arith.constant 0 : i32
    %dma_start3A_32 = tpu.memref_slice %arg3[%min3A_27, %dma_start3A_30, %dma_start3A_31] : memref<2500x2x128xi32, #tpu.memory_space<hbm>> -> memref<1x2x128xi32, #tpu.memory_space<hbm>>
    %dma_start3A_33 = tpu.memref_squeeze %dma_start3A_32 : memref<1x2x128xi32, #tpu.memory_space<hbm>> -> memref<2x128xi32, #tpu.memory_space<hbm>>
    %dma_start3A_34 = arith.constant 0 : i32
    %dma_start3A_35 = arith.constant 0 : i32
    %dma_start3A_36 = tpu.memref_slice %arg3[%min3A_27, %dma_start3A_34, %dma_start3A_35] : memref<2500x2x128xi32, #tpu.memory_space<hbm>> -> memref<1x2x128xi32, #tpu.memory_space<hbm>>
    %dma_start3A_37 = tpu.memref_squeeze %dma_start3A_36 : memref<1x2x128xi32, #tpu.memory_space<hbm>> -> memref<2x128xi32, #tpu.memory_space<hbm>>
    tpu.enqueue_dma source(%dma_start3A_37 : memref<2x128xi32, #tpu.memory_space<hbm>>) target(%arg6 : memref<2x128xi32, #tpu.memory_space<vmem>>) target_semaphore(%arg13 : memref<!tpu.dma_semaphore, #tpu.memory_space<semaphore_mem>>)
    %add3A_38 = arith.constant 64 : i32
    %add3A_39 = arith.addi %add3A, %add3A_38 : i32
    %min3A_40 = arith.constant 2499 : i32
    %min3A_41 = arith.minsi %add3A_39, %min3A_40 : i32
    %lt3A_42 = arith.constant 2500 : i32
    %lt3A_43 = arith.cmpi slt, %add3A_39, %lt3A_42 : i32
    %dma_start3A_44 = arith.constant 0 : i32
    %dma_start3A_45 = arith.constant 0 : i32
    %dma_start3A_46 = tpu.memref_slice %arg3[%min3A_41, %dma_start3A_44, %dma_start3A_45] : memref<2500x2x128xi32, #tpu.memory_space<hbm>> -> memref<1x2x128xi32, #tpu.memory_space<hbm>>
    %dma_start3A_47 = tpu.memref_squeeze %dma_start3A_46 : memref<1x2x128xi32, #tpu.memory_space<hbm>> -> memref<2x128xi32, #tpu.memory_space<hbm>>
    %dma_start3A_48 = arith.constant 0 : i32
    %dma_start3A_49 = arith.constant 0 : i32
    %dma_start3A_50 = tpu.memref_slice %arg3[%min3A_41, %dma_start3A_48, %dma_start3A_49] : memref<2500x2x128xi32, #tpu.memory_space<hbm>> -> memref<1x2x128xi32, #tpu.memory_space<hbm>>
    %dma_start3A_51 = tpu.memref_squeeze %dma_start3A_50 : memref<1x2x128xi32, #tpu.memory_space<hbm>> -> memref<2x128xi32, #tpu.memory_space<hbm>>
    tpu.enqueue_dma source(%dma_start3A_51 : memref<2x128xi32, #tpu.memory_space<hbm>>) target(%arg7 : memref<2x128xi32, #tpu.memory_space<vmem>>) target_semaphore(%arg14 : memref<!tpu.dma_semaphore, #tpu.memory_space<semaphore_mem>>)
    %add3A_52 = arith.constant 96 : i32
    %add3A_53 = arith.addi %add3A, %add3A_52 : i32
    %min3A_54 = arith.constant 2499 : i32
    %min3A_55 = arith.minsi %add3A_53, %min3A_54 : i32
    %lt3A_56 = arith.constant 2500 : i32
    %lt3A_57 = arith.cmpi slt, %add3A_53, %lt3A_56 : i32
    %dma_start3A_58 = arith.constant 0 : i32
    %dma_start3A_59 = arith.constant 0 : i32
    %dma_start3A_60 = tpu.memref_slice %arg3[%min3A_55, %dma_start3A_58, %dma_start3A_59] : memref<2500x2x128xi32, #tpu.memory_space<hbm>> -> memref<1x2x128xi32, #tpu.memory_space<hbm>>
    %dma_start3A_61 = tpu.memref_squeeze %dma_start3A_60 : memref<1x2x128xi32, #tpu.memory_space<hbm>> -> memref<2x128xi32, #tpu.memory_space<hbm>>
    %dma_start3A_62 = arith.constant 0 : i32
    %dma_start3A_63 = arith.constant 0 : i32
    %dma_start3A_64 = tpu.memref_slice %arg3[%min3A_55, %dma_start3A_62, %dma_start3A_63] : memref<2500x2x128xi32, #tpu.memory_space<hbm>> -> memref<1x2x128xi32, #tpu.memory_space<hbm>>
    %dma_start3A_65 = tpu.memref_squeeze %dma_start3A_64 : memref<1x2x128xi32, #tpu.memory_space<hbm>> -> memref<2x128xi32, #tpu.memory_space<hbm>>
    tpu.enqueue_dma source(%dma_start3A_65 : memref<2x128xi32, #tpu.memory_space<hbm>>) target(%arg8 : memref<2x128xi32, #tpu.memory_space<vmem>>) target_semaphore(%arg15 : memref<!tpu.dma_semaphore, #tpu.memory_space<semaphore_mem>>)
    %add3A_66 = arith.constant 0 : i32
    %add3A_67 = arith.addi %add3A, %add3A_66 : i32
    %min3A_68 = arith.constant 2499 : i32
    %min3A_69 = arith.minsi %add3A_67, %min3A_68 : i32
    %lt3A_70 = arith.constant 2500 : i32
    %lt3A_71 = arith.cmpi slt, %add3A_67, %lt3A_70 : i32
    %dma_wait3A = arith.constant 0 : i32
    %dma_wait3A_72 = arith.constant 0 : i32
    %dma_wait3A_73 = tpu.memref_slice %arg3[%min3A_69, %dma_wait3A, %dma_wait3A_72] : memref<2500x2x128xi32, #tpu.memory_space<hbm>> -> memref<1x2x128xi32, #tpu.memory_space<hbm>>
    %dma_wait3A_74 = tpu.memref_squeeze %dma_wait3A_73 : memref<1x2x128xi32, #tpu.memory_space<hbm>> -> memref<2x128xi32, #tpu.memory_space<hbm>>
    %dma_wait3A_75 = arith.constant 0 : i32
    %dma_wait3A_76 = arith.constant 0 : i32
    %dma_wait3A_77 = tpu.memref_slice %arg3[%min3A_69, %dma_wait3A_75, %dma_wait3A_76] : memref<2500x2x128xi32, #tpu.memory_space<hbm>> -> memref<1x2x128xi32, #tpu.memory_space<hbm>>
    %dma_wait3A_78 = tpu.memref_squeeze %dma_wait3A_77 : memref<1x2x128xi32, #tpu.memory_space<hbm>> -> memref<2x128xi32, #tpu.memory_space<hbm>>
    tpu.wait_dma2 semaphore(%arg12 : memref<!tpu.dma_semaphore, #tpu.memory_space<semaphore_mem>>) src(%dma_wait3A_78 : memref<2x128xi32, #tpu.memory_space<hbm>>) dst(%arg5 : memref<2x128xi32, #tpu.memory_space<vmem>>)
    %dma_start3A_79 = arith.constant 0 : i32
    %dma_start3A_80 = arith.constant 0 : i32
    %dma_start3A_81 = tpu.memref_slice %arg5[%dma_start3A_79, %dma_start3A_80] : memref<2x128xi32, #tpu.memory_space<vmem>> -> memref<1x128xi32, #tpu.memory_space<vmem>>
    %dma_start3A_82 = tpu.memref_squeeze %dma_start3A_81 : memref<1x128xi32, #tpu.memory_space<vmem>> -> memref<128xi32, #tpu.memory_space<vmem>>
    %dma_start3A_83 = arith.constant 0 : i32
    %dma_start3A_84 = arith.constant 0 : i32
    %dma_start3A_85 = tpu.memref_slice %arg2[%dma_start3A_83, %dma_start3A_84] : memref<10000x128xf32, #tpu.memory_space<hbm>> -> memref<10000x128xf32, #tpu.memory_space<hbm>>
    tpu.enqueue_indirect_dma source(%dma_start3A_85 : memref<10000x128xf32, #tpu.memory_space<hbm>>) target(%arg9 : memref<128x128xf32, #tpu.memory_space<vmem>>) offsets(%dma_start3A_82 : memref<128xi32, #tpu.memory_space<vmem>>) semaphore(%arg16 : memref<!tpu.dma_semaphore, #tpu.memory_space<semaphore_mem>>)
    %scan3A_86 = arith.constant 0 : i32
    %scan3A_87 = arith.constant 0 : i32
    %scan3A_88 = arith.constant 20 : i32
    %scan3A_89 = arith.addi %scan3A_87, %scan3A_88 : i32
    %scan3A_90 = arith.constant 1 : i32
    scf.for %scan3A_148 = %scan3A_87 to %scan3A_89 step %scan3A_90  : i32 {
      %mul3A_149 = arith.constant 4 : i32
      %mul3A_150 = arith.muli %mul3A_149, %scan3A_148 : i32
      %add3A_151 = arith.constant 1 : i32
      %add3A_152 = arith.addi %mul3A_150, %add3A_151 : i32
      %mul3A_153 = arith.constant 32 : i32
      %mul3A_154 = arith.muli %mul3A_153, %add3A_152 : i32
      %add3A_155 = arith.addi %add3A, %mul3A_154 : i32
      %min3A_156 = arith.constant 2499 : i32
      %min3A_157 = arith.minsi %add3A_155, %min3A_156 : i32
      %lt3A_158 = arith.constant 2500 : i32
      %lt3A_159 = arith.cmpi slt, %add3A_155, %lt3A_158 : i32
      %dma_wait3A_160 = arith.constant 0 : i32
      %dma_wait3A_161 = arith.constant 0 : i32
      %dma_wait3A_162 = tpu.memref_slice %arg3[%min3A_157, %dma_wait3A_160, %dma_wait3A_161] : memref<2500x2x128xi32, #tpu.memory_space<hbm>> -> memref<1x2x128xi32, #tpu.memory_space<hbm>>
      %dma_wait3A_163 = tpu.memref_squeeze %dma_wait3A_162 : memref<1x2x128xi32, #tpu.memory_space<hbm>> -> memref<2x128xi32, #tpu.memory_space<hbm>>
      %dma_wait3A_164 = arith.constant 0 : i32
      %dma_wait3A_165 = arith.constant 0 : i32
      %dma_wait3A_166 = tpu.memref_slice %arg3[%min3A_157, %dma_wait3A_164, %dma_wait3A_165] : memref<2500x2x128xi32, #tpu.memory_space<hbm>> -> memref<1x2x128xi32, #tpu.memory_space<hbm>>
      %dma_wait3A_167 = tpu.memref_squeeze %dma_wait3A_166 : memref<1x2x128xi32, #tpu.memory_space<hbm>> -> memref<2x128xi32, #tpu.memory_space<hbm>>
      tpu.wait_dma2 semaphore(%arg13 : memref<!tpu.dma_semaphore, #tpu.memory_space<semaphore_mem>>) src(%dma_wait3A_167 : memref<2x128xi32, #tpu.memory_space<hbm>>) dst(%arg6 : memref<2x128xi32, #tpu.memory_space<vmem>>)
      %dma_start3A_168 = arith.constant 0 : i32
      %dma_start3A_169 = arith.constant 0 : i32
      %dma_start3A_170 = tpu.memref_slice %arg6[%dma_start3A_168, %dma_start3A_169] : memref<2x128xi32, #tpu.memory_space<vmem>> -> memref<1x128xi32, #tpu.memory_space<vmem>>
      %dma_start3A_171 = tpu.memref_squeeze %dma_start3A_170 : memref<1x128xi32, #tpu.memory_space<vmem>> -> memref<128xi32, #tpu.memory_space<vmem>>
      %dma_start3A_172 = arith.constant 0 : i32
      %dma_start3A_173 = arith.constant 0 : i32
      %dma_start3A_174 = tpu.memref_slice %arg2[%dma_start3A_172, %dma_start3A_173] : memref<10000x128xf32, #tpu.memory_space<hbm>> -> memref<10000x128xf32, #tpu.memory_space<hbm>>
      tpu.enqueue_indirect_dma source(%dma_start3A_174 : memref<10000x128xf32, #tpu.memory_space<hbm>>) target(%arg10 : memref<128x128xf32, #tpu.memory_space<vmem>>) offsets(%dma_start3A_171 : memref<128xi32, #tpu.memory_space<vmem>>) semaphore(%arg17 : memref<!tpu.dma_semaphore, #tpu.memory_space<semaphore_mem>>)
      %dma_wait3A_175 = arith.constant 0 : i32
      %dma_wait3A_176 = arith.constant 0 : i32
      %dma_wait3A_177 = tpu.memref_slice %arg5[%dma_wait3A_175, %dma_wait3A_176] : memref<2x128xi32, #tpu.memory_space<vmem>> -> memref<1x128xi32, #tpu.memory_space<vmem>>
      %dma_wait3A_178 = tpu.memref_squeeze %dma_wait3A_177 : memref<1x128xi32, #tpu.memory_space<vmem>> -> memref<128xi32, #tpu.memory_space<vmem>>
      %dma_wait3A_179 = arith.constant 0 : i32
      %dma_wait3A_180 = arith.constant 0 : i32
      %dma_wait3A_181 = tpu.memref_slice %arg2[%dma_wait3A_179, %dma_wait3A_180] : memref<10000x128xf32, #tpu.memory_space<hbm>> -> memref<10000x128xf32, #tpu.memory_space<hbm>>
      tpu.wait_indirect_dma semaphore(%arg16 : memref<!tpu.dma_semaphore, #tpu.memory_space<semaphore_mem>>) src(%dma_wait3A_181 : memref<10000x128xf32, #tpu.memory_space<hbm>>) dst(%arg9 : memref<128x128xf32, #tpu.memory_space<vmem>>)
      %mul3A_182 = arith.constant 32 : i32
      %mul3A_183 = arith.muli %mul3A_182, %mul3A_150 : i32
      %add3A_184 = arith.addi %add3A, %mul3A_183 : i32
      %min3A_185 = arith.constant 2499 : i32
      %min3A_186 = arith.minsi %add3A_184, %min3A_185 : i32
      %lt3A_187 = arith.constant 2500 : i32
      %lt3A_188 = arith.cmpi slt, %add3A_184, %lt3A_187 : i32
      %convert_element_type3A = arith.extui %lt3A_188 : i1 to i32
      %cond3A = arith.constant 0 : i32
      %cond3A_189 = arith.cmpi ne, %convert_element_type3A, %cond3A : i32
      scf.if %cond3A_189 {
        %run_scoped3A = arith.constant 1 : i32
        "tpu.region"() ({
          %run_scoped3A_387 = tpu.sem_alloc : memref<!tpu.dma_semaphore, #tpu.memory_space<semaphore_mem>>
          %dma_start3A_388 = arith.constant 0 : i32
          %dma_start3A_389 = tpu.memref_slice %arg5[%run_scoped3A, %dma_start3A_388] : memref<2x128xi32, #tpu.memory_space<vmem>> -> memref<1x128xi32, #tpu.memory_space<vmem>>
          %dma_start3A_390 = tpu.memref_squeeze %dma_start3A_389 : memref<1x128xi32, #tpu.memory_space<vmem>> -> memref<128xi32, #tpu.memory_space<vmem>>
          %dma_start3A_391 = arith.constant 0 : i32
          %dma_start3A_392 = arith.constant 0 : i32
          %dma_start3A_393 = tpu.memref_slice %arg11[%dma_start3A_391, %dma_start3A_392] : memref<10000x128xf32, #tpu.memory_space<vmem_shared>> -> memref<10000x128xf32, #tpu.memory_space<vmem_shared>>
          tpu.enqueue_indirect_dma source(%arg9 : memref<128x128xf32, #tpu.memory_space<vmem>>) target(%dma_start3A_393 : memref<10000x128xf32, #tpu.memory_space<vmem_shared>>) offsets(%dma_start3A_390 : memref<128xi32, #tpu.memory_space<vmem>>) semaphore(%run_scoped3A_387 : memref<!tpu.dma_semaphore, #tpu.memory_space<semaphore_mem>>) {add = true}
          %dma_wait3A_394 = arith.constant 0 : i32
          %dma_wait3A_395 = tpu.memref_slice %arg5[%run_scoped3A, %dma_wait3A_394] : memref<2x128xi32, #tpu.memory_space<vmem>> -> memref<1x128xi32, #tpu.memory_space<vmem>>
          %dma_wait3A_396 = tpu.memref_squeeze %dma_wait3A_395 : memref<1x128xi32, #tpu.memory_space<vmem>> -> memref<128xi32, #tpu.memory_space<vmem>>
          %dma_wait3A_397 = arith.constant 0 : i32
          %dma_wait3A_398 = arith.constant 0 : i32
          %dma_wait3A_399 = tpu.memref_slice %arg11[%dma_wait3A_397, %dma_wait3A_398] : memref<10000x128xf32, #tpu.memory_space<vmem_shared>> -> memref<10000x128xf32, #tpu.memory_space<vmem_shared>>
          tpu.wait_indirect_dma semaphore(%run_scoped3A_387 : memref<!tpu.dma_semaphore, #tpu.memory_space<semaphore_mem>>) src(%arg9 : memref<128x128xf32, #tpu.memory_space<vmem>>) dst(%dma_wait3A_399 : memref<10000x128xf32, #tpu.memory_space<vmem_shared>>)
          tpu.yield
        }) : () -> ()
      } else {
      }
      %add3A_190 = arith.constant 4 : i32
      %add3A_191 = arith.addi %mul3A_150, %add3A_190 : i32
      %mul3A_192 = arith.constant 32 : i32
      %mul3A_193 = arith.muli %mul3A_192, %add3A_191 : i32
      %add3A_194 = arith.addi %add3A, %mul3A_193 : i32
      %min3A_195 = arith.constant 2499 : i32
      %min3A_196 = arith.minsi %add3A_194, %min3A_195 : i32
      %lt3A_197 = arith.constant 2500 : i32
      %lt3A_198 = arith.cmpi slt, %add3A_194, %lt3A_197 : i32
      %dma_start3A_199 = arith.constant 0 : i32
      %dma_start3A_200 = arith.constant 0 : i32
      %dma_start3A_201 = tpu.memref_slice %arg3[%min3A_196, %dma_start3A_199, %dma_start3A_200] : memref<2500x2x128xi32, #tpu.memory_space<hbm>> -> memref<1x2x128xi32, #tpu.memory_space<hbm>>
      %dma_start3A_202 = tpu.memref_squeeze %dma_start3A_201 : memref<1x2x128xi32, #tpu.memory_space<hbm>> -> memref<2x128xi32, #tpu.memory_space<hbm>>
      %dma_start3A_203 = arith.constant 0 : i32
      %dma_start3A_204 = arith.constant 0 : i32
      %dma_start3A_205 = tpu.memref_slice %arg3[%min3A_196, %dma_start3A_203, %dma_start3A_204] : memref<2500x2x128xi32, #tpu.memory_space<hbm>> -> memref<1x2x128xi32, #tpu.memory_space<hbm>>
      %dma_start3A_206 = tpu.memref_squeeze %dma_start3A_205 : memref<1x2x128xi32, #tpu.memory_space<hbm>> -> memref<2x128xi32, #tpu.memory_space<hbm>>
      tpu.enqueue_dma source(%dma_start3A_206 : memref<2x128xi32, #tpu.memory_space<hbm>>) target(%arg5 : memref<2x128xi32, #tpu.memory_space<vmem>>) target_semaphore(%arg12 : memref<!tpu.dma_semaphore, #tpu.memory_space<semaphore_mem>>)
      %add3A_207 = arith.constant 2 : i32
      %add3A_208 = arith.addi %mul3A_150, %add3A_207 : i32
      %mul3A_209 = arith.constant 32 : i32
      %mul3A_210 = arith.muli %mul3A_209, %add3A_208 : i32
      %add3A_211 = arith.addi %add3A, %mul3A_210 : i32
      %min3A_212 = arith.constant 2499 : i32
      %min3A_213 = arith.minsi %add3A_211, %min3A_212 : i32
      %lt3A_214 = arith.constant 2500 : i32
      %lt3A_215 = arith.cmpi slt, %add3A_211, %lt3A_214 : i32
      %dma_wait3A_216 = arith.constant 0 : i32
      %dma_wait3A_217 = arith.constant 0 : i32
      %dma_wait3A_218 = tpu.memref_slice %arg3[%min3A_213, %dma_wait3A_216, %dma_wait3A_217] : memref<2500x2x128xi32, #tpu.memory_space<hbm>> -> memref<1x2x128xi32, #tpu.memory_space<hbm>>
      %dma_wait3A_219 = tpu.memref_squeeze %dma_wait3A_218 : memref<1x2x128xi32, #tpu.memory_space<hbm>> -> memref<2x128xi32, #tpu.memory_space<hbm>>
      %dma_wait3A_220 = arith.constant 0 : i32
      %dma_wait3A_221 = arith.constant 0 : i32
      %dma_wait3A_222 = tpu.memref_slice %arg3[%min3A_213, %dma_wait3A_220, %dma_wait3A_221] : memref<2500x2x128xi32, #tpu.memory_space<hbm>> -> memref<1x2x128xi32, #tpu.memory_space<hbm>>
      %dma_wait3A_223 = tpu.memref_squeeze %dma_wait3A_222 : memref<1x2x128xi32, #tpu.memory_space<hbm>> -> memref<2x128xi32, #tpu.memory_space<hbm>>
      tpu.wait_dma2 semaphore(%arg14 : memref<!tpu.dma_semaphore, #tpu.memory_space<semaphore_mem>>) src(%dma_wait3A_223 : memref<2x128xi32, #tpu.memory_space<hbm>>) dst(%arg7 : memref<2x128xi32, #tpu.memory_space<vmem>>)
      %dma_start3A_224 = arith.constant 0 : i32
      %dma_start3A_225 = arith.constant 0 : i32
      %dma_start3A_226 = tpu.memref_slice %arg7[%dma_start3A_224, %dma_start3A_225] : memref<2x128xi32, #tpu.memory_space<vmem>> -> memref<1x128xi32, #tpu.memory_space<vmem>>
      %dma_start3A_227 = tpu.memref_squeeze %dma_start3A_226 : memref<1x128xi32, #tpu.memory_space<vmem>> -> memref<128xi32, #tpu.memory_space<vmem>>
      %dma_start3A_228 = arith.constant 0 : i32
      %dma_start3A_229 = arith.constant 0 : i32
      %dma_start3A_230 = tpu.memref_slice %arg2[%dma_start3A_228, %dma_start3A_229] : memref<10000x128xf32, #tpu.memory_space<hbm>> -> memref<10000x128xf32, #tpu.memory_space<hbm>>
      tpu.enqueue_indirect_dma source(%dma_start3A_230 : memref<10000x128xf32, #tpu.memory_space<hbm>>) target(%arg9 : memref<128x128xf32, #tpu.memory_space<vmem>>) offsets(%dma_start3A_227 : memref<128xi32, #tpu.memory_space<vmem>>) semaphore(%arg16 : memref<!tpu.dma_semaphore, #tpu.memory_space<semaphore_mem>>)
      %dma_wait3A_231 = arith.constant 0 : i32
      %dma_wait3A_232 = arith.constant 0 : i32
      %dma_wait3A_233 = tpu.memref_slice %arg6[%dma_wait3A_231, %dma_wait3A_232] : memref<2x128xi32, #tpu.memory_space<vmem>> -> memref<1x128xi32, #tpu.memory_space<vmem>>
      %dma_wait3A_234 = tpu.memref_squeeze %dma_wait3A_233 : memref<1x128xi32, #tpu.memory_space<vmem>> -> memref<128xi32, #tpu.memory_space<vmem>>
      %dma_wait3A_235 = arith.constant 0 : i32
      %dma_wait3A_236 = arith.constant 0 : i32
      %dma_wait3A_237 = tpu.memref_slice %arg2[%dma_wait3A_235, %dma_wait3A_236] : memref<10000x128xf32, #tpu.memory_space<hbm>> -> memref<10000x128xf32, #tpu.memory_space<hbm>>
      tpu.wait_indirect_dma semaphore(%arg17 : memref<!tpu.dma_semaphore, #tpu.memory_space<semaphore_mem>>) src(%dma_wait3A_237 : memref<10000x128xf32, #tpu.memory_space<hbm>>) dst(%arg10 : memref<128x128xf32, #tpu.memory_space<vmem>>)
      %add3A_238 = arith.constant 1 : i32
      %add3A_239 = arith.addi %mul3A_150, %add3A_238 : i32
      %mul3A_240 = arith.constant 32 : i32
      %mul3A_241 = arith.muli %mul3A_240, %add3A_239 : i32
      %add3A_242 = arith.addi %add3A, %mul3A_241 : i32
      %min3A_243 = arith.constant 2499 : i32
      %min3A_244 = arith.minsi %add3A_242, %min3A_243 : i32
      %lt3A_245 = arith.constant 2500 : i32
      %lt3A_246 = arith.cmpi slt, %add3A_242, %lt3A_245 : i32
      %convert_element_type3A_247 = arith.extui %lt3A_246 : i1 to i32
      %cond3A_248 = arith.constant 0 : i32
      %cond3A_249 = arith.cmpi ne, %convert_element_type3A_247, %cond3A_248 : i32
      scf.if %cond3A_249 {
        %run_scoped3A = arith.constant 1 : i32
        "tpu.region"() ({
          %run_scoped3A_387 = tpu.sem_alloc : memref<!tpu.dma_semaphore, #tpu.memory_space<semaphore_mem>>
          %dma_start3A_388 = arith.constant 0 : i32
          %dma_start3A_389 = tpu.memref_slice %arg6[%run_scoped3A, %dma_start3A_388] : memref<2x128xi32, #tpu.memory_space<vmem>> -> memref<1x128xi32, #tpu.memory_space<vmem>>
          %dma_start3A_390 = tpu.memref_squeeze %dma_start3A_389 : memref<1x128xi32, #tpu.memory_space<vmem>> -> memref<128xi32, #tpu.memory_space<vmem>>
          %dma_start3A_391 = arith.constant 0 : i32
          %dma_start3A_392 = arith.constant 0 : i32
          %dma_start3A_393 = tpu.memref_slice %arg11[%dma_start3A_391, %dma_start3A_392] : memref<10000x128xf32, #tpu.memory_space<vmem_shared>> -> memref<10000x128xf32, #tpu.memory_space<vmem_shared>>
          tpu.enqueue_indirect_dma source(%arg10 : memref<128x128xf32, #tpu.memory_space<vmem>>) target(%dma_start3A_393 : memref<10000x128xf32, #tpu.memory_space<vmem_shared>>) offsets(%dma_start3A_390 : memref<128xi32, #tpu.memory_space<vmem>>) semaphore(%run_scoped3A_387 : memref<!tpu.dma_semaphore, #tpu.memory_space<semaphore_mem>>) {add = true}
          %dma_wait3A_394 = arith.constant 0 : i32
          %dma_wait3A_395 = tpu.memref_slice %arg6[%run_scoped3A, %dma_wait3A_394] : memref<2x128xi32, #tpu.memory_space<vmem>> -> memref<1x128xi32, #tpu.memory_space<vmem>>
          %dma_wait3A_396 = tpu.memref_squeeze %dma_wait3A_395 : memref<1x128xi32, #tpu.memory_space<vmem>> -> memref<128xi32, #tpu.memory_space<vmem>>
          %dma_wait3A_397 = arith.constant 0 : i32
          %dma_wait3A_398 = arith.constant 0 : i32
          %dma_wait3A_399 = tpu.memref_slice %arg11[%dma_wait3A_397, %dma_wait3A_398] : memref<10000x128xf32, #tpu.memory_space<vmem_shared>> -> memref<10000x128xf32, #tpu.memory_space<vmem_shared>>
          tpu.wait_indirect_dma semaphore(%run_scoped3A_387 : memref<!tpu.dma_semaphore, #tpu.memory_space<semaphore_mem>>) src(%arg10 : memref<128x128xf32, #tpu.memory_space<vmem>>) dst(%dma_wait3A_399 : memref<10000x128xf32, #tpu.memory_space<vmem_shared>>)
          tpu.yield
        }) : () -> ()
      } else {
      }
      %add3A_250 = arith.constant 5 : i32
      %add3A_251 = arith.addi %mul3A_150, %add3A_250 : i32
      %mul3A_252 = arith.constant 32 : i32
      %mul3A_253 = arith.muli %mul3A_252, %add3A_251 : i32
      %add3A_254 = arith.addi %add3A, %mul3A_253 : i32
      %min3A_255 = arith.constant 2499 : i32
      %min3A_256 = arith.minsi %add3A_254, %min3A_255 : i32
      %lt3A_257 = arith.constant 2500 : i32
      %lt3A_258 = arith.cmpi slt, %add3A_254, %lt3A_257 : i32
      %dma_start3A_259 = arith.constant 0 : i32
      %dma_start3A_260 = arith.constant 0 : i32
      %dma_start3A_261 = tpu.memref_slice %arg3[%min3A_256, %dma_start3A_259, %dma_start3A_260] : memref<2500x2x128xi32, #tpu.memory_space<hbm>> -> memref<1x2x128xi32, #tpu.memory_space<hbm>>
      %dma_start3A_262 = tpu.memref_squeeze %dma_start3A_261 : memref<1x2x128xi32, #tpu.memory_space<hbm>> -> memref<2x128xi32, #tpu.memory_space<hbm>>
      %dma_start3A_263 = arith.constant 0 : i32
      %dma_start3A_264 = arith.constant 0 : i32
      %dma_start3A_265 = tpu.memref_slice %arg3[%min3A_256, %dma_start3A_263, %dma_start3A_264] : memref<2500x2x128xi32, #tpu.memory_space<hbm>> -> memref<1x2x128xi32, #tpu.memory_space<hbm>>
      %dma_start3A_266 = tpu.memref_squeeze %dma_start3A_265 : memref<1x2x128xi32, #tpu.memory_space<hbm>> -> memref<2x128xi32, #tpu.memory_space<hbm>>
      tpu.enqueue_dma source(%dma_start3A_266 : memref<2x128xi32, #tpu.memory_space<hbm>>) target(%arg6 : memref<2x128xi32, #tpu.memory_space<vmem>>) target_semaphore(%arg13 : memref<!tpu.dma_semaphore, #tpu.memory_space<semaphore_mem>>)
      %add3A_267 = arith.constant 3 : i32
      %add3A_268 = arith.addi %mul3A_150, %add3A_267 : i32
      %mul3A_269 = arith.constant 32 : i32
      %mul3A_270 = arith.muli %mul3A_269, %add3A_268 : i32
      %add3A_271 = arith.addi %add3A, %mul3A_270 : i32
      %min3A_272 = arith.constant 2499 : i32
      %min3A_273 = arith.minsi %add3A_271, %min3A_272 : i32
      %lt3A_274 = arith.constant 2500 : i32
      %lt3A_275 = arith.cmpi slt, %add3A_271, %lt3A_274 : i32
      %dma_wait3A_276 = arith.constant 0 : i32
      %dma_wait3A_277 = arith.constant 0 : i32
      %dma_wait3A_278 = tpu.memref_slice %arg3[%min3A_273, %dma_wait3A_276, %dma_wait3A_277] : memref<2500x2x128xi32, #tpu.memory_space<hbm>> -> memref<1x2x128xi32, #tpu.memory_space<hbm>>
      %dma_wait3A_279 = tpu.memref_squeeze %dma_wait3A_278 : memref<1x2x128xi32, #tpu.memory_space<hbm>> -> memref<2x128xi32, #tpu.memory_space<hbm>>
      %dma_wait3A_280 = arith.constant 0 : i32
      %dma_wait3A_281 = arith.constant 0 : i32
      %dma_wait3A_282 = tpu.memref_slice %arg3[%min3A_273, %dma_wait3A_280, %dma_wait3A_281] : memref<2500x2x128xi32, #tpu.memory_space<hbm>> -> memref<1x2x128xi32, #tpu.memory_space<hbm>>
      %dma_wait3A_283 = tpu.memref_squeeze %dma_wait3A_282 : memref<1x2x128xi32, #tpu.memory_space<hbm>> -> memref<2x128xi32, #tpu.memory_space<hbm>>
      tpu.wait_dma2 semaphore(%arg15 : memref<!tpu.dma_semaphore, #tpu.memory_space<semaphore_mem>>) src(%dma_wait3A_283 : memref<2x128xi32, #tpu.memory_space<hbm>>) dst(%arg8 : memref<2x128xi32, #tpu.memory_space<vmem>>)
      %dma_start3A_284 = arith.constant 0 : i32
      %dma_start3A_285 = arith.constant 0 : i32
      %dma_start3A_286 = tpu.memref_slice %arg8[%dma_start3A_284, %dma_start3A_285] : memref<2x128xi32, #tpu.memory_space<vmem>> -> memref<1x128xi32, #tpu.memory_space<vmem>>
      %dma_start3A_287 = tpu.memref_squeeze %dma_start3A_286 : memref<1x128xi32, #tpu.memory_space<vmem>> -> memref<128xi32, #tpu.memory_space<vmem>>
      %dma_start3A_288 = arith.constant 0 : i32
      %dma_start3A_289 = arith.constant 0 : i32
      %dma_start3A_290 = tpu.memref_slice %arg2[%dma_start3A_288, %dma_start3A_289] : memref<10000x128xf32, #tpu.memory_space<hbm>> -> memref<10000x128xf32, #tpu.memory_space<hbm>>
      tpu.enqueue_indirect_dma source(%dma_start3A_290 : memref<10000x128xf32, #tpu.memory_space<hbm>>) target(%arg10 : memref<128x128xf32, #tpu.memory_space<vmem>>) offsets(%dma_start3A_287 : memref<128xi32, #tpu.memory_space<vmem>>) semaphore(%arg17 : memref<!tpu.dma_semaphore, #tpu.memory_space<semaphore_mem>>)
      %dma_wait3A_291 = arith.constant 0 : i32
      %dma_wait3A_292 = arith.constant 0 : i32
      %dma_wait3A_293 = tpu.memref_slice %arg7[%dma_wait3A_291, %dma_wait3A_292] : memref<2x128xi32, #tpu.memory_space<vmem>> -> memref<1x128xi32, #tpu.memory_space<vmem>>
      %dma_wait3A_294 = tpu.memref_squeeze %dma_wait3A_293 : memref<1x128xi32, #tpu.memory_space<vmem>> -> memref<128xi32, #tpu.memory_space<vmem>>
      %dma_wait3A_295 = arith.constant 0 : i32
      %dma_wait3A_296 = arith.constant 0 : i32
      %dma_wait3A_297 = tpu.memref_slice %arg2[%dma_wait3A_295, %dma_wait3A_296] : memref<10000x128xf32, #tpu.memory_space<hbm>> -> memref<10000x128xf32, #tpu.memory_space<hbm>>
      tpu.wait_indirect_dma semaphore(%arg16 : memref<!tpu.dma_semaphore, #tpu.memory_space<semaphore_mem>>) src(%dma_wait3A_297 : memref<10000x128xf32, #tpu.memory_space<hbm>>) dst(%arg9 : memref<128x128xf32, #tpu.memory_space<vmem>>)
      %add3A_298 = arith.constant 2 : i32
      %add3A_299 = arith.addi %mul3A_150, %add3A_298 : i32
      %mul3A_300 = arith.constant 32 : i32
      %mul3A_301 = arith.muli %mul3A_300, %add3A_299 : i32
      %add3A_302 = arith.addi %add3A, %mul3A_301 : i32
      %min3A_303 = arith.constant 2499 : i32
      %min3A_304 = arith.minsi %add3A_302, %min3A_303 : i32
      %lt3A_305 = arith.constant 2500 : i32
      %lt3A_306 = arith.cmpi slt, %add3A_302, %lt3A_305 : i32
      %convert_element_type3A_307 = arith.extui %lt3A_306 : i1 to i32
      %cond3A_308 = arith.constant 0 : i32
      %cond3A_309 = arith.cmpi ne, %convert_element_type3A_307, %cond3A_308 : i32
      scf.if %cond3A_309 {
        %run_scoped3A = arith.constant 1 : i32
        "tpu.region"() ({
          %run_scoped3A_387 = tpu.sem_alloc : memref<!tpu.dma_semaphore, #tpu.memory_space<semaphore_mem>>
          %dma_start3A_388 = arith.constant 0 : i32
          %dma_start3A_389 = tpu.memref_slice %arg7[%run_scoped3A, %dma_start3A_388] : memref<2x128xi32, #tpu.memory_space<vmem>> -> memref<1x128xi32, #tpu.memory_space<vmem>>
          %dma_start3A_390 = tpu.memref_squeeze %dma_start3A_389 : memref<1x128xi32, #tpu.memory_space<vmem>> -> memref<128xi32, #tpu.memory_space<vmem>>
          %dma_start3A_391 = arith.constant 0 : i32
          %dma_start3A_392 = arith.constant 0 : i32
          %dma_start3A_393 = tpu.memref_slice %arg11[%dma_start3A_391, %dma_start3A_392] : memref<10000x128xf32, #tpu.memory_space<vmem_shared>> -> memref<10000x128xf32, #tpu.memory_space<vmem_shared>>
          tpu.enqueue_indirect_dma source(%arg9 : memref<128x128xf32, #tpu.memory_space<vmem>>) target(%dma_start3A_393 : memref<10000x128xf32, #tpu.memory_space<vmem_shared>>) offsets(%dma_start3A_390 : memref<128xi32, #tpu.memory_space<vmem>>) semaphore(%run_scoped3A_387 : memref<!tpu.dma_semaphore, #tpu.memory_space<semaphore_mem>>) {add = true}
          %dma_wait3A_394 = arith.constant 0 : i32
          %dma_wait3A_395 = tpu.memref_slice %arg7[%run_scoped3A, %dma_wait3A_394] : memref<2x128xi32, #tpu.memory_space<vmem>> -> memref<1x128xi32, #tpu.memory_space<vmem>>
          %dma_wait3A_396 = tpu.memref_squeeze %dma_wait3A_395 : memref<1x128xi32, #tpu.memory_space<vmem>> -> memref<128xi32, #tpu.memory_space<vmem>>
          %dma_wait3A_397 = arith.constant 0 : i32
          %dma_wait3A_398 = arith.constant 0 : i32
          %dma_wait3A_399 = tpu.memref_slice %arg11[%dma_wait3A_397, %dma_wait3A_398] : memref<10000x128xf32, #tpu.memory_space<vmem_shared>> -> memref<10000x128xf32, #tpu.memory_space<vmem_shared>>
          tpu.wait_indirect_dma semaphore(%run_scoped3A_387 : memref<!tpu.dma_semaphore, #tpu.memory_space<semaphore_mem>>) src(%arg9 : memref<128x128xf32, #tpu.memory_space<vmem>>) dst(%dma_wait3A_399 : memref<10000x128xf32, #tpu.memory_space<vmem_shared>>)
          tpu.yield
        }) : () -> ()
      } else {
      }
      %add3A_310 = arith.constant 6 : i32
      %add3A_311 = arith.addi %mul3A_150, %add3A_310 : i32
      %mul3A_312 = arith.constant 32 : i32
      %mul3A_313 = arith.muli %mul3A_312, %add3A_311 : i32
      %add3A_314 = arith.addi %add3A, %mul3A_313 : i32
      %min3A_315 = arith.constant 2499 : i32
      %min3A_316 = arith.minsi %add3A_314, %min3A_315 : i32
      %lt3A_317 = arith.constant 2500 : i32
      %lt3A_318 = arith.cmpi slt, %add3A_314, %lt3A_317 : i32
      %dma_start3A_319 = arith.constant 0 : i32
      %dma_start3A_320 = arith.constant 0 : i32
      %dma_start3A_321 = tpu.memref_slice %arg3[%min3A_316, %dma_start3A_319, %dma_start3A_320] : memref<2500x2x128xi32, #tpu.memory_space<hbm>> -> memref<1x2x128xi32, #tpu.memory_space<hbm>>
      %dma_start3A_322 = tpu.memref_squeeze %dma_start3A_321 : memref<1x2x128xi32, #tpu.memory_space<hbm>> -> memref<2x128xi32, #tpu.memory_space<hbm>>
      %dma_start3A_323 = arith.constant 0 : i32
      %dma_start3A_324 = arith.constant 0 : i32
      %dma_start3A_325 = tpu.memref_slice %arg3[%min3A_316, %dma_start3A_323, %dma_start3A_324] : memref<2500x2x128xi32, #tpu.memory_space<hbm>> -> memref<1x2x128xi32, #tpu.memory_space<hbm>>
      %dma_start3A_326 = tpu.memref_squeeze %dma_start3A_325 : memref<1x2x128xi32, #tpu.memory_space<hbm>> -> memref<2x128xi32, #tpu.memory_space<hbm>>
      tpu.enqueue_dma source(%dma_start3A_326 : memref<2x128xi32, #tpu.memory_space<hbm>>) target(%arg7 : memref<2x128xi32, #tpu.memory_space<vmem>>) target_semaphore(%arg14 : memref<!tpu.dma_semaphore, #tpu.memory_space<semaphore_mem>>)
      %dma_wait3A_327 = arith.constant 0 : i32
      %dma_wait3A_328 = arith.constant 0 : i32
      %dma_wait3A_329 = tpu.memref_slice %arg8[%dma_wait3A_327, %dma_wait3A_328] : memref<2x128xi32, #tpu.memory_space<vmem>> -> memref<1x128xi32, #tpu.memory_space<vmem>>
      %dma_wait3A_330 = tpu.memref_squeeze %dma_wait3A_329 : memref<1x128xi32, #tpu.memory_space<vmem>> -> memref<128xi32, #tpu.memory_space<vmem>>
      %dma_wait3A_331 = arith.constant 0 : i32
      %dma_wait3A_332 = arith.constant 0 : i32
      %dma_wait3A_333 = tpu.memref_slice %arg2[%dma_wait3A_331, %dma_wait3A_332] : memref<10000x128xf32, #tpu.memory_space<hbm>> -> memref<10000x128xf32, #tpu.memory_space<hbm>>
      tpu.wait_indirect_dma semaphore(%arg17 : memref<!tpu.dma_semaphore, #tpu.memory_space<semaphore_mem>>) src(%dma_wait3A_333 : memref<10000x128xf32, #tpu.memory_space<hbm>>) dst(%arg10 : memref<128x128xf32, #tpu.memory_space<vmem>>)
      %add3A_334 = arith.constant 3 : i32
      %add3A_335 = arith.addi %mul3A_150, %add3A_334 : i32
      %mul3A_336 = arith.constant 32 : i32
      %mul3A_337 = arith.muli %mul3A_336, %add3A_335 : i32
      %add3A_338 = arith.addi %add3A, %mul3A_337 : i32
      %min3A_339 = arith.constant 2499 : i32
      %min3A_340 = arith.minsi %add3A_338, %min3A_339 : i32
      %lt3A_341 = arith.constant 2500 : i32
      %lt3A_342 = arith.cmpi slt, %add3A_338, %lt3A_341 : i32
      %convert_element_type3A_343 = arith.extui %lt3A_342 : i1 to i32
      %cond3A_344 = arith.constant 0 : i32
      %cond3A_345 = arith.cmpi ne, %convert_element_type3A_343, %cond3A_344 : i32
      scf.if %cond3A_345 {
        %run_scoped3A = arith.constant 1 : i32
        "tpu.region"() ({
          %run_scoped3A_387 = tpu.sem_alloc : memref<!tpu.dma_semaphore, #tpu.memory_space<semaphore_mem>>
          %dma_start3A_388 = arith.constant 0 : i32
          %dma_start3A_389 = tpu.memref_slice %arg8[%run_scoped3A, %dma_start3A_388] : memref<2x128xi32, #tpu.memory_space<vmem>> -> memref<1x128xi32, #tpu.memory_space<vmem>>
          %dma_start3A_390 = tpu.memref_squeeze %dma_start3A_389 : memref<1x128xi32, #tpu.memory_space<vmem>> -> memref<128xi32, #tpu.memory_space<vmem>>
          %dma_start3A_391 = arith.constant 0 : i32
          %dma_start3A_392 = arith.constant 0 : i32
          %dma_start3A_393 = tpu.memref_slice %arg11[%dma_start3A_391, %dma_start3A_392] : memref<10000x128xf32, #tpu.memory_space<vmem_shared>> -> memref<10000x128xf32, #tpu.memory_space<vmem_shared>>
          tpu.enqueue_indirect_dma source(%arg10 : memref<128x128xf32, #tpu.memory_space<vmem>>) target(%dma_start3A_393 : memref<10000x128xf32, #tpu.memory_space<vmem_shared>>) offsets(%dma_start3A_390 : memref<128xi32, #tpu.memory_space<vmem>>) semaphore(%run_scoped3A_387 : memref<!tpu.dma_semaphore, #tpu.memory_space<semaphore_mem>>) {add = true}
          %dma_wait3A_394 = arith.constant 0 : i32
          %dma_wait3A_395 = tpu.memref_slice %arg8[%run_scoped3A, %dma_wait3A_394] : memref<2x128xi32, #tpu.memory_space<vmem>> -> memref<1x128xi32, #tpu.memory_space<vmem>>
          %dma_wait3A_396 = tpu.memref_squeeze %dma_wait3A_395 : memref<1x128xi32, #tpu.memory_space<vmem>> -> memref<128xi32, #tpu.memory_space<vmem>>
          %dma_wait3A_397 = arith.constant 0 : i32
          %dma_wait3A_398 = arith.constant 0 : i32
          %dma_wait3A_399 = tpu.memref_slice %arg11[%dma_wait3A_397, %dma_wait3A_398] : memref<10000x128xf32, #tpu.memory_space<vmem_shared>> -> memref<10000x128xf32, #tpu.memory_space<vmem_shared>>
          tpu.wait_indirect_dma semaphore(%run_scoped3A_387 : memref<!tpu.dma_semaphore, #tpu.memory_space<semaphore_mem>>) src(%arg10 : memref<128x128xf32, #tpu.memory_space<vmem>>) dst(%dma_wait3A_399 : memref<10000x128xf32, #tpu.memory_space<vmem_shared>>)
          tpu.yield
        }) : () -> ()
      } else {
      }
      %add3A_346 = arith.constant 7 : i32
      %add3A_347 = arith.addi %mul3A_150, %add3A_346 : i32
      %mul3A_348 = arith.constant 32 : i32
      %mul3A_349 = arith.muli %mul3A_348, %add3A_347 : i32
      %add3A_350 = arith.addi %add3A, %mul3A_349 : i32
      %min3A_351 = arith.constant 2499 : i32
      %min3A_352 = arith.minsi %add3A_350, %min3A_351 : i32
      %lt3A_353 = arith.constant 2500 : i32
      %lt3A_354 = arith.cmpi slt, %add3A_350, %lt3A_353 : i32
      %dma_start3A_355 = arith.constant 0 : i32
      %dma_start3A_356 = arith.constant 0 : i32
      %dma_start3A_357 = tpu.memref_slice %arg3[%min3A_352, %dma_start3A_355, %dma_start3A_356] : memref<2500x2x128xi32, #tpu.memory_space<hbm>> -> memref<1x2x128xi32, #tpu.memory_space<hbm>>
      %dma_start3A_358 = tpu.memref_squeeze %dma_start3A_357 : memref<1x2x128xi32, #tpu.memory_space<hbm>> -> memref<2x128xi32, #tpu.memory_space<hbm>>
      %dma_start3A_359 = arith.constant 0 : i32
      %dma_start3A_360 = arith.constant 0 : i32
      %dma_start3A_361 = tpu.memref_slice %arg3[%min3A_352, %dma_start3A_359, %dma_start3A_360] : memref<2500x2x128xi32, #tpu.memory_space<hbm>> -> memref<1x2x128xi32, #tpu.memory_space<hbm>>
      %dma_start3A_362 = tpu.memref_squeeze %dma_start3A_361 : memref<1x2x128xi32, #tpu.memory_space<hbm>> -> memref<2x128xi32, #tpu.memory_space<hbm>>
      tpu.enqueue_dma source(%dma_start3A_362 : memref<2x128xi32, #tpu.memory_space<hbm>>) target(%arg8 : memref<2x128xi32, #tpu.memory_space<vmem>>) target_semaphore(%arg15 : memref<!tpu.dma_semaphore, #tpu.memory_space<semaphore_mem>>)
      %add3A_363 = arith.constant 4 : i32
      %add3A_364 = arith.addi %mul3A_150, %add3A_363 : i32
      %mul3A_365 = arith.constant 32 : i32
      %mul3A_366 = arith.muli %mul3A_365, %add3A_364 : i32
      %add3A_367 = arith.addi %add3A, %mul3A_366 : i32
      %min3A_368 = arith.constant 2499 : i32
      %min3A_369 = arith.minsi %add3A_367, %min3A_368 : i32
      %lt3A_370 = arith.constant 2500 : i32
      %lt3A_371 = arith.cmpi slt, %add3A_367, %lt3A_370 : i32
      %dma_wait3A_372 = arith.constant 0 : i32
      %dma_wait3A_373 = arith.constant 0 : i32
      %dma_wait3A_374 = tpu.memref_slice %arg3[%min3A_369, %dma_wait3A_372, %dma_wait3A_373] : memref<2500x2x128xi32, #tpu.memory_space<hbm>> -> memref<1x2x128xi32, #tpu.memory_space<hbm>>
      %dma_wait3A_375 = tpu.memref_squeeze %dma_wait3A_374 : memref<1x2x128xi32, #tpu.memory_space<hbm>> -> memref<2x128xi32, #tpu.memory_space<hbm>>
      %dma_wait3A_376 = arith.constant 0 : i32
      %dma_wait3A_377 = arith.constant 0 : i32
      %dma_wait3A_378 = tpu.memref_slice %arg3[%min3A_369, %dma_wait3A_376, %dma_wait3A_377] : memref<2500x2x128xi32, #tpu.memory_space<hbm>> -> memref<1x2x128xi32, #tpu.memory_space<hbm>>
      %dma_wait3A_379 = tpu.memref_squeeze %dma_wait3A_378 : memref<1x2x128xi32, #tpu.memory_space<hbm>> -> memref<2x128xi32, #tpu.memory_space<hbm>>
      tpu.wait_dma2 semaphore(%arg12 : memref<!tpu.dma_semaphore, #tpu.memory_space<semaphore_mem>>) src(%dma_wait3A_379 : memref<2x128xi32, #tpu.memory_space<hbm>>) dst(%arg5 : memref<2x128xi32, #tpu.memory_space<vmem>>)
      %dma_start3A_380 = arith.constant 0 : i32
      %dma_start3A_381 = arith.constant 0 : i32
      %dma_start3A_382 = tpu.memref_slice %arg5[%dma_start3A_380, %dma_start3A_381] : memref<2x128xi32, #tpu.memory_space<vmem>> -> memref<1x128xi32, #tpu.memory_space<vmem>>
      %dma_start3A_383 = tpu.memref_squeeze %dma_start3A_382 : memref<1x128xi32, #tpu.memory_space<vmem>> -> memref<128xi32, #tpu.memory_space<vmem>>
      %dma_start3A_384 = arith.constant 0 : i32
      %dma_start3A_385 = arith.constant 0 : i32
      %dma_start3A_386 = tpu.memref_slice %arg2[%dma_start3A_384, %dma_start3A_385] : memref<10000x128xf32, #tpu.memory_space<hbm>> -> memref<10000x128xf32, #tpu.memory_space<hbm>>
      tpu.enqueue_indirect_dma source(%dma_start3A_386 : memref<10000x128xf32, #tpu.memory_space<hbm>>) target(%arg9 : memref<128x128xf32, #tpu.memory_space<vmem>>) offsets(%dma_start3A_383 : memref<128xi32, #tpu.memory_space<vmem>>) semaphore(%arg16 : memref<!tpu.dma_semaphore, #tpu.memory_space<semaphore_mem>>)
    }
    %scan3A_91 = arith.constant 20 : i32
    %dma_wait3A_92 = arith.constant 0 : i32
    %dma_wait3A_93 = arith.constant 0 : i32
    %dma_wait3A_94 = tpu.memref_slice %arg5[%dma_wait3A_92, %dma_wait3A_93] : memref<2x128xi32, #tpu.memory_space<vmem>> -> memref<1x128xi32, #tpu.memory_space<vmem>>
    %dma_wait3A_95 = tpu.memref_squeeze %dma_wait3A_94 : memref<1x128xi32, #tpu.memory_space<vmem>> -> memref<128xi32, #tpu.memory_space<vmem>>
    %dma_wait3A_96 = arith.constant 0 : i32
    %dma_wait3A_97 = arith.constant 0 : i32
    %dma_wait3A_98 = tpu.memref_slice %arg2[%dma_wait3A_96, %dma_wait3A_97] : memref<10000x128xf32, #tpu.memory_space<hbm>> -> memref<10000x128xf32, #tpu.memory_space<hbm>>
    tpu.wait_indirect_dma semaphore(%arg16 : memref<!tpu.dma_semaphore, #tpu.memory_space<semaphore_mem>>) src(%dma_wait3A_98 : memref<10000x128xf32, #tpu.memory_space<hbm>>) dst(%arg9 : memref<128x128xf32, #tpu.memory_space<vmem>>)
    %add3A_99 = arith.constant 2592 : i32
    %add3A_100 = arith.addi %add3A, %add3A_99 : i32
    %min3A_101 = arith.constant 2499 : i32
    %min3A_102 = arith.minsi %add3A_100, %min3A_101 : i32
    %lt3A_103 = arith.constant 2500 : i32
    %lt3A_104 = arith.cmpi slt, %add3A_100, %lt3A_103 : i32
    %dma_wait3A_105 = arith.constant 0 : i32
    %dma_wait3A_106 = arith.constant 0 : i32
    %dma_wait3A_107 = tpu.memref_slice %arg3[%min3A_102, %dma_wait3A_105, %dma_wait3A_106] : memref<2500x2x128xi32, #tpu.memory_space<hbm>> -> memref<1x2x128xi32, #tpu.memory_space<hbm>>
    %dma_wait3A_108 = tpu.memref_squeeze %dma_wait3A_107 : memref<1x2x128xi32, #tpu.memory_space<hbm>> -> memref<2x128xi32, #tpu.memory_space<hbm>>
    %dma_wait3A_109 = arith.constant 0 : i32
    %dma_wait3A_110 = arith.constant 0 : i32
    %dma_wait3A_111 = tpu.memref_slice %arg3[%min3A_102, %dma_wait3A_109, %dma_wait3A_110] : memref<2500x2x128xi32, #tpu.memory_space<hbm>> -> memref<1x2x128xi32, #tpu.memory_space<hbm>>
    %dma_wait3A_112 = tpu.memref_squeeze %dma_wait3A_111 : memref<1x2x128xi32, #tpu.memory_space<hbm>> -> memref<2x128xi32, #tpu.memory_space<hbm>>
    tpu.wait_dma2 semaphore(%arg13 : memref<!tpu.dma_semaphore, #tpu.memory_space<semaphore_mem>>) src(%dma_wait3A_112 : memref<2x128xi32, #tpu.memory_space<hbm>>) dst(%arg6 : memref<2x128xi32, #tpu.memory_space<vmem>>)
    %add3A_113 = arith.constant 2624 : i32
    %add3A_114 = arith.addi %add3A, %add3A_113 : i32
    %min3A_115 = arith.constant 2499 : i32
    %min3A_116 = arith.minsi %add3A_114, %min3A_115 : i32
    %lt3A_117 = arith.constant 2500 : i32
    %lt3A_118 = arith.cmpi slt, %add3A_114, %lt3A_117 : i32
    %dma_wait3A_119 = arith.constant 0 : i32
    %dma_wait3A_120 = arith.constant 0 : i32
    %dma_wait3A_121 = tpu.memref_slice %arg3[%min3A_116, %dma_wait3A_119, %dma_wait3A_120] : memref<2500x2x128xi32, #tpu.memory_space<hbm>> -> memref<1x2x128xi32, #tpu.memory_space<hbm>>
    %dma_wait3A_122 = tpu.memref_squeeze %dma_wait3A_121 : memref<1x2x128xi32, #tpu.memory_space<hbm>> -> memref<2x128xi32, #tpu.memory_space<hbm>>
    %dma_wait3A_123 = arith.constant 0 : i32
    %dma_wait3A_124 = arith.constant 0 : i32
    %dma_wait3A_125 = tpu.memref_slice %arg3[%min3A_116, %dma_wait3A_123, %dma_wait3A_124] : memref<2500x2x128xi32, #tpu.memory_space<hbm>> -> memref<1x2x128xi32, #tpu.memory_space<hbm>>
    %dma_wait3A_126 = tpu.memref_squeeze %dma_wait3A_125 : memref<1x2x128xi32, #tpu.memory_space<hbm>> -> memref<2x128xi32, #tpu.memory_space<hbm>>
    tpu.wait_dma2 semaphore(%arg14 : memref<!tpu.dma_semaphore, #tpu.memory_space<semaphore_mem>>) src(%dma_wait3A_126 : memref<2x128xi32, #tpu.memory_space<hbm>>) dst(%arg7 : memref<2x128xi32, #tpu.memory_space<vmem>>)
    %add3A_127 = arith.constant 2656 : i32
    %add3A_128 = arith.addi %add3A, %add3A_127 : i32
    %min3A_129 = arith.constant 2499 : i32
    %min3A_130 = arith.minsi %add3A_128, %min3A_129 : i32
    %lt3A_131 = arith.constant 2500 : i32
    %lt3A_132 = arith.cmpi slt, %add3A_128, %lt3A_131 : i32
    %dma_wait3A_133 = arith.constant 0 : i32
    %dma_wait3A_134 = arith.constant 0 : i32
    %dma_wait3A_135 = tpu.memref_slice %arg3[%min3A_130, %dma_wait3A_133, %dma_wait3A_134] : memref<2500x2x128xi32, #tpu.memory_space<hbm>> -> memref<1x2x128xi32, #tpu.memory_space<hbm>>
    %dma_wait3A_136 = tpu.memref_squeeze %dma_wait3A_135 : memref<1x2x128xi32, #tpu.memory_space<hbm>> -> memref<2x128xi32, #tpu.memory_space<hbm>>
    %dma_wait3A_137 = arith.constant 0 : i32
    %dma_wait3A_138 = arith.constant 0 : i32
    %dma_wait3A_139 = tpu.memref_slice %arg3[%min3A_130, %dma_wait3A_137, %dma_wait3A_138] : memref<2500x2x128xi32, #tpu.memory_space<hbm>> -> memref<1x2x128xi32, #tpu.memory_space<hbm>>
    %dma_wait3A_140 = tpu.memref_squeeze %dma_wait3A_139 : memref<1x2x128xi32, #tpu.memory_space<hbm>> -> memref<2x128xi32, #tpu.memory_space<hbm>>
    tpu.wait_dma2 semaphore(%arg15 : memref<!tpu.dma_semaphore, #tpu.memory_space<semaphore_mem>>) src(%dma_wait3A_140 : memref<2x128xi32, #tpu.memory_space<hbm>>) dst(%arg8 : memref<2x128xi32, #tpu.memory_space<vmem>>)
    %barrier3A_141 = arith.constant 0 : index
    tpu.barrier barrier_id(%barrier3A_141)
    %scan3A_142 = arith.constant 0 : i32
    %scan3A_143 = arith.constant 0 : i32
    %scan3A_144 = arith.constant 8 : i32
    %scan3A_145 = arith.addi %scan3A_143, %scan3A_144 : i32
    %scan3A_146 = arith.constant 1 : i32
    scf.for %scan3A_148 = %scan3A_143 to %scan3A_145 step %scan3A_146  : i32 {
      %mul3A_149 = arith.constant 16 : i32
      %mul3A_150 = arith.muli %mul3A_149, %scan3A_148 : i32
      %add3A_151 = arith.addi %arg1, %mul3A_150 : i32
      %lt3A_152 = arith.constant 125 : i32
      %lt3A_153 = arith.cmpi slt, %add3A_151, %lt3A_152 : i32
      %convert_element_type3A = arith.extui %lt3A_153 : i1 to i32
      %cond3A = arith.constant 0 : i32
      %cond3A_154 = arith.cmpi ne, %convert_element_type3A, %cond3A : i32
      scf.if %cond3A_154 {
        %mul3A_155 = arith.constant 80 : i32
        %mul3A_156 = arith.muli %add3A_151, %mul3A_155 : i32
        "tpu.region"() ({
          %run_scoped3A = tpu.sem_alloc : memref<!tpu.dma_semaphore, #tpu.memory_space<semaphore_mem>>
          %dma_start3A_157 = arith.constant 0 : i32
          %dma_start3A_158 = arith.constant 0 : i32
          %dma_start3A_159 = tpu.memref_slice %arg9[%dma_start3A_157, %dma_start3A_158] : memref<128x128xf32, #tpu.memory_space<vmem>> -> memref<80x128xf32, #tpu.memory_space<vmem>>
          %dma_start3A_160 = arith.constant 0 : i32
          %dma_start3A_161 = tpu.memref_slice %arg11[%mul3A_156, %dma_start3A_160] : memref<10000x128xf32, #tpu.memory_space<vmem_shared>> -> memref<80x128xf32, #tpu.memory_space<vmem_shared>>
          %dma_start3A_162 = arith.constant 0 : i32
          %dma_start3A_163 = arith.constant 0 : i32
          %dma_start3A_164 = tpu.memref_slice %arg9[%dma_start3A_162, %dma_start3A_163] : memref<128x128xf32, #tpu.memory_space<vmem>> -> memref<80x128xf32, #tpu.memory_space<vmem>>
          %dma_start3A_165 = arith.constant 0 : i32
          %dma_start3A_166 = tpu.memref_slice %arg11[%mul3A_156, %dma_start3A_165] : memref<10000x128xf32, #tpu.memory_space<vmem_shared>> -> memref<80x128xf32, #tpu.memory_space<vmem_shared>>
          tpu.enqueue_dma source(%dma_start3A_166 : memref<80x128xf32, #tpu.memory_space<vmem_shared>>) target(%dma_start3A_164 : memref<80x128xf32, #tpu.memory_space<vmem>>) target_semaphore(%run_scoped3A : memref<!tpu.dma_semaphore, #tpu.memory_space<semaphore_mem>>)
          %dma_wait3A_167 = arith.constant 0 : i32
          %dma_wait3A_168 = arith.constant 0 : i32
          %dma_wait3A_169 = tpu.memref_slice %arg9[%dma_wait3A_167, %dma_wait3A_168] : memref<128x128xf32, #tpu.memory_space<vmem>> -> memref<80x128xf32, #tpu.memory_space<vmem>>
          %dma_wait3A_170 = arith.constant 0 : i32
          %dma_wait3A_171 = tpu.memref_slice %arg11[%mul3A_156, %dma_wait3A_170] : memref<10000x128xf32, #tpu.memory_space<vmem_shared>> -> memref<80x128xf32, #tpu.memory_space<vmem_shared>>
          %dma_wait3A_172 = arith.constant 0 : i32
          %dma_wait3A_173 = arith.constant 0 : i32
          %dma_wait3A_174 = tpu.memref_slice %arg9[%dma_wait3A_172, %dma_wait3A_173] : memref<128x128xf32, #tpu.memory_space<vmem>> -> memref<80x128xf32, #tpu.memory_space<vmem>>
          %dma_wait3A_175 = arith.constant 0 : i32
          %dma_wait3A_176 = tpu.memref_slice %arg11[%mul3A_156, %dma_wait3A_175] : memref<10000x128xf32, #tpu.memory_space<vmem_shared>> -> memref<80x128xf32, #tpu.memory_space<vmem_shared>>
          tpu.wait_dma2 semaphore(%run_scoped3A : memref<!tpu.dma_semaphore, #tpu.memory_space<semaphore_mem>>) src(%dma_wait3A_176 : memref<80x128xf32, #tpu.memory_space<vmem_shared>>) dst(%dma_wait3A_174 : memref<80x128xf32, #tpu.memory_space<vmem>>)
          tpu.yield
        }) : () -> ()
        "tpu.region"() ({
          %run_scoped3A = tpu.sem_alloc : memref<!tpu.dma_semaphore, #tpu.memory_space<semaphore_mem>>
          %dma_start3A_157 = arith.constant 0 : i32
          %dma_start3A_158 = arith.constant 0 : i32
          %dma_start3A_159 = tpu.memref_slice %arg9[%dma_start3A_157, %dma_start3A_158] : memref<128x128xf32, #tpu.memory_space<vmem>> -> memref<80x128xf32, #tpu.memory_space<vmem>>
          %dma_start3A_160 = arith.constant 0 : i32
          %dma_start3A_161 = tpu.memref_slice %arg4[%arg0, %mul3A_156, %dma_start3A_160] : memref<2x10000x128xf32, #tpu.memory_space<hbm>> -> memref<1x80x128xf32, #tpu.memory_space<hbm>>
          %dma_start3A_162 = tpu.memref_squeeze %dma_start3A_161 : memref<1x80x128xf32, #tpu.memory_space<hbm>> -> memref<80x128xf32, #tpu.memory_space<hbm>>
          %dma_start3A_163 = arith.constant 0 : i32
          %dma_start3A_164 = tpu.memref_slice %arg4[%arg0, %mul3A_156, %dma_start3A_163] : memref<2x10000x128xf32, #tpu.memory_space<hbm>> -> memref<1x80x128xf32, #tpu.memory_space<hbm>>
          %dma_start3A_165 = tpu.memref_squeeze %dma_start3A_164 : memref<1x80x128xf32, #tpu.memory_space<hbm>> -> memref<80x128xf32, #tpu.memory_space<hbm>>
          %dma_start3A_166 = arith.constant 0 : i32
          %dma_start3A_167 = arith.constant 0 : i32
          %dma_start3A_168 = tpu.memref_slice %arg9[%dma_start3A_166, %dma_start3A_167] : memref<128x128xf32, #tpu.memory_space<vmem>> -> memref<80x128xf32, #tpu.memory_space<vmem>>
          tpu.enqueue_dma source(%dma_start3A_168 : memref<80x128xf32, #tpu.memory_space<vmem>>) target(%dma_start3A_165 : memref<80x128xf32, #tpu.memory_space<hbm>>) target_semaphore(%run_scoped3A : memref<!tpu.dma_semaphore, #tpu.memory_space<semaphore_mem>>)
          %dma_wait3A_169 = arith.constant 0 : i32
          %dma_wait3A_170 = arith.constant 0 : i32
          %dma_wait3A_171 = tpu.memref_slice %arg9[%dma_wait3A_169, %dma_wait3A_170] : memref<128x128xf32, #tpu.memory_space<vmem>> -> memref<80x128xf32, #tpu.memory_space<vmem>>
          %dma_wait3A_172 = arith.constant 0 : i32
          %dma_wait3A_173 = tpu.memref_slice %arg4[%arg0, %mul3A_156, %dma_wait3A_172] : memref<2x10000x128xf32, #tpu.memory_space<hbm>> -> memref<1x80x128xf32, #tpu.memory_space<hbm>>
          %dma_wait3A_174 = tpu.memref_squeeze %dma_wait3A_173 : memref<1x80x128xf32, #tpu.memory_space<hbm>> -> memref<80x128xf32, #tpu.memory_space<hbm>>
          %dma_wait3A_175 = arith.constant 0 : i32
          %dma_wait3A_176 = tpu.memref_slice %arg4[%arg0, %mul3A_156, %dma_wait3A_175] : memref<2x10000x128xf32, #tpu.memory_space<hbm>> -> memref<1x80x128xf32, #tpu.memory_space<hbm>>
          %dma_wait3A_177 = tpu.memref_squeeze %dma_wait3A_176 : memref<1x80x128xf32, #tpu.memory_space<hbm>> -> memref<80x128xf32, #tpu.memory_space<hbm>>
          %dma_wait3A_178 = arith.constant 0 : i32
          %dma_wait3A_179 = arith.constant 0 : i32
          %dma_wait3A_180 = tpu.memref_slice %arg9[%dma_wait3A_178, %dma_wait3A_179] : memref<128x128xf32, #tpu.memory_space<vmem>> -> memref<80x128xf32, #tpu.memory_space<vmem>>
          tpu.wait_dma2 semaphore(%run_scoped3A : memref<!tpu.dma_semaphore, #tpu.memory_space<semaphore_mem>>) src(%dma_wait3A_180 : memref<80x128xf32, #tpu.memory_space<vmem>>) dst(%dma_wait3A_177 : memref<80x128xf32, #tpu.memory_space<hbm>>)
          tpu.yield
        }) : () -> ()
      } else {
      }
    }
    %scan3A_147 = arith.constant 8 : i32
    return
  }
}

#map = affine_map<(d0, d1) -> (0, 0)>
#map1 = affine_map<(d0, d1) -> (0, 0, 0)>
module attributes {stable_mosaic.version = 14 : i64} {
  func.func @kfn(%arg0: i32, %arg1: i32, %arg2: memref<10000x128xf32, #tpu.memory_space<hbm>>, %arg3: memref<2500x2x128xi32, #tpu.memory_space<hbm>>, %arg4: memref<2x10000x128xf32, #tpu.memory_space<hbm>>, %arg5: memref<2x128xi32, #tpu.memory_space<vmem>>, %arg6: memref<2x128xi32, #tpu.memory_space<vmem>>, %arg7: memref<2x128xi32, #tpu.memory_space<vmem>>, %arg8: memref<2x128xi32, #tpu.memory_space<vmem>>, %arg9: memref<128x128xf32, #tpu.memory_space<vmem>>, %arg10: memref<128x128xf32, #tpu.memory_space<vmem>>, %arg11: memref<10000x128xf32, #tpu.memory_space<vmem_shared>>, %arg12: memref<!tpu.dma_semaphore, #tpu.memory_space<semaphore_mem>>, %arg13: memref<!tpu.dma_semaphore, #tpu.memory_space<semaphore_mem>>, %arg14: memref<!tpu.dma_semaphore, #tpu.memory_space<semaphore_mem>>, %arg15: memref<!tpu.dma_semaphore, #tpu.memory_space<semaphore_mem>>, %arg16: memref<!tpu.dma_semaphore, #tpu.memory_space<semaphore_mem>>, %arg17: memref<!tpu.dma_semaphore, #tpu.memory_space<semaphore_mem>>) attributes {dimension_semantics = [#tpu.dimension_semantics<core_parallel>, #tpu.dimension_semantics<subcore_parallel>], iteration_bounds = array<i64: 2, 16>, scalar_prefetch = 0 : i64, scratch_operands = 13 : i64, tpu.core_type = #tpu.core_type<sc_vector_subcore>, window_params = [{transform_indices = #map}, {transform_indices = #map1}, {transform_indices = #map1}]} {
    %mul3A = arith.constant 2 : i32
    %mul3A_0 = arith.muli %arg1, %mul3A : i32
    %add3A = arith.addi %mul3A_0, %arg0 : i32
    %broadcast_in_dim3A = arith.constant 0.000000e+00 : f32
    %broadcast_in_dim3A_1 = vector.broadcast %broadcast_in_dim3A : f32 to vector<16xf32>
    %scan3A = arith.constant 0 : i32
    %scan3A_2 = arith.constant 0 : i32
    %scan3A_3 = arith.constant 128 : i32
    %scan3A_4 = arith.addi %scan3A_2, %scan3A_3 : i32
    %scan3A_5 = arith.constant 1 : i32
    scf.for %scan3A_148 = %scan3A_2 to %scan3A_4 step %scan3A_5  : i32 {
      %swap3A = arith.index_cast %scan3A_148 : i32 to index
      %swap3A_149 = arith.constant 0 : index
      %swap3A_150 = tpu.vector_load %arg9[%swap3A, %swap3A_149] {strides = array<i32>} : memref<128x128xf32, #tpu.memory_space<vmem>>, vector<1x16xf32>,
      %swap3A_151 = vector.shape_cast %swap3A_150 : vector<1x16xf32> to vector<16xf32>
      %swap3A_152 = vector.shape_cast %broadcast_in_dim3A_1 : vector<16xf32> to vector<1x16xf32>
      tpu.vector_store %arg9[%swap3A, %swap3A_149], %swap3A_152 {strides = array<i32>} : memref<128x128xf32, #tpu.memory_space<vmem>>, vector<1x16xf32>,
      %swap3A_153 = arith.index_cast %scan3A_148 : i32 to index
      %swap3A_154 = arith.constant 16 : index
      %swap3A_155 = tpu.vector_load %arg9[%swap3A_153, %swap3A_154] {strides = array<i32>} : memref<128x128xf32, #tpu.memory_space<vmem>>, vector<1x16xf32>,
      %swap3A_156 = vector.shape_cast %swap3A_155 : vector<1x16xf32> to vector<16xf32>
      %swap3A_157 = vector.shape_cast %broadcast_in_dim3A_1 : vector<16xf32> to vector<1x16xf32>
      tpu.vector_store %arg9[%swap3A_153, %swap3A_154], %swap3A_157 {strides = array<i32>} : memref<128x128xf32, #tpu.memory_space<vmem>>, vector<1x16xf32>,
      %swap3A_158 = arith.index_cast %scan3A_148 : i32 to index
      %swap3A_159 = arith.constant 32 : index
      %swap3A_160 = tpu.vector_load %arg9[%swap3A_158, %swap3A_159] {strides = array<i32>} : memref<128x128xf32, #tpu.memory_space<vmem>>, vector<1x16xf32>,
      %swap3A_161 = vector.shape_cast %swap3A_160 : vector<1x16xf32> to vector<16xf32>
      %swap3A_162 = vector.shape_cast %broadcast_in_dim3A_1 : vector<16xf32> to vector<1x16xf32>
      tpu.vector_store %arg9[%swap3A_158, %swap3A_159], %swap3A_162 {strides = array<i32>} : memref<128x128xf32, #tpu.memory_space<vmem>>, vector<1x16xf32>,
      %swap3A_163 = arith.index_cast %scan3A_148 : i32 to index
      %swap3A_164 = arith.constant 48 : index
      %swap3A_165 = tpu.vector_load %arg9[%swap3A_163, %swap3A_164] {strides = array<i32>} : memref<128x128xf32, #tpu.memory_space<vmem>>, vector<1x16xf32>,
      %swap3A_166 = vector.shape_cast %swap3A_165 : vector<1x16xf32> to vector<16xf32>
      %swap3A_167 = vector.shape_cast %broadcast_in_dim3A_1 : vector<16xf32> to vector<1x16xf32>
      tpu.vector_store %arg9[%swap3A_163, %swap3A_164], %swap3A_167 {strides = array<i32>} : memref<128x128xf32, #tpu.memory_space<vmem>>, vector<1x16xf32>,
      %swap3A_168 = arith.index_cast %scan3A_148 : i32 to index
      %swap3A_169 = arith.constant 64 : index
      %swap3A_170 = tpu.vector_load %arg9[%swap3A_168, %swap3A_169] {strides = array<i32>} : memref<128x128xf32, #tpu.memory_space<vmem>>, vector<1x16xf32>,
      %swap3A_171 = vector.shape_cast %swap3A_170 : vector<1x16xf32> to vector<16xf32>
      %swap3A_172 = vector.shape_cast %broadcast_in_dim3A_1 : vector<16xf32> to vector<1x16xf32>
      tpu.vector_store %arg9[%swap3A_168, %swap3A_169], %swap3A_172 {strides = array<i32>} : memref<128x128xf32, #tpu.memory_space<vmem>>, vector<1x16xf32>,
      %swap3A_173 = arith.index_cast %scan3A_148 : i32 to index
      %swap3A_174 = arith.constant 80 : index
      %swap3A_175 = tpu.vector_load %arg9[%swap3A_173, %swap3A_174] {strides = array<i32>} : memref<128x128xf32, #tpu.memory_space<vmem>>, vector<1x16xf32>,
      %swap3A_176 = vector.shape_cast %swap3A_175 : vector<1x16xf32> to vector<16xf32>
      %swap3A_177 = vector.shape_cast %broadcast_in_dim3A_1 : vector<16xf32> to vector<1x16xf32>
      tpu.vector_store %arg9[%swap3A_173, %swap3A_174], %swap3A_177 {strides = array<i32>} : memref<128x128xf32, #tpu.memory_space<vmem>>, vector<1x16xf32>,
      %swap3A_178 = arith.index_cast %scan3A_148 : i32 to index
      %swap3A_179 = arith.constant 96 : index
      %swap3A_180 = tpu.vector_load %arg9[%swap3A_178, %swap3A_179] {strides = array<i32>} : memref<128x128xf32, #tpu.memory_space<vmem>>, vector<1x16xf32>,
      %swap3A_181 = vector.shape_cast %swap3A_180 : vector<1x16xf32> to vector<16xf32>
      %swap3A_182 = vector.shape_cast %broadcast_in_dim3A_1 : vector<16xf32> to vector<1x16xf32>
      tpu.vector_store %arg9[%swap3A_178, %swap3A_179], %swap3A_182 {strides = array<i32>} : memref<128x128xf32, #tpu.memory_space<vmem>>, vector<1x16xf32>,
      %swap3A_183 = arith.index_cast %scan3A_148 : i32 to index
      %swap3A_184 = arith.constant 112 : index
      %swap3A_185 = tpu.vector_load %arg9[%swap3A_183, %swap3A_184] {strides = array<i32>} : memref<128x128xf32, #tpu.memory_space<vmem>>, vector<1x16xf32>,
      %swap3A_186 = vector.shape_cast %swap3A_185 : vector<1x16xf32> to vector<16xf32>
      %swap3A_187 = vector.shape_cast %broadcast_in_dim3A_1 : vector<16xf32> to vector<1x16xf32>
      tpu.vector_store %arg9[%swap3A_183, %swap3A_184], %swap3A_187 {strides = array<i32>} : memref<128x128xf32, #tpu.memory_space<vmem>>, vector<1x16xf32>,
    }
    %scan3A_6 = arith.constant 128 : i32
    %scan3A_7 = arith.constant 0 : i32
    %scan3A_8 = arith.constant 0 : i32
    %scan3A_9 = arith.constant 8 : i32
    %scan3A_10 = arith.addi %scan3A_8, %scan3A_9 : i32
    %scan3A_11 = arith.constant 1 : i32
    scf.for %scan3A_148 = %scan3A_8 to %scan3A_10 step %scan3A_11  : i32 {
      %mul3A_149 = arith.constant 16 : i32
      %mul3A_150 = arith.muli %mul3A_149, %scan3A_148 : i32
      %add3A_151 = arith.addi %arg1, %mul3A_150 : i32
      %lt3A_152 = arith.constant 125 : i32
      %lt3A_153 = arith.cmpi slt, %add3A_151, %lt3A_152 : i32
      %convert_element_type3A = arith.extui %lt3A_153 : i1 to i32
      %cond3A = arith.constant 0 : i32
      %cond3A_154 = arith.cmpi ne, %convert_element_type3A, %cond3A : i32
      scf.if %cond3A_154 {
        %mul3A_155 = arith.constant 80 : i32
        %mul3A_156 = arith.muli %add3A_151, %mul3A_155 : i32
        "tpu.region"() ({
          %run_scoped3A = tpu.sem_alloc : memref<!tpu.dma_semaphore, #tpu.memory_space<semaphore_mem>>
          %dma_start3A_157 = arith.constant 0 : i32
          %dma_start3A_158 = arith.constant 0 : i32
          %dma_start3A_159 = tpu.memref_slice %arg9[%dma_start3A_157, %dma_start3A_158] : memref<128x128xf32, #tpu.memory_space<vmem>> -> memref<80x128xf32, #tpu.memory_space<vmem>>
          %dma_start3A_160 = arith.constant 0 : i32
          %dma_start3A_161 = tpu.memref_slice %arg11[%mul3A_156, %dma_start3A_160] : memref<10000x128xf32, #tpu.memory_space<vmem_shared>> -> memref<80x128xf32, #tpu.memory_space<vmem_shared>>
          %dma_start3A_162 = arith.constant 0 : i32
          %dma_start3A_163 = tpu.memref_slice %arg11[%mul3A_156, %dma_start3A_162] : memref<10000x128xf32, #tpu.memory_space<vmem_shared>> -> memref<80x128xf32, #tpu.memory_space<vmem_shared>>
          %dma_start3A_164 = arith.constant 0 : i32
          %dma_start3A_165 = arith.constant 0 : i32
          %dma_start3A_166 = tpu.memref_slice %arg9[%dma_start3A_164, %dma_start3A_165] : memref<128x128xf32, #tpu.memory_space<vmem>> -> memref<80x128xf32, #tpu.memory_space<vmem>>
          tpu.enqueue_dma source(%dma_start3A_166 : memref<80x128xf32, #tpu.memory_space<vmem>>) target(%dma_start3A_163 : memref<80x128xf32, #tpu.memory_space<vmem_shared>>) target_semaphore(%run_scoped3A : memref<!tpu.dma_semaphore, #tpu.memory_space<semaphore_mem>>)
          %dma_wait3A_167 = arith.constant 0 : i32
          %dma_wait3A_168 = arith.constant 0 : i32
          %dma_wait3A_169 = tpu.memref_slice %arg9[%dma_wait3A_167, %dma_wait3A_168] : memref<128x128xf32, #tpu.memory_space<vmem>> -> memref<80x128xf32, #tpu.memory_space<vmem>>
          %dma_wait3A_170 = arith.constant 0 : i32
          %dma_wait3A_171 = tpu.memref_slice %arg11[%mul3A_156, %dma_wait3A_170] : memref<10000x128xf32, #tpu.memory_space<vmem_shared>> -> memref<80x128xf32, #tpu.memory_space<vmem_shared>>
          %dma_wait3A_172 = arith.constant 0 : i32
          %dma_wait3A_173 = tpu.memref_slice %arg11[%mul3A_156, %dma_wait3A_172] : memref<10000x128xf32, #tpu.memory_space<vmem_shared>> -> memref<80x128xf32, #tpu.memory_space<vmem_shared>>
          %dma_wait3A_174 = arith.constant 0 : i32
          %dma_wait3A_175 = arith.constant 0 : i32
          %dma_wait3A_176 = tpu.memref_slice %arg9[%dma_wait3A_174, %dma_wait3A_175] : memref<128x128xf32, #tpu.memory_space<vmem>> -> memref<80x128xf32, #tpu.memory_space<vmem>>
          tpu.wait_dma2 semaphore(%run_scoped3A : memref<!tpu.dma_semaphore, #tpu.memory_space<semaphore_mem>>) src(%dma_wait3A_176 : memref<80x128xf32, #tpu.memory_space<vmem>>) dst(%dma_wait3A_173 : memref<80x128xf32, #tpu.memory_space<vmem_shared>>)
          tpu.yield
        }) : () -> ()
      } else {
      }
    }
    %scan3A_12 = arith.constant 8 : i32
    %barrier3A = arith.constant 0 : index
    tpu.barrier barrier_id(%barrier3A)
    %add3A_13 = arith.constant 0 : i32
    %add3A_14 = arith.addi %add3A, %add3A_13 : i32
    %min3A = arith.constant 2499 : i32
    %min3A_15 = arith.minsi %add3A_14, %min3A : i32
    %lt3A = arith.constant 2500 : i32
    %lt3A_16 = arith.cmpi slt, %add3A_14, %lt3A : i32
    %dma_start3A = arith.constant 0 : i32
    %dma_start3A_17 = arith.constant 0 : i32
    %dma_start3A_18 = tpu.memref_slice %arg3[%min3A_15, %dma_start3A, %dma_start3A_17] : memref<2500x2x128xi32, #tpu.memory_space<hbm>> -> memref<1x2x128xi32, #tpu.memory_space<hbm>>
    %dma_start3A_19 = tpu.memref_squeeze %dma_start3A_18 : memref<1x2x128xi32, #tpu.memory_space<hbm>> -> memref<2x128xi32, #tpu.memory_space<hbm>>
    %dma_start3A_20 = arith.constant 0 : i32
    %dma_start3A_21 = arith.constant 0 : i32
    %dma_start3A_22 = tpu.memref_slice %arg3[%min3A_15, %dma_start3A_20, %dma_start3A_21] : memref<2500x2x128xi32, #tpu.memory_space<hbm>> -> memref<1x2x128xi32, #tpu.memory_space<hbm>>
    %dma_start3A_23 = tpu.memref_squeeze %dma_start3A_22 : memref<1x2x128xi32, #tpu.memory_space<hbm>> -> memref<2x128xi32, #tpu.memory_space<hbm>>
    tpu.enqueue_dma source(%dma_start3A_23 : memref<2x128xi32, #tpu.memory_space<hbm>>) target(%arg5 : memref<2x128xi32, #tpu.memory_space<vmem>>) target_semaphore(%arg12 : memref<!tpu.dma_semaphore, #tpu.memory_space<semaphore_mem>>)
    %add3A_24 = arith.constant 32 : i32
    %add3A_25 = arith.addi %add3A, %add3A_24 : i32
    %min3A_26 = arith.constant 2499 : i32
    %min3A_27 = arith.minsi %add3A_25, %min3A_26 : i32
    %lt3A_28 = arith.constant 2500 : i32
    %lt3A_29 = arith.cmpi slt, %add3A_25, %lt3A_28 : i32
    %dma_start3A_30 = arith.constant 0 : i32
    %dma_start3A_31 = arith.constant 0 : i32
    %dma_start3A_32 = tpu.memref_slice %arg3[%min3A_27, %dma_start3A_30, %dma_start3A_31] : memref<2500x2x128xi32, #tpu.memory_space<hbm>> -> memref<1x2x128xi32, #tpu.memory_space<hbm>>
    %dma_start3A_33 = tpu.memref_squeeze %dma_start3A_32 : memref<1x2x128xi32, #tpu.memory_space<hbm>> -> memref<2x128xi32, #tpu.memory_space<hbm>>
    %dma_start3A_34 = arith.constant 0 : i32
    %dma_start3A_35 = arith.constant 0 : i32
    %dma_start3A_36 = tpu.memref_slice %arg3[%min3A_27, %dma_start3A_34, %dma_start3A_35] : memref<2500x2x128xi32, #tpu.memory_space<hbm>> -> memref<1x2x128xi32, #tpu.memory_space<hbm>>
    %dma_start3A_37 = tpu.memref_squeeze %dma_start3A_36 : memref<1x2x128xi32, #tpu.memory_space<hbm>> -> memref<2x128xi32, #tpu.memory_space<hbm>>
    tpu.enqueue_dma source(%dma_start3A_37 : memref<2x128xi32, #tpu.memory_space<hbm>>) target(%arg6 : memref<2x128xi32, #tpu.memory_space<vmem>>) target_semaphore(%arg13 : memref<!tpu.dma_semaphore, #tpu.memory_space<semaphore_mem>>)
    %add3A_38 = arith.constant 64 : i32
    %add3A_39 = arith.addi %add3A, %add3A_38 : i32
    %min3A_40 = arith.constant 2499 : i32
    %min3A_41 = arith.minsi %add3A_39, %min3A_40 : i32
    %lt3A_42 = arith.constant 2500 : i32
    %lt3A_43 = arith.cmpi slt, %add3A_39, %lt3A_42 : i32
    %dma_start3A_44 = arith.constant 0 : i32
    %dma_start3A_45 = arith.constant 0 : i32
    %dma_start3A_46 = tpu.memref_slice %arg3[%min3A_41, %dma_start3A_44, %dma_start3A_45] : memref<2500x2x128xi32, #tpu.memory_space<hbm>> -> memref<1x2x128xi32, #tpu.memory_space<hbm>>
    %dma_start3A_47 = tpu.memref_squeeze %dma_start3A_46 : memref<1x2x128xi32, #tpu.memory_space<hbm>> -> memref<2x128xi32, #tpu.memory_space<hbm>>
    %dma_start3A_48 = arith.constant 0 : i32
    %dma_start3A_49 = arith.constant 0 : i32
    %dma_start3A_50 = tpu.memref_slice %arg3[%min3A_41, %dma_start3A_48, %dma_start3A_49] : memref<2500x2x128xi32, #tpu.memory_space<hbm>> -> memref<1x2x128xi32, #tpu.memory_space<hbm>>
    %dma_start3A_51 = tpu.memref_squeeze %dma_start3A_50 : memref<1x2x128xi32, #tpu.memory_space<hbm>> -> memref<2x128xi32, #tpu.memory_space<hbm>>
    tpu.enqueue_dma source(%dma_start3A_51 : memref<2x128xi32, #tpu.memory_space<hbm>>) target(%arg7 : memref<2x128xi32, #tpu.memory_space<vmem>>) target_semaphore(%arg14 : memref<!tpu.dma_semaphore, #tpu.memory_space<semaphore_mem>>)
    %add3A_52 = arith.constant 96 : i32
    %add3A_53 = arith.addi %add3A, %add3A_52 : i32
    %min3A_54 = arith.constant 2499 : i32
    %min3A_55 = arith.minsi %add3A_53, %min3A_54 : i32
    %lt3A_56 = arith.constant 2500 : i32
    %lt3A_57 = arith.cmpi slt, %add3A_53, %lt3A_56 : i32
    %dma_start3A_58 = arith.constant 0 : i32
    %dma_start3A_59 = arith.constant 0 : i32
    %dma_start3A_60 = tpu.memref_slice %arg3[%min3A_55, %dma_start3A_58, %dma_start3A_59] : memref<2500x2x128xi32, #tpu.memory_space<hbm>> -> memref<1x2x128xi32, #tpu.memory_space<hbm>>
    %dma_start3A_61 = tpu.memref_squeeze %dma_start3A_60 : memref<1x2x128xi32, #tpu.memory_space<hbm>> -> memref<2x128xi32, #tpu.memory_space<hbm>>
    %dma_start3A_62 = arith.constant 0 : i32
    %dma_start3A_63 = arith.constant 0 : i32
    %dma_start3A_64 = tpu.memref_slice %arg3[%min3A_55, %dma_start3A_62, %dma_start3A_63] : memref<2500x2x128xi32, #tpu.memory_space<hbm>> -> memref<1x2x128xi32, #tpu.memory_space<hbm>>
    %dma_start3A_65 = tpu.memref_squeeze %dma_start3A_64 : memref<1x2x128xi32, #tpu.memory_space<hbm>> -> memref<2x128xi32, #tpu.memory_space<hbm>>
    tpu.enqueue_dma source(%dma_start3A_65 : memref<2x128xi32, #tpu.memory_space<hbm>>) target(%arg8 : memref<2x128xi32, #tpu.memory_space<vmem>>) target_semaphore(%arg15 : memref<!tpu.dma_semaphore, #tpu.memory_space<semaphore_mem>>)
    %add3A_66 = arith.constant 0 : i32
    %add3A_67 = arith.addi %add3A, %add3A_66 : i32
    %min3A_68 = arith.constant 2499 : i32
    %min3A_69 = arith.minsi %add3A_67, %min3A_68 : i32
    %lt3A_70 = arith.constant 2500 : i32
    %lt3A_71 = arith.cmpi slt, %add3A_67, %lt3A_70 : i32
    %dma_wait3A = arith.constant 0 : i32
    %dma_wait3A_72 = arith.constant 0 : i32
    %dma_wait3A_73 = tpu.memref_slice %arg3[%min3A_69, %dma_wait3A, %dma_wait3A_72] : memref<2500x2x128xi32, #tpu.memory_space<hbm>> -> memref<1x2x128xi32, #tpu.memory_space<hbm>>
    %dma_wait3A_74 = tpu.memref_squeeze %dma_wait3A_73 : memref<1x2x128xi32, #tpu.memory_space<hbm>> -> memref<2x128xi32, #tpu.memory_space<hbm>>
    %dma_wait3A_75 = arith.constant 0 : i32
    %dma_wait3A_76 = arith.constant 0 : i32
    %dma_wait3A_77 = tpu.memref_slice %arg3[%min3A_69, %dma_wait3A_75, %dma_wait3A_76] : memref<2500x2x128xi32, #tpu.memory_space<hbm>> -> memref<1x2x128xi32, #tpu.memory_space<hbm>>
    %dma_wait3A_78 = tpu.memref_squeeze %dma_wait3A_77 : memref<1x2x128xi32, #tpu.memory_space<hbm>> -> memref<2x128xi32, #tpu.memory_space<hbm>>
    tpu.wait_dma2 semaphore(%arg12 : memref<!tpu.dma_semaphore, #tpu.memory_space<semaphore_mem>>) src(%dma_wait3A_78 : memref<2x128xi32, #tpu.memory_space<hbm>>) dst(%arg5 : memref<2x128xi32, #tpu.memory_space<vmem>>)
    %dma_start3A_79 = arith.constant 0 : i32
    %dma_start3A_80 = arith.constant 0 : i32
    %dma_start3A_81 = tpu.memref_slice %arg5[%dma_start3A_79, %dma_start3A_80] : memref<2x128xi32, #tpu.memory_space<vmem>> -> memref<1x128xi32, #tpu.memory_space<vmem>>
    %dma_start3A_82 = tpu.memref_squeeze %dma_start3A_81 : memref<1x128xi32, #tpu.memory_space<vmem>> -> memref<128xi32, #tpu.memory_space<vmem>>
    %dma_start3A_83 = arith.constant 0 : i32
    %dma_start3A_84 = arith.constant 0 : i32
    %dma_start3A_85 = tpu.memref_slice %arg2[%dma_start3A_83, %dma_start3A_84] : memref<10000x128xf32, #tpu.memory_space<hbm>> -> memref<10000x128xf32, #tpu.memory_space<hbm>>
    tpu.enqueue_indirect_dma source(%dma_start3A_85 : memref<10000x128xf32, #tpu.memory_space<hbm>>) target(%arg9 : memref<128x128xf32, #tpu.memory_space<vmem>>) offsets(%dma_start3A_82 : memref<128xi32, #tpu.memory_space<vmem>>) semaphore(%arg16 : memref<!tpu.dma_semaphore, #tpu.memory_space<semaphore_mem>>)
    %scan3A_86 = arith.constant 0 : i32
    %scan3A_87 = arith.constant 0 : i32
    %scan3A_88 = arith.constant 20 : i32
    %scan3A_89 = arith.addi %scan3A_87, %scan3A_88 : i32
    %scan3A_90 = arith.constant 1 : i32
    scf.for %scan3A_148 = %scan3A_87 to %scan3A_89 step %scan3A_90  : i32 {
      %mul3A_149 = arith.constant 4 : i32
      %mul3A_150 = arith.muli %mul3A_149, %scan3A_148 : i32
      %add3A_151 = arith.constant 1 : i32
      %add3A_152 = arith.addi %mul3A_150, %add3A_151 : i32
      %mul3A_153 = arith.constant 32 : i32
      %mul3A_154 = arith.muli %mul3A_153, %add3A_152 : i32
      %add3A_155 = arith.addi %add3A, %mul3A_154 : i32
      %min3A_156 = arith.constant 2499 : i32
      %min3A_157 = arith.minsi %add3A_155, %min3A_156 : i32
      %lt3A_158 = arith.constant 2500 : i32
      %lt3A_159 = arith.cmpi slt, %add3A_155, %lt3A_158 : i32
      %dma_wait3A_160 = arith.constant 0 : i32
      %dma_wait3A_161 = arith.constant 0 : i32
      %dma_wait3A_162 = tpu.memref_slice %arg3[%min3A_157, %dma_wait3A_160, %dma_wait3A_161] : memref<2500x2x128xi32, #tpu.memory_space<hbm>> -> memref<1x2x128xi32, #tpu.memory_space<hbm>>
      %dma_wait3A_163 = tpu.memref_squeeze %dma_wait3A_162 : memref<1x2x128xi32, #tpu.memory_space<hbm>> -> memref<2x128xi32, #tpu.memory_space<hbm>>
      %dma_wait3A_164 = arith.constant 0 : i32
      %dma_wait3A_165 = arith.constant 0 : i32
      %dma_wait3A_166 = tpu.memref_slice %arg3[%min3A_157, %dma_wait3A_164, %dma_wait3A_165] : memref<2500x2x128xi32, #tpu.memory_space<hbm>> -> memref<1x2x128xi32, #tpu.memory_space<hbm>>
      %dma_wait3A_167 = tpu.memref_squeeze %dma_wait3A_166 : memref<1x2x128xi32, #tpu.memory_space<hbm>> -> memref<2x128xi32, #tpu.memory_space<hbm>>
      tpu.wait_dma2 semaphore(%arg13 : memref<!tpu.dma_semaphore, #tpu.memory_space<semaphore_mem>>) src(%dma_wait3A_167 : memref<2x128xi32, #tpu.memory_space<hbm>>) dst(%arg6 : memref<2x128xi32, #tpu.memory_space<vmem>>)
      %dma_start3A_168 = arith.constant 0 : i32
      %dma_start3A_169 = arith.constant 0 : i32
      %dma_start3A_170 = tpu.memref_slice %arg6[%dma_start3A_168, %dma_start3A_169] : memref<2x128xi32, #tpu.memory_space<vmem>> -> memref<1x128xi32, #tpu.memory_space<vmem>>
      %dma_start3A_171 = tpu.memref_squeeze %dma_start3A_170 : memref<1x128xi32, #tpu.memory_space<vmem>> -> memref<128xi32, #tpu.memory_space<vmem>>
      %dma_start3A_172 = arith.constant 0 : i32
      %dma_start3A_173 = arith.constant 0 : i32
      %dma_start3A_174 = tpu.memref_slice %arg2[%dma_start3A_172, %dma_start3A_173] : memref<10000x128xf32, #tpu.memory_space<hbm>> -> memref<10000x128xf32, #tpu.memory_space<hbm>>
      tpu.enqueue_indirect_dma source(%dma_start3A_174 : memref<10000x128xf32, #tpu.memory_space<hbm>>) target(%arg10 : memref<128x128xf32, #tpu.memory_space<vmem>>) offsets(%dma_start3A_171 : memref<128xi32, #tpu.memory_space<vmem>>) semaphore(%arg17 : memref<!tpu.dma_semaphore, #tpu.memory_space<semaphore_mem>>)
      %dma_wait3A_175 = arith.constant 0 : i32
      %dma_wait3A_176 = arith.constant 0 : i32
      %dma_wait3A_177 = tpu.memref_slice %arg5[%dma_wait3A_175, %dma_wait3A_176] : memref<2x128xi32, #tpu.memory_space<vmem>> -> memref<1x128xi32, #tpu.memory_space<vmem>>
      %dma_wait3A_178 = tpu.memref_squeeze %dma_wait3A_177 : memref<1x128xi32, #tpu.memory_space<vmem>> -> memref<128xi32, #tpu.memory_space<vmem>>
      %dma_wait3A_179 = arith.constant 0 : i32
      %dma_wait3A_180 = arith.constant 0 : i32
      %dma_wait3A_181 = tpu.memref_slice %arg2[%dma_wait3A_179, %dma_wait3A_180] : memref<10000x128xf32, #tpu.memory_space<hbm>> -> memref<10000x128xf32, #tpu.memory_space<hbm>>
      tpu.wait_indirect_dma semaphore(%arg16 : memref<!tpu.dma_semaphore, #tpu.memory_space<semaphore_mem>>) src(%dma_wait3A_181 : memref<10000x128xf32, #tpu.memory_space<hbm>>) dst(%arg9 : memref<128x128xf32, #tpu.memory_space<vmem>>)
      %mul3A_182 = arith.constant 32 : i32
      %mul3A_183 = arith.muli %mul3A_182, %mul3A_150 : i32
      %add3A_184 = arith.addi %add3A, %mul3A_183 : i32
      %min3A_185 = arith.constant 2499 : i32
      %min3A_186 = arith.minsi %add3A_184, %min3A_185 : i32
      %lt3A_187 = arith.constant 2500 : i32
      %lt3A_188 = arith.cmpi slt, %add3A_184, %lt3A_187 : i32
      %convert_element_type3A = arith.extui %lt3A_188 : i1 to i32
      %cond3A = arith.constant 0 : i32
      %cond3A_189 = arith.cmpi ne, %convert_element_type3A, %cond3A : i32
      scf.if %cond3A_189 {
        %run_scoped3A = arith.constant 1 : i32
        "tpu.region"() ({
          %run_scoped3A_387 = tpu.sem_alloc : memref<!tpu.dma_semaphore, #tpu.memory_space<semaphore_mem>>
          %dma_start3A_388 = arith.constant 0 : i32
          %dma_start3A_389 = tpu.memref_slice %arg5[%run_scoped3A, %dma_start3A_388] : memref<2x128xi32, #tpu.memory_space<vmem>> -> memref<1x128xi32, #tpu.memory_space<vmem>>
          %dma_start3A_390 = tpu.memref_squeeze %dma_start3A_389 : memref<1x128xi32, #tpu.memory_space<vmem>> -> memref<128xi32, #tpu.memory_space<vmem>>
          %dma_start3A_391 = arith.constant 0 : i32
          %dma_start3A_392 = arith.constant 0 : i32
          %dma_start3A_393 = tpu.memref_slice %arg11[%dma_start3A_391, %dma_start3A_392] : memref<10000x128xf32, #tpu.memory_space<vmem_shared>> -> memref<10000x128xf32, #tpu.memory_space<vmem_shared>>
          tpu.enqueue_indirect_dma source(%arg9 : memref<128x128xf32, #tpu.memory_space<vmem>>) target(%dma_start3A_393 : memref<10000x128xf32, #tpu.memory_space<vmem_shared>>) offsets(%dma_start3A_390 : memref<128xi32, #tpu.memory_space<vmem>>) semaphore(%run_scoped3A_387 : memref<!tpu.dma_semaphore, #tpu.memory_space<semaphore_mem>>) {add = true}
          %dma_wait3A_394 = arith.constant 0 : i32
          %dma_wait3A_395 = tpu.memref_slice %arg5[%run_scoped3A, %dma_wait3A_394] : memref<2x128xi32, #tpu.memory_space<vmem>> -> memref<1x128xi32, #tpu.memory_space<vmem>>
          %dma_wait3A_396 = tpu.memref_squeeze %dma_wait3A_395 : memref<1x128xi32, #tpu.memory_space<vmem>> -> memref<128xi32, #tpu.memory_space<vmem>>
          %dma_wait3A_397 = arith.constant 0 : i32
          %dma_wait3A_398 = arith.constant 0 : i32
          %dma_wait3A_399 = tpu.memref_slice %arg11[%dma_wait3A_397, %dma_wait3A_398] : memref<10000x128xf32, #tpu.memory_space<vmem_shared>> -> memref<10000x128xf32, #tpu.memory_space<vmem_shared>>
          tpu.wait_indirect_dma semaphore(%run_scoped3A_387 : memref<!tpu.dma_semaphore, #tpu.memory_space<semaphore_mem>>) src(%arg9 : memref<128x128xf32, #tpu.memory_space<vmem>>) dst(%dma_wait3A_399 : memref<10000x128xf32, #tpu.memory_space<vmem_shared>>)
          tpu.yield
        }) : () -> ()
      } else {
      }
      %add3A_190 = arith.constant 4 : i32
      %add3A_191 = arith.addi %mul3A_150, %add3A_190 : i32
      %mul3A_192 = arith.constant 32 : i32
      %mul3A_193 = arith.muli %mul3A_192, %add3A_191 : i32
      %add3A_194 = arith.addi %add3A, %mul3A_193 : i32
      %min3A_195 = arith.constant 2499 : i32
      %min3A_196 = arith.minsi %add3A_194, %min3A_195 : i32
      %lt3A_197 = arith.constant 2500 : i32
      %lt3A_198 = arith.cmpi slt, %add3A_194, %lt3A_197 : i32
      %dma_start3A_199 = arith.constant 0 : i32
      %dma_start3A_200 = arith.constant 0 : i32
      %dma_start3A_201 = tpu.memref_slice %arg3[%min3A_196, %dma_start3A_199, %dma_start3A_200] : memref<2500x2x128xi32, #tpu.memory_space<hbm>> -> memref<1x2x128xi32, #tpu.memory_space<hbm>>
      %dma_start3A_202 = tpu.memref_squeeze %dma_start3A_201 : memref<1x2x128xi32, #tpu.memory_space<hbm>> -> memref<2x128xi32, #tpu.memory_space<hbm>>
      %dma_start3A_203 = arith.constant 0 : i32
      %dma_start3A_204 = arith.constant 0 : i32
      %dma_start3A_205 = tpu.memref_slice %arg3[%min3A_196, %dma_start3A_203, %dma_start3A_204] : memref<2500x2x128xi32, #tpu.memory_space<hbm>> -> memref<1x2x128xi32, #tpu.memory_space<hbm>>
      %dma_start3A_206 = tpu.memref_squeeze %dma_start3A_205 : memref<1x2x128xi32, #tpu.memory_space<hbm>> -> memref<2x128xi32, #tpu.memory_space<hbm>>
      tpu.enqueue_dma source(%dma_start3A_206 : memref<2x128xi32, #tpu.memory_space<hbm>>) target(%arg5 : memref<2x128xi32, #tpu.memory_space<vmem>>) target_semaphore(%arg12 : memref<!tpu.dma_semaphore, #tpu.memory_space<semaphore_mem>>)
      %add3A_207 = arith.constant 2 : i32
      %add3A_208 = arith.addi %mul3A_150, %add3A_207 : i32
      %mul3A_209 = arith.constant 32 : i32
      %mul3A_210 = arith.muli %mul3A_209, %add3A_208 : i32
      %add3A_211 = arith.addi %add3A, %mul3A_210 : i32
      %min3A_212 = arith.constant 2499 : i32
      %min3A_213 = arith.minsi %add3A_211, %min3A_212 : i32
      %lt3A_214 = arith.constant 2500 : i32
      %lt3A_215 = arith.cmpi slt, %add3A_211, %lt3A_214 : i32
      %dma_wait3A_216 = arith.constant 0 : i32
      %dma_wait3A_217 = arith.constant 0 : i32
      %dma_wait3A_218 = tpu.memref_slice %arg3[%min3A_213, %dma_wait3A_216, %dma_wait3A_217] : memref<2500x2x128xi32, #tpu.memory_space<hbm>> -> memref<1x2x128xi32, #tpu.memory_space<hbm>>
      %dma_wait3A_219 = tpu.memref_squeeze %dma_wait3A_218 : memref<1x2x128xi32, #tpu.memory_space<hbm>> -> memref<2x128xi32, #tpu.memory_space<hbm>>
      %dma_wait3A_220 = arith.constant 0 : i32
      %dma_wait3A_221 = arith.constant 0 : i32
      %dma_wait3A_222 = tpu.memref_slice %arg3[%min3A_213, %dma_wait3A_220, %dma_wait3A_221] : memref<2500x2x128xi32, #tpu.memory_space<hbm>> -> memref<1x2x128xi32, #tpu.memory_space<hbm>>
      %dma_wait3A_223 = tpu.memref_squeeze %dma_wait3A_222 : memref<1x2x128xi32, #tpu.memory_space<hbm>> -> memref<2x128xi32, #tpu.memory_space<hbm>>
      tpu.wait_dma2 semaphore(%arg14 : memref<!tpu.dma_semaphore, #tpu.memory_space<semaphore_mem>>) src(%dma_wait3A_223 : memref<2x128xi32, #tpu.memory_space<hbm>>) dst(%arg7 : memref<2x128xi32, #tpu.memory_space<vmem>>)
      %dma_start3A_224 = arith.constant 0 : i32
      %dma_start3A_225 = arith.constant 0 : i32
      %dma_start3A_226 = tpu.memref_slice %arg7[%dma_start3A_224, %dma_start3A_225] : memref<2x128xi32, #tpu.memory_space<vmem>> -> memref<1x128xi32, #tpu.memory_space<vmem>>
      %dma_start3A_227 = tpu.memref_squeeze %dma_start3A_226 : memref<1x128xi32, #tpu.memory_space<vmem>> -> memref<128xi32, #tpu.memory_space<vmem>>
      %dma_start3A_228 = arith.constant 0 : i32
      %dma_start3A_229 = arith.constant 0 : i32
      %dma_start3A_230 = tpu.memref_slice %arg2[%dma_start3A_228, %dma_start3A_229] : memref<10000x128xf32, #tpu.memory_space<hbm>> -> memref<10000x128xf32, #tpu.memory_space<hbm>>
      tpu.enqueue_indirect_dma source(%dma_start3A_230 : memref<10000x128xf32, #tpu.memory_space<hbm>>) target(%arg9 : memref<128x128xf32, #tpu.memory_space<vmem>>) offsets(%dma_start3A_227 : memref<128xi32, #tpu.memory_space<vmem>>) semaphore(%arg16 : memref<!tpu.dma_semaphore, #tpu.memory_space<semaphore_mem>>)
      %dma_wait3A_231 = arith.constant 0 : i32
      %dma_wait3A_232 = arith.constant 0 : i32
      %dma_wait3A_233 = tpu.memref_slice %arg6[%dma_wait3A_231, %dma_wait3A_232] : memref<2x128xi32, #tpu.memory_space<vmem>> -> memref<1x128xi32, #tpu.memory_space<vmem>>
      %dma_wait3A_234 = tpu.memref_squeeze %dma_wait3A_233 : memref<1x128xi32, #tpu.memory_space<vmem>> -> memref<128xi32, #tpu.memory_space<vmem>>
      %dma_wait3A_235 = arith.constant 0 : i32
      %dma_wait3A_236 = arith.constant 0 : i32
      %dma_wait3A_237 = tpu.memref_slice %arg2[%dma_wait3A_235, %dma_wait3A_236] : memref<10000x128xf32, #tpu.memory_space<hbm>> -> memref<10000x128xf32, #tpu.memory_space<hbm>>
      tpu.wait_indirect_dma semaphore(%arg17 : memref<!tpu.dma_semaphore, #tpu.memory_space<semaphore_mem>>) src(%dma_wait3A_237 : memref<10000x128xf32, #tpu.memory_space<hbm>>) dst(%arg10 : memref<128x128xf32, #tpu.memory_space<vmem>>)
      %add3A_238 = arith.constant 1 : i32
      %add3A_239 = arith.addi %mul3A_150, %add3A_238 : i32
      %mul3A_240 = arith.constant 32 : i32
      %mul3A_241 = arith.muli %mul3A_240, %add3A_239 : i32
      %add3A_242 = arith.addi %add3A, %mul3A_241 : i32
      %min3A_243 = arith.constant 2499 : i32
      %min3A_244 = arith.minsi %add3A_242, %min3A_243 : i32
      %lt3A_245 = arith.constant 2500 : i32
      %lt3A_246 = arith.cmpi slt, %add3A_242, %lt3A_245 : i32
      %convert_element_type3A_247 = arith.extui %lt3A_246 : i1 to i32
      %cond3A_248 = arith.constant 0 : i32
      %cond3A_249 = arith.cmpi ne, %convert_element_type3A_247, %cond3A_248 : i32
      scf.if %cond3A_249 {
        %run_scoped3A = arith.constant 1 : i32
        "tpu.region"() ({
          %run_scoped3A_387 = tpu.sem_alloc : memref<!tpu.dma_semaphore, #tpu.memory_space<semaphore_mem>>
          %dma_start3A_388 = arith.constant 0 : i32
          %dma_start3A_389 = tpu.memref_slice %arg6[%run_scoped3A, %dma_start3A_388] : memref<2x128xi32, #tpu.memory_space<vmem>> -> memref<1x128xi32, #tpu.memory_space<vmem>>
          %dma_start3A_390 = tpu.memref_squeeze %dma_start3A_389 : memref<1x128xi32, #tpu.memory_space<vmem>> -> memref<128xi32, #tpu.memory_space<vmem>>
          %dma_start3A_391 = arith.constant 0 : i32
          %dma_start3A_392 = arith.constant 0 : i32
          %dma_start3A_393 = tpu.memref_slice %arg11[%dma_start3A_391, %dma_start3A_392] : memref<10000x128xf32, #tpu.memory_space<vmem_shared>> -> memref<10000x128xf32, #tpu.memory_space<vmem_shared>>
          tpu.enqueue_indirect_dma source(%arg10 : memref<128x128xf32, #tpu.memory_space<vmem>>) target(%dma_start3A_393 : memref<10000x128xf32, #tpu.memory_space<vmem_shared>>) offsets(%dma_start3A_390 : memref<128xi32, #tpu.memory_space<vmem>>) semaphore(%run_scoped3A_387 : memref<!tpu.dma_semaphore, #tpu.memory_space<semaphore_mem>>) {add = true}
          %dma_wait3A_394 = arith.constant 0 : i32
          %dma_wait3A_395 = tpu.memref_slice %arg6[%run_scoped3A, %dma_wait3A_394] : memref<2x128xi32, #tpu.memory_space<vmem>> -> memref<1x128xi32, #tpu.memory_space<vmem>>
          %dma_wait3A_396 = tpu.memref_squeeze %dma_wait3A_395 : memref<1x128xi32, #tpu.memory_space<vmem>> -> memref<128xi32, #tpu.memory_space<vmem>>
          %dma_wait3A_397 = arith.constant 0 : i32
          %dma_wait3A_398 = arith.constant 0 : i32
          %dma_wait3A_399 = tpu.memref_slice %arg11[%dma_wait3A_397, %dma_wait3A_398] : memref<10000x128xf32, #tpu.memory_space<vmem_shared>> -> memref<10000x128xf32, #tpu.memory_space<vmem_shared>>
          tpu.wait_indirect_dma semaphore(%run_scoped3A_387 : memref<!tpu.dma_semaphore, #tpu.memory_space<semaphore_mem>>) src(%arg10 : memref<128x128xf32, #tpu.memory_space<vmem>>) dst(%dma_wait3A_399 : memref<10000x128xf32, #tpu.memory_space<vmem_shared>>)
          tpu.yield
        }) : () -> ()
      } else {
      }
      %add3A_250 = arith.constant 5 : i32
      %add3A_251 = arith.addi %mul3A_150, %add3A_250 : i32
      %mul3A_252 = arith.constant 32 : i32
      %mul3A_253 = arith.muli %mul3A_252, %add3A_251 : i32
      %add3A_254 = arith.addi %add3A, %mul3A_253 : i32
      %min3A_255 = arith.constant 2499 : i32
      %min3A_256 = arith.minsi %add3A_254, %min3A_255 : i32
      %lt3A_257 = arith.constant 2500 : i32
      %lt3A_258 = arith.cmpi slt, %add3A_254, %lt3A_257 : i32
      %dma_start3A_259 = arith.constant 0 : i32
      %dma_start3A_260 = arith.constant 0 : i32
      %dma_start3A_261 = tpu.memref_slice %arg3[%min3A_256, %dma_start3A_259, %dma_start3A_260] : memref<2500x2x128xi32, #tpu.memory_space<hbm>> -> memref<1x2x128xi32, #tpu.memory_space<hbm>>
      %dma_start3A_262 = tpu.memref_squeeze %dma_start3A_261 : memref<1x2x128xi32, #tpu.memory_space<hbm>> -> memref<2x128xi32, #tpu.memory_space<hbm>>
      %dma_start3A_263 = arith.constant 0 : i32
      %dma_start3A_264 = arith.constant 0 : i32
      %dma_start3A_265 = tpu.memref_slice %arg3[%min3A_256, %dma_start3A_263, %dma_start3A_264] : memref<2500x2x128xi32, #tpu.memory_space<hbm>> -> memref<1x2x128xi32, #tpu.memory_space<hbm>>
      %dma_start3A_266 = tpu.memref_squeeze %dma_start3A_265 : memref<1x2x128xi32, #tpu.memory_space<hbm>> -> memref<2x128xi32, #tpu.memory_space<hbm>>
      tpu.enqueue_dma source(%dma_start3A_266 : memref<2x128xi32, #tpu.memory_space<hbm>>) target(%arg6 : memref<2x128xi32, #tpu.memory_space<vmem>>) target_semaphore(%arg13 : memref<!tpu.dma_semaphore, #tpu.memory_space<semaphore_mem>>)
      %add3A_267 = arith.constant 3 : i32
      %add3A_268 = arith.addi %mul3A_150, %add3A_267 : i32
      %mul3A_269 = arith.constant 32 : i32
      %mul3A_270 = arith.muli %mul3A_269, %add3A_268 : i32
      %add3A_271 = arith.addi %add3A, %mul3A_270 : i32
      %min3A_272 = arith.constant 2499 : i32
      %min3A_273 = arith.minsi %add3A_271, %min3A_272 : i32
      %lt3A_274 = arith.constant 2500 : i32
      %lt3A_275 = arith.cmpi slt, %add3A_271, %lt3A_274 : i32
      %dma_wait3A_276 = arith.constant 0 : i32
      %dma_wait3A_277 = arith.constant 0 : i32
      %dma_wait3A_278 = tpu.memref_slice %arg3[%min3A_273, %dma_wait3A_276, %dma_wait3A_277] : memref<2500x2x128xi32, #tpu.memory_space<hbm>> -> memref<1x2x128xi32, #tpu.memory_space<hbm>>
      %dma_wait3A_279 = tpu.memref_squeeze %dma_wait3A_278 : memref<1x2x128xi32, #tpu.memory_space<hbm>> -> memref<2x128xi32, #tpu.memory_space<hbm>>
      %dma_wait3A_280 = arith.constant 0 : i32
      %dma_wait3A_281 = arith.constant 0 : i32
      %dma_wait3A_282 = tpu.memref_slice %arg3[%min3A_273, %dma_wait3A_280, %dma_wait3A_281] : memref<2500x2x128xi32, #tpu.memory_space<hbm>> -> memref<1x2x128xi32, #tpu.memory_space<hbm>>
      %dma_wait3A_283 = tpu.memref_squeeze %dma_wait3A_282 : memref<1x2x128xi32, #tpu.memory_space<hbm>> -> memref<2x128xi32, #tpu.memory_space<hbm>>
      tpu.wait_dma2 semaphore(%arg15 : memref<!tpu.dma_semaphore, #tpu.memory_space<semaphore_mem>>) src(%dma_wait3A_283 : memref<2x128xi32, #tpu.memory_space<hbm>>) dst(%arg8 : memref<2x128xi32, #tpu.memory_space<vmem>>)
      %dma_start3A_284 = arith.constant 0 : i32
      %dma_start3A_285 = arith.constant 0 : i32
      %dma_start3A_286 = tpu.memref_slice %arg8[%dma_start3A_284, %dma_start3A_285] : memref<2x128xi32, #tpu.memory_space<vmem>> -> memref<1x128xi32, #tpu.memory_space<vmem>>
      %dma_start3A_287 = tpu.memref_squeeze %dma_start3A_286 : memref<1x128xi32, #tpu.memory_space<vmem>> -> memref<128xi32, #tpu.memory_space<vmem>>
      %dma_start3A_288 = arith.constant 0 : i32
      %dma_start3A_289 = arith.constant 0 : i32
      %dma_start3A_290 = tpu.memref_slice %arg2[%dma_start3A_288, %dma_start3A_289] : memref<10000x128xf32, #tpu.memory_space<hbm>> -> memref<10000x128xf32, #tpu.memory_space<hbm>>
      tpu.enqueue_indirect_dma source(%dma_start3A_290 : memref<10000x128xf32, #tpu.memory_space<hbm>>) target(%arg10 : memref<128x128xf32, #tpu.memory_space<vmem>>) offsets(%dma_start3A_287 : memref<128xi32, #tpu.memory_space<vmem>>) semaphore(%arg17 : memref<!tpu.dma_semaphore, #tpu.memory_space<semaphore_mem>>)
      %dma_wait3A_291 = arith.constant 0 : i32
      %dma_wait3A_292 = arith.constant 0 : i32
      %dma_wait3A_293 = tpu.memref_slice %arg7[%dma_wait3A_291, %dma_wait3A_292] : memref<2x128xi32, #tpu.memory_space<vmem>> -> memref<1x128xi32, #tpu.memory_space<vmem>>
      %dma_wait3A_294 = tpu.memref_squeeze %dma_wait3A_293 : memref<1x128xi32, #tpu.memory_space<vmem>> -> memref<128xi32, #tpu.memory_space<vmem>>
      %dma_wait3A_295 = arith.constant 0 : i32
      %dma_wait3A_296 = arith.constant 0 : i32
      %dma_wait3A_297 = tpu.memref_slice %arg2[%dma_wait3A_295, %dma_wait3A_296] : memref<10000x128xf32, #tpu.memory_space<hbm>> -> memref<10000x128xf32, #tpu.memory_space<hbm>>
      tpu.wait_indirect_dma semaphore(%arg16 : memref<!tpu.dma_semaphore, #tpu.memory_space<semaphore_mem>>) src(%dma_wait3A_297 : memref<10000x128xf32, #tpu.memory_space<hbm>>) dst(%arg9 : memref<128x128xf32, #tpu.memory_space<vmem>>)
      %add3A_298 = arith.constant 2 : i32
      %add3A_299 = arith.addi %mul3A_150, %add3A_298 : i32
      %mul3A_300 = arith.constant 32 : i32
      %mul3A_301 = arith.muli %mul3A_300, %add3A_299 : i32
      %add3A_302 = arith.addi %add3A, %mul3A_301 : i32
      %min3A_303 = arith.constant 2499 : i32
      %min3A_304 = arith.minsi %add3A_302, %min3A_303 : i32
      %lt3A_305 = arith.constant 2500 : i32
      %lt3A_306 = arith.cmpi slt, %add3A_302, %lt3A_305 : i32
      %convert_element_type3A_307 = arith.extui %lt3A_306 : i1 to i32
      %cond3A_308 = arith.constant 0 : i32
      %cond3A_309 = arith.cmpi ne, %convert_element_type3A_307, %cond3A_308 : i32
      scf.if %cond3A_309 {
        %run_scoped3A = arith.constant 1 : i32
        "tpu.region"() ({
          %run_scoped3A_387 = tpu.sem_alloc : memref<!tpu.dma_semaphore, #tpu.memory_space<semaphore_mem>>
          %dma_start3A_388 = arith.constant 0 : i32
          %dma_start3A_389 = tpu.memref_slice %arg7[%run_scoped3A, %dma_start3A_388] : memref<2x128xi32, #tpu.memory_space<vmem>> -> memref<1x128xi32, #tpu.memory_space<vmem>>
          %dma_start3A_390 = tpu.memref_squeeze %dma_start3A_389 : memref<1x128xi32, #tpu.memory_space<vmem>> -> memref<128xi32, #tpu.memory_space<vmem>>
          %dma_start3A_391 = arith.constant 0 : i32
          %dma_start3A_392 = arith.constant 0 : i32
          %dma_start3A_393 = tpu.memref_slice %arg11[%dma_start3A_391, %dma_start3A_392] : memref<10000x128xf32, #tpu.memory_space<vmem_shared>> -> memref<10000x128xf32, #tpu.memory_space<vmem_shared>>
          tpu.enqueue_indirect_dma source(%arg9 : memref<128x128xf32, #tpu.memory_space<vmem>>) target(%dma_start3A_393 : memref<10000x128xf32, #tpu.memory_space<vmem_shared>>) offsets(%dma_start3A_390 : memref<128xi32, #tpu.memory_space<vmem>>) semaphore(%run_scoped3A_387 : memref<!tpu.dma_semaphore, #tpu.memory_space<semaphore_mem>>) {add = true}
          %dma_wait3A_394 = arith.constant 0 : i32
          %dma_wait3A_395 = tpu.memref_slice %arg7[%run_scoped3A, %dma_wait3A_394] : memref<2x128xi32, #tpu.memory_space<vmem>> -> memref<1x128xi32, #tpu.memory_space<vmem>>
          %dma_wait3A_396 = tpu.memref_squeeze %dma_wait3A_395 : memref<1x128xi32, #tpu.memory_space<vmem>> -> memref<128xi32, #tpu.memory_space<vmem>>
          %dma_wait3A_397 = arith.constant 0 : i32
          %dma_wait3A_398 = arith.constant 0 : i32
          %dma_wait3A_399 = tpu.memref_slice %arg11[%dma_wait3A_397, %dma_wait3A_398] : memref<10000x128xf32, #tpu.memory_space<vmem_shared>> -> memref<10000x128xf32, #tpu.memory_space<vmem_shared>>
          tpu.wait_indirect_dma semaphore(%run_scoped3A_387 : memref<!tpu.dma_semaphore, #tpu.memory_space<semaphore_mem>>) src(%arg9 : memref<128x128xf32, #tpu.memory_space<vmem>>) dst(%dma_wait3A_399 : memref<10000x128xf32, #tpu.memory_space<vmem_shared>>)
          tpu.yield
        }) : () -> ()
      } else {
      }
      %add3A_310 = arith.constant 6 : i32
      %add3A_311 = arith.addi %mul3A_150, %add3A_310 : i32
      %mul3A_312 = arith.constant 32 : i32
      %mul3A_313 = arith.muli %mul3A_312, %add3A_311 : i32
      %add3A_314 = arith.addi %add3A, %mul3A_313 : i32
      %min3A_315 = arith.constant 2499 : i32
      %min3A_316 = arith.minsi %add3A_314, %min3A_315 : i32
      %lt3A_317 = arith.constant 2500 : i32
      %lt3A_318 = arith.cmpi slt, %add3A_314, %lt3A_317 : i32
      %dma_start3A_319 = arith.constant 0 : i32
      %dma_start3A_320 = arith.constant 0 : i32
      %dma_start3A_321 = tpu.memref_slice %arg3[%min3A_316, %dma_start3A_319, %dma_start3A_320] : memref<2500x2x128xi32, #tpu.memory_space<hbm>> -> memref<1x2x128xi32, #tpu.memory_space<hbm>>
      %dma_start3A_322 = tpu.memref_squeeze %dma_start3A_321 : memref<1x2x128xi32, #tpu.memory_space<hbm>> -> memref<2x128xi32, #tpu.memory_space<hbm>>
      %dma_start3A_323 = arith.constant 0 : i32
      %dma_start3A_324 = arith.constant 0 : i32
      %dma_start3A_325 = tpu.memref_slice %arg3[%min3A_316, %dma_start3A_323, %dma_start3A_324] : memref<2500x2x128xi32, #tpu.memory_space<hbm>> -> memref<1x2x128xi32, #tpu.memory_space<hbm>>
      %dma_start3A_326 = tpu.memref_squeeze %dma_start3A_325 : memref<1x2x128xi32, #tpu.memory_space<hbm>> -> memref<2x128xi32, #tpu.memory_space<hbm>>
      tpu.enqueue_dma source(%dma_start3A_326 : memref<2x128xi32, #tpu.memory_space<hbm>>) target(%arg7 : memref<2x128xi32, #tpu.memory_space<vmem>>) target_semaphore(%arg14 : memref<!tpu.dma_semaphore, #tpu.memory_space<semaphore_mem>>)
      %dma_wait3A_327 = arith.constant 0 : i32
      %dma_wait3A_328 = arith.constant 0 : i32
      %dma_wait3A_329 = tpu.memref_slice %arg8[%dma_wait3A_327, %dma_wait3A_328] : memref<2x128xi32, #tpu.memory_space<vmem>> -> memref<1x128xi32, #tpu.memory_space<vmem>>
      %dma_wait3A_330 = tpu.memref_squeeze %dma_wait3A_329 : memref<1x128xi32, #tpu.memory_space<vmem>> -> memref<128xi32, #tpu.memory_space<vmem>>
      %dma_wait3A_331 = arith.constant 0 : i32
      %dma_wait3A_332 = arith.constant 0 : i32
      %dma_wait3A_333 = tpu.memref_slice %arg2[%dma_wait3A_331, %dma_wait3A_332] : memref<10000x128xf32, #tpu.memory_space<hbm>> -> memref<10000x128xf32, #tpu.memory_space<hbm>>
      tpu.wait_indirect_dma semaphore(%arg17 : memref<!tpu.dma_semaphore, #tpu.memory_space<semaphore_mem>>) src(%dma_wait3A_333 : memref<10000x128xf32, #tpu.memory_space<hbm>>) dst(%arg10 : memref<128x128xf32, #tpu.memory_space<vmem>>)
      %add3A_334 = arith.constant 3 : i32
      %add3A_335 = arith.addi %mul3A_150, %add3A_334 : i32
      %mul3A_336 = arith.constant 32 : i32
      %mul3A_337 = arith.muli %mul3A_336, %add3A_335 : i32
      %add3A_338 = arith.addi %add3A, %mul3A_337 : i32
      %min3A_339 = arith.constant 2499 : i32
      %min3A_340 = arith.minsi %add3A_338, %min3A_339 : i32
      %lt3A_341 = arith.constant 2500 : i32
      %lt3A_342 = arith.cmpi slt, %add3A_338, %lt3A_341 : i32
      %convert_element_type3A_343 = arith.extui %lt3A_342 : i1 to i32
      %cond3A_344 = arith.constant 0 : i32
      %cond3A_345 = arith.cmpi ne, %convert_element_type3A_343, %cond3A_344 : i32
      scf.if %cond3A_345 {
        %run_scoped3A = arith.constant 1 : i32
        "tpu.region"() ({
          %run_scoped3A_387 = tpu.sem_alloc : memref<!tpu.dma_semaphore, #tpu.memory_space<semaphore_mem>>
          %dma_start3A_388 = arith.constant 0 : i32
          %dma_start3A_389 = tpu.memref_slice %arg8[%run_scoped3A, %dma_start3A_388] : memref<2x128xi32, #tpu.memory_space<vmem>> -> memref<1x128xi32, #tpu.memory_space<vmem>>
          %dma_start3A_390 = tpu.memref_squeeze %dma_start3A_389 : memref<1x128xi32, #tpu.memory_space<vmem>> -> memref<128xi32, #tpu.memory_space<vmem>>
          %dma_start3A_391 = arith.constant 0 : i32
          %dma_start3A_392 = arith.constant 0 : i32
          %dma_start3A_393 = tpu.memref_slice %arg11[%dma_start3A_391, %dma_start3A_392] : memref<10000x128xf32, #tpu.memory_space<vmem_shared>> -> memref<10000x128xf32, #tpu.memory_space<vmem_shared>>
          tpu.enqueue_indirect_dma source(%arg10 : memref<128x128xf32, #tpu.memory_space<vmem>>) target(%dma_start3A_393 : memref<10000x128xf32, #tpu.memory_space<vmem_shared>>) offsets(%dma_start3A_390 : memref<128xi32, #tpu.memory_space<vmem>>) semaphore(%run_scoped3A_387 : memref<!tpu.dma_semaphore, #tpu.memory_space<semaphore_mem>>) {add = true}
          %dma_wait3A_394 = arith.constant 0 : i32
          %dma_wait3A_395 = tpu.memref_slice %arg8[%run_scoped3A, %dma_wait3A_394] : memref<2x128xi32, #tpu.memory_space<vmem>> -> memref<1x128xi32, #tpu.memory_space<vmem>>
          %dma_wait3A_396 = tpu.memref_squeeze %dma_wait3A_395 : memref<1x128xi32, #tpu.memory_space<vmem>> -> memref<128xi32, #tpu.memory_space<vmem>>
          %dma_wait3A_397 = arith.constant 0 : i32
          %dma_wait3A_398 = arith.constant 0 : i32
          %dma_wait3A_399 = tpu.memref_slice %arg11[%dma_wait3A_397, %dma_wait3A_398] : memref<10000x128xf32, #tpu.memory_space<vmem_shared>> -> memref<10000x128xf32, #tpu.memory_space<vmem_shared>>
          tpu.wait_indirect_dma semaphore(%run_scoped3A_387 : memref<!tpu.dma_semaphore, #tpu.memory_space<semaphore_mem>>) src(%arg10 : memref<128x128xf32, #tpu.memory_space<vmem>>) dst(%dma_wait3A_399 : memref<10000x128xf32, #tpu.memory_space<vmem_shared>>)
          tpu.yield
        }) : () -> ()
      } else {
      }
      %add3A_346 = arith.constant 7 : i32
      %add3A_347 = arith.addi %mul3A_150, %add3A_346 : i32
      %mul3A_348 = arith.constant 32 : i32
      %mul3A_349 = arith.muli %mul3A_348, %add3A_347 : i32
      %add3A_350 = arith.addi %add3A, %mul3A_349 : i32
      %min3A_351 = arith.constant 2499 : i32
      %min3A_352 = arith.minsi %add3A_350, %min3A_351 : i32
      %lt3A_353 = arith.constant 2500 : i32
      %lt3A_354 = arith.cmpi slt, %add3A_350, %lt3A_353 : i32
      %dma_start3A_355 = arith.constant 0 : i32
      %dma_start3A_356 = arith.constant 0 : i32
      %dma_start3A_357 = tpu.memref_slice %arg3[%min3A_352, %dma_start3A_355, %dma_start3A_356] : memref<2500x2x128xi32, #tpu.memory_space<hbm>> -> memref<1x2x128xi32, #tpu.memory_space<hbm>>
      %dma_start3A_358 = tpu.memref_squeeze %dma_start3A_357 : memref<1x2x128xi32, #tpu.memory_space<hbm>> -> memref<2x128xi32, #tpu.memory_space<hbm>>
      %dma_start3A_359 = arith.constant 0 : i32
      %dma_start3A_360 = arith.constant 0 : i32
      %dma_start3A_361 = tpu.memref_slice %arg3[%min3A_352, %dma_start3A_359, %dma_start3A_360] : memref<2500x2x128xi32, #tpu.memory_space<hbm>> -> memref<1x2x128xi32, #tpu.memory_space<hbm>>
      %dma_start3A_362 = tpu.memref_squeeze %dma_start3A_361 : memref<1x2x128xi32, #tpu.memory_space<hbm>> -> memref<2x128xi32, #tpu.memory_space<hbm>>
      tpu.enqueue_dma source(%dma_start3A_362 : memref<2x128xi32, #tpu.memory_space<hbm>>) target(%arg8 : memref<2x128xi32, #tpu.memory_space<vmem>>) target_semaphore(%arg15 : memref<!tpu.dma_semaphore, #tpu.memory_space<semaphore_mem>>)
      %add3A_363 = arith.constant 4 : i32
      %add3A_364 = arith.addi %mul3A_150, %add3A_363 : i32
      %mul3A_365 = arith.constant 32 : i32
      %mul3A_366 = arith.muli %mul3A_365, %add3A_364 : i32
      %add3A_367 = arith.addi %add3A, %mul3A_366 : i32
      %min3A_368 = arith.constant 2499 : i32
      %min3A_369 = arith.minsi %add3A_367, %min3A_368 : i32
      %lt3A_370 = arith.constant 2500 : i32
      %lt3A_371 = arith.cmpi slt, %add3A_367, %lt3A_370 : i32
      %dma_wait3A_372 = arith.constant 0 : i32
      %dma_wait3A_373 = arith.constant 0 : i32
      %dma_wait3A_374 = tpu.memref_slice %arg3[%min3A_369, %dma_wait3A_372, %dma_wait3A_373] : memref<2500x2x128xi32, #tpu.memory_space<hbm>> -> memref<1x2x128xi32, #tpu.memory_space<hbm>>
      %dma_wait3A_375 = tpu.memref_squeeze %dma_wait3A_374 : memref<1x2x128xi32, #tpu.memory_space<hbm>> -> memref<2x128xi32, #tpu.memory_space<hbm>>
      %dma_wait3A_376 = arith.constant 0 : i32
      %dma_wait3A_377 = arith.constant 0 : i32
      %dma_wait3A_378 = tpu.memref_slice %arg3[%min3A_369, %dma_wait3A_376, %dma_wait3A_377] : memref<2500x2x128xi32, #tpu.memory_space<hbm>> -> memref<1x2x128xi32, #tpu.memory_space<hbm>>
      %dma_wait3A_379 = tpu.memref_squeeze %dma_wait3A_378 : memref<1x2x128xi32, #tpu.memory_space<hbm>> -> memref<2x128xi32, #tpu.memory_space<hbm>>
      tpu.wait_dma2 semaphore(%arg12 : memref<!tpu.dma_semaphore, #tpu.memory_space<semaphore_mem>>) src(%dma_wait3A_379 : memref<2x128xi32, #tpu.memory_space<hbm>>) dst(%arg5 : memref<2x128xi32, #tpu.memory_space<vmem>>)
      %dma_start3A_380 = arith.constant 0 : i32
      %dma_start3A_381 = arith.constant 0 : i32
      %dma_start3A_382 = tpu.memref_slice %arg5[%dma_start3A_380, %dma_start3A_381] : memref<2x128xi32, #tpu.memory_space<vmem>> -> memref<1x128xi32, #tpu.memory_space<vmem>>
      %dma_start3A_383 = tpu.memref_squeeze %dma_start3A_382 : memref<1x128xi32, #tpu.memory_space<vmem>> -> memref<128xi32, #tpu.memory_space<vmem>>
      %dma_start3A_384 = arith.constant 0 : i32
      %dma_start3A_385 = arith.constant 0 : i32
      %dma_start3A_386 = tpu.memref_slice %arg2[%dma_start3A_384, %dma_start3A_385] : memref<10000x128xf32, #tpu.memory_space<hbm>> -> memref<10000x128xf32, #tpu.memory_space<hbm>>
      tpu.enqueue_indirect_dma source(%dma_start3A_386 : memref<10000x128xf32, #tpu.memory_space<hbm>>) target(%arg9 : memref<128x128xf32, #tpu.memory_space<vmem>>) offsets(%dma_start3A_383 : memref<128xi32, #tpu.memory_space<vmem>>) semaphore(%arg16 : memref<!tpu.dma_semaphore, #tpu.memory_space<semaphore_mem>>)
    }
    %scan3A_91 = arith.constant 20 : i32
    %dma_wait3A_92 = arith.constant 0 : i32
    %dma_wait3A_93 = arith.constant 0 : i32
    %dma_wait3A_94 = tpu.memref_slice %arg5[%dma_wait3A_92, %dma_wait3A_93] : memref<2x128xi32, #tpu.memory_space<vmem>> -> memref<1x128xi32, #tpu.memory_space<vmem>>
    %dma_wait3A_95 = tpu.memref_squeeze %dma_wait3A_94 : memref<1x128xi32, #tpu.memory_space<vmem>> -> memref<128xi32, #tpu.memory_space<vmem>>
    %dma_wait3A_96 = arith.constant 0 : i32
    %dma_wait3A_97 = arith.constant 0 : i32
    %dma_wait3A_98 = tpu.memref_slice %arg2[%dma_wait3A_96, %dma_wait3A_97] : memref<10000x128xf32, #tpu.memory_space<hbm>> -> memref<10000x128xf32, #tpu.memory_space<hbm>>
    tpu.wait_indirect_dma semaphore(%arg16 : memref<!tpu.dma_semaphore, #tpu.memory_space<semaphore_mem>>) src(%dma_wait3A_98 : memref<10000x128xf32, #tpu.memory_space<hbm>>) dst(%arg9 : memref<128x128xf32, #tpu.memory_space<vmem>>)
    %add3A_99 = arith.constant 2592 : i32
    %add3A_100 = arith.addi %add3A, %add3A_99 : i32
    %min3A_101 = arith.constant 2499 : i32
    %min3A_102 = arith.minsi %add3A_100, %min3A_101 : i32
    %lt3A_103 = arith.constant 2500 : i32
    %lt3A_104 = arith.cmpi slt, %add3A_100, %lt3A_103 : i32
    %dma_wait3A_105 = arith.constant 0 : i32
    %dma_wait3A_106 = arith.constant 0 : i32
    %dma_wait3A_107 = tpu.memref_slice %arg3[%min3A_102, %dma_wait3A_105, %dma_wait3A_106] : memref<2500x2x128xi32, #tpu.memory_space<hbm>> -> memref<1x2x128xi32, #tpu.memory_space<hbm>>
    %dma_wait3A_108 = tpu.memref_squeeze %dma_wait3A_107 : memref<1x2x128xi32, #tpu.memory_space<hbm>> -> memref<2x128xi32, #tpu.memory_space<hbm>>
    %dma_wait3A_109 = arith.constant 0 : i32
    %dma_wait3A_110 = arith.constant 0 : i32
    %dma_wait3A_111 = tpu.memref_slice %arg3[%min3A_102, %dma_wait3A_109, %dma_wait3A_110] : memref<2500x2x128xi32, #tpu.memory_space<hbm>> -> memref<1x2x128xi32, #tpu.memory_space<hbm>>
    %dma_wait3A_112 = tpu.memref_squeeze %dma_wait3A_111 : memref<1x2x128xi32, #tpu.memory_space<hbm>> -> memref<2x128xi32, #tpu.memory_space<hbm>>
    tpu.wait_dma2 semaphore(%arg13 : memref<!tpu.dma_semaphore, #tpu.memory_space<semaphore_mem>>) src(%dma_wait3A_112 : memref<2x128xi32, #tpu.memory_space<hbm>>) dst(%arg6 : memref<2x128xi32, #tpu.memory_space<vmem>>)
    %add3A_113 = arith.constant 2624 : i32
    %add3A_114 = arith.addi %add3A, %add3A_113 : i32
    %min3A_115 = arith.constant 2499 : i32
    %min3A_116 = arith.minsi %add3A_114, %min3A_115 : i32
    %lt3A_117 = arith.constant 2500 : i32
    %lt3A_118 = arith.cmpi slt, %add3A_114, %lt3A_117 : i32
    %dma_wait3A_119 = arith.constant 0 : i32
    %dma_wait3A_120 = arith.constant 0 : i32
    %dma_wait3A_121 = tpu.memref_slice %arg3[%min3A_116, %dma_wait3A_119, %dma_wait3A_120] : memref<2500x2x128xi32, #tpu.memory_space<hbm>> -> memref<1x2x128xi32, #tpu.memory_space<hbm>>
    %dma_wait3A_122 = tpu.memref_squeeze %dma_wait3A_121 : memref<1x2x128xi32, #tpu.memory_space<hbm>> -> memref<2x128xi32, #tpu.memory_space<hbm>>
    %dma_wait3A_123 = arith.constant 0 : i32
    %dma_wait3A_124 = arith.constant 0 : i32
    %dma_wait3A_125 = tpu.memref_slice %arg3[%min3A_116, %dma_wait3A_123, %dma_wait3A_124] : memref<2500x2x128xi32, #tpu.memory_space<hbm>> -> memref<1x2x128xi32, #tpu.memory_space<hbm>>
    %dma_wait3A_126 = tpu.memref_squeeze %dma_wait3A_125 : memref<1x2x128xi32, #tpu.memory_space<hbm>> -> memref<2x128xi32, #tpu.memory_space<hbm>>
    tpu.wait_dma2 semaphore(%arg14 : memref<!tpu.dma_semaphore, #tpu.memory_space<semaphore_mem>>) src(%dma_wait3A_126 : memref<2x128xi32, #tpu.memory_space<hbm>>) dst(%arg7 : memref<2x128xi32, #tpu.memory_space<vmem>>)
    %add3A_127 = arith.constant 2656 : i32
    %add3A_128 = arith.addi %add3A, %add3A_127 : i32
    %min3A_129 = arith.constant 2499 : i32
    %min3A_130 = arith.minsi %add3A_128, %min3A_129 : i32
    %lt3A_131 = arith.constant 2500 : i32
    %lt3A_132 = arith.cmpi slt, %add3A_128, %lt3A_131 : i32
    %dma_wait3A_133 = arith.constant 0 : i32
    %dma_wait3A_134 = arith.constant 0 : i32
    %dma_wait3A_135 = tpu.memref_slice %arg3[%min3A_130, %dma_wait3A_133, %dma_wait3A_134] : memref<2500x2x128xi32, #tpu.memory_space<hbm>> -> memref<1x2x128xi32, #tpu.memory_space<hbm>>
    %dma_wait3A_136 = tpu.memref_squeeze %dma_wait3A_135 : memref<1x2x128xi32, #tpu.memory_space<hbm>> -> memref<2x128xi32, #tpu.memory_space<hbm>>
    %dma_wait3A_137 = arith.constant 0 : i32
    %dma_wait3A_138 = arith.constant 0 : i32
    %dma_wait3A_139 = tpu.memref_slice %arg3[%min3A_130, %dma_wait3A_137, %dma_wait3A_138] : memref<2500x2x128xi32, #tpu.memory_space<hbm>> -> memref<1x2x128xi32, #tpu.memory_space<hbm>>
    %dma_wait3A_140 = tpu.memref_squeeze %dma_wait3A_139 : memref<1x2x128xi32, #tpu.memory_space<hbm>> -> memref<2x128xi32, #tpu.memory_space<hbm>>
    tpu.wait_dma2 semaphore(%arg15 : memref<!tpu.dma_semaphore, #tpu.memory_space<semaphore_mem>>) src(%dma_wait3A_140 : memref<2x128xi32, #tpu.memory_space<hbm>>) dst(%arg8 : memref<2x128xi32, #tpu.memory_space<vmem>>)
    %barrier3A_141 = arith.constant 0 : index
    tpu.barrier barrier_id(%barrier3A_141)
    %scan3A_142 = arith.constant 0 : i32
    %scan3A_143 = arith.constant 0 : i32
    %scan3A_144 = arith.constant 8 : i32
    %scan3A_145 = arith.addi %scan3A_143, %scan3A_144 : i32
    %scan3A_146 = arith.constant 1 : i32
    scf.for %scan3A_148 = %scan3A_143 to %scan3A_145 step %scan3A_146  : i32 {
      %mul3A_149 = arith.constant 16 : i32
      %mul3A_150 = arith.muli %mul3A_149, %scan3A_148 : i32
      %add3A_151 = arith.addi %arg1, %mul3A_150 : i32
      %lt3A_152 = arith.constant 125 : i32
      %lt3A_153 = arith.cmpi slt, %add3A_151, %lt3A_152 : i32
      %convert_element_type3A = arith.extui %lt3A_153 : i1 to i32
      %cond3A = arith.constant 0 : i32
      %cond3A_154 = arith.cmpi ne, %convert_element_type3A, %cond3A : i32
      scf.if %cond3A_154 {
        %mul3A_155 = arith.constant 80 : i32
        %mul3A_156 = arith.muli %add3A_151, %mul3A_155 : i32
        "tpu.region"() ({
          %run_scoped3A = tpu.sem_alloc : memref<!tpu.dma_semaphore, #tpu.memory_space<semaphore_mem>>
          %dma_start3A_157 = arith.constant 0 : i32
          %dma_start3A_158 = arith.constant 0 : i32
          %dma_start3A_159 = tpu.memref_slice %arg9[%dma_start3A_157, %dma_start3A_158] : memref<128x128xf32, #tpu.memory_space<vmem>> -> memref<80x128xf32, #tpu.memory_space<vmem>>
          %dma_start3A_160 = arith.constant 0 : i32
          %dma_start3A_161 = tpu.memref_slice %arg11[%mul3A_156, %dma_start3A_160] : memref<10000x128xf32, #tpu.memory_space<vmem_shared>> -> memref<80x128xf32, #tpu.memory_space<vmem_shared>>
          %dma_start3A_162 = arith.constant 0 : i32
          %dma_start3A_163 = arith.constant 0 : i32
          %dma_start3A_164 = tpu.memref_slice %arg9[%dma_start3A_162, %dma_start3A_163] : memref<128x128xf32, #tpu.memory_space<vmem>> -> memref<80x128xf32, #tpu.memory_space<vmem>>
          %dma_start3A_165 = arith.constant 0 : i32
          %dma_start3A_166 = tpu.memref_slice %arg11[%mul3A_156, %dma_start3A_165] : memref<10000x128xf32, #tpu.memory_space<vmem_shared>> -> memref<80x128xf32, #tpu.memory_space<vmem_shared>>
          tpu.enqueue_dma source(%dma_start3A_166 : memref<80x128xf32, #tpu.memory_space<vmem_shared>>) target(%dma_start3A_164 : memref<80x128xf32, #tpu.memory_space<vmem>>) target_semaphore(%run_scoped3A : memref<!tpu.dma_semaphore, #tpu.memory_space<semaphore_mem>>)
          %dma_wait3A_167 = arith.constant 0 : i32
          %dma_wait3A_168 = arith.constant 0 : i32
          %dma_wait3A_169 = tpu.memref_slice %arg9[%dma_wait3A_167, %dma_wait3A_168] : memref<128x128xf32, #tpu.memory_space<vmem>> -> memref<80x128xf32, #tpu.memory_space<vmem>>
          %dma_wait3A_170 = arith.constant 0 : i32
          %dma_wait3A_171 = tpu.memref_slice %arg11[%mul3A_156, %dma_wait3A_170] : memref<10000x128xf32, #tpu.memory_space<vmem_shared>> -> memref<80x128xf32, #tpu.memory_space<vmem_shared>>
          %dma_wait3A_172 = arith.constant 0 : i32
          %dma_wait3A_173 = arith.constant 0 : i32
          %dma_wait3A_174 = tpu.memref_slice %arg9[%dma_wait3A_172, %dma_wait3A_173] : memref<128x128xf32, #tpu.memory_space<vmem>> -> memref<80x128xf32, #tpu.memory_space<vmem>>
          %dma_wait3A_175 = arith.constant 0 : i32
          %dma_wait3A_176 = tpu.memref_slice %arg11[%mul3A_156, %dma_wait3A_175] : memref<10000x128xf32, #tpu.memory_space<vmem_shared>> -> memref<80x128xf32, #tpu.memory_space<vmem_shared>>
          tpu.wait_dma2 semaphore(%run_scoped3A : memref<!tpu.dma_semaphore, #tpu.memory_space<semaphore_mem>>) src(%dma_wait3A_176 : memref<80x128xf32, #tpu.memory_space<vmem_shared>>) dst(%dma_wait3A_174 : memref<80x128xf32, #tpu.memory_space<vmem>>)
          tpu.yield
        }) : () -> ()
        "tpu.region"() ({
          %run_scoped3A = tpu.sem_alloc : memref<!tpu.dma_semaphore, #tpu.memory_space<semaphore_mem>>
          %dma_start3A_157 = arith.constant 0 : i32
          %dma_start3A_158 = arith.constant 0 : i32
          %dma_start3A_159 = tpu.memref_slice %arg9[%dma_start3A_157, %dma_start3A_158] : memref<128x128xf32, #tpu.memory_space<vmem>> -> memref<80x128xf32, #tpu.memory_space<vmem>>
          %dma_start3A_160 = arith.constant 0 : i32
          %dma_start3A_161 = tpu.memref_slice %arg4[%arg0, %mul3A_156, %dma_start3A_160] : memref<2x10000x128xf32, #tpu.memory_space<hbm>> -> memref<1x80x128xf32, #tpu.memory_space<hbm>>
          %dma_start3A_162 = tpu.memref_squeeze %dma_start3A_161 : memref<1x80x128xf32, #tpu.memory_space<hbm>> -> memref<80x128xf32, #tpu.memory_space<hbm>>
          %dma_start3A_163 = arith.constant 0 : i32
          %dma_start3A_164 = tpu.memref_slice %arg4[%arg0, %mul3A_156, %dma_start3A_163] : memref<2x10000x128xf32, #tpu.memory_space<hbm>> -> memref<1x80x128xf32, #tpu.memory_space<hbm>>
          %dma_start3A_165 = tpu.memref_squeeze %dma_start3A_164 : memref<1x80x128xf32, #tpu.memory_space<hbm>> -> memref<80x128xf32, #tpu.memory_space<hbm>>
          %dma_start3A_166 = arith.constant 0 : i32
          %dma_start3A_167 = arith.constant 0 : i32
          %dma_start3A_168 = tpu.memref_slice %arg9[%dma_start3A_166, %dma_start3A_167] : memref<128x128xf32, #tpu.memory_space<vmem>> -> memref<80x128xf32, #tpu.memory_space<vmem>>
          tpu.enqueue_dma source(%dma_start3A_168 : memref<80x128xf32, #tpu.memory_space<vmem>>) target(%dma_start3A_165 : memref<80x128xf32, #tpu.memory_space<hbm>>) target_semaphore(%run_scoped3A : memref<!tpu.dma_semaphore, #tpu.memory_space<semaphore_mem>>)
          %dma_wait3A_169 = arith.constant 0 : i32
          %dma_wait3A_170 = arith.constant 0 : i32
          %dma_wait3A_171 = tpu.memref_slice %arg9[%dma_wait3A_169, %dma_wait3A_170] : memref<128x128xf32, #tpu.memory_space<vmem>> -> memref<80x128xf32, #tpu.memory_space<vmem>>
          %dma_wait3A_172 = arith.constant 0 : i32
          %dma_wait3A_173 = tpu.memref_slice %arg4[%arg0, %mul3A_156, %dma_wait3A_172] : memref<2x10000x128xf32, #tpu.memory_space<hbm>> -> memref<1x80x128xf32, #tpu.memory_space<hbm>>
          %dma_wait3A_174 = tpu.memref_squeeze %dma_wait3A_173 : memref<1x80x128xf32, #tpu.memory_space<hbm>> -> memref<80x128xf32, #tpu.memory_space<hbm>>
          %dma_wait3A_175 = arith.constant 0 : i32
          %dma_wait3A_176 = tpu.memref_slice %arg4[%arg0, %mul3A_156, %dma_wait3A_175] : memref<2x10000x128xf32, #tpu.memory_space<hbm>> -> memref<1x80x128xf32, #tpu.memory_space<hbm>>
          %dma_wait3A_177 = tpu.memref_squeeze %dma_wait3A_176 : memref<1x80x128xf32, #tpu.memory_space<hbm>> -> memref<80x128xf32, #tpu.memory_space<hbm>>
          %dma_wait3A_178 = arith.constant 0 : i32
          %dma_wait3A_179 = arith.constant 0 : i32
          %dma_wait3A_180 = tpu.memref_slice %arg9[%dma_wait3A_178, %dma_wait3A_179] : memref<128x128xf32, #tpu.memory_space<vmem>> -> memref<80x128xf32, #tpu.memory_space<vmem>>
          tpu.wait_dma2 semaphore(%run_scoped3A : memref<!tpu.dma_semaphore, #tpu.memory_space<semaphore_mem>>) src(%dma_wait3A_180 : memref<80x128xf32, #tpu.memory_space<vmem>>) dst(%dma_wait3A_177 : memref<80x128xf32, #tpu.memory_space<hbm>>)
          tpu.yield
        }) : () -> ()
      } else {
      }
    }
    %scan3A_147 = arith.constant 8 : i32
    return
  }
}

#map = affine_map<(d0, d1) -> (0, 0)>
#map1 = affine_map<(d0, d1) -> (0)>
module attributes {stable_mosaic.version = 14 : i64} {
  func.func @kfn(%arg0: i32, %arg1: i32, %arg2: memref<10000x128xf32, #tpu.memory_space<hbm>>, %arg3: memref<320000xi32, #tpu.memory_space<hbm>>, %arg4: memref<320000xi32, #tpu.memory_space<hbm>>, %arg5: memref<512x128xi32, #tpu.memory_space<hbm>>, %arg6: memref<65536x128xf32, #tpu.memory_space<hbm>>, %arg7: memref<128xi32, #tpu.memory_space<vmem>>, %arg8: memref<128xi32, #tpu.memory_space<vmem>>, %arg9: memref<128xi32, #tpu.memory_space<vmem>>, %arg10: memref<128x128xf32, #tpu.memory_space<vmem>>, %arg11: memref<128x128xf32, #tpu.memory_space<vmem>>, %arg12: memref<!tpu.dma_semaphore, #tpu.memory_space<semaphore_mem>>, %arg13: memref<!tpu.dma_semaphore, #tpu.memory_space<semaphore_mem>>, %arg14: memref<!tpu.dma_semaphore, #tpu.memory_space<semaphore_mem>>) attributes {dimension_semantics = [#tpu.dimension_semantics<core_parallel>, #tpu.dimension_semantics<subcore_parallel>], iteration_bounds = array<i64: 2, 16>, scalar_prefetch = 0 : i64, scratch_operands = 8 : i64, tpu.core_type = #tpu.core_type<sc_vector_subcore>, window_params = [{transform_indices = #map}, {transform_indices = #map1}, {transform_indices = #map1}, {transform_indices = #map}, {transform_indices = #map}]} {
    %mul3A = arith.constant 2 : i32
    %mul3A_0 = arith.muli %arg1, %mul3A : i32
    %add3A = arith.addi %mul3A_0, %arg0 : i32
    %scan3A = arith.constant 0 : i32
    %scan3A_1 = arith.constant 0 : i32
    %scan3A_2 = arith.constant 16 : i32
    %scan3A_3 = arith.addi %scan3A_1, %scan3A_2 : i32
    %scan3A_4 = arith.constant 1 : i32
    scf.for %scan3A_6 = %scan3A_1 to %scan3A_3 step %scan3A_4  : i32 {
      %mul3A_7 = arith.constant 32 : i32
      %mul3A_8 = arith.muli %mul3A_7, %scan3A_6 : i32
      %add3A_9 = arith.addi %add3A, %mul3A_8 : i32
      "tpu.region"() ({
        %run_scoped3A = tpu.sem_alloc : memref<!tpu.dma_semaphore, #tpu.memory_space<semaphore_mem>>
        %dma_start3A_36 = arith.constant 0 : i32
        %dma_start3A_37 = tpu.memref_slice %arg5[%add3A_9, %dma_start3A_36] : memref<512x128xi32, #tpu.memory_space<hbm>> -> memref<1x128xi32, #tpu.memory_space<hbm>>
        %dma_start3A_38 = tpu.memref_squeeze %dma_start3A_37 : memref<1x128xi32, #tpu.memory_space<hbm>> -> memref<128xi32, #tpu.memory_space<hbm>>
        %dma_start3A_39 = arith.constant 0 : i32
        %dma_start3A_40 = tpu.memref_slice %arg5[%add3A_9, %dma_start3A_39] : memref<512x128xi32, #tpu.memory_space<hbm>> -> memref<1x128xi32, #tpu.memory_space<hbm>>
        %dma_start3A_41 = tpu.memref_squeeze %dma_start3A_40 : memref<1x128xi32, #tpu.memory_space<hbm>> -> memref<128xi32, #tpu.memory_space<hbm>>
        tpu.enqueue_dma source(%dma_start3A_41 : memref<128xi32, #tpu.memory_space<hbm>>) target(%arg7 : memref<128xi32, #tpu.memory_space<vmem>>) target_semaphore(%run_scoped3A : memref<!tpu.dma_semaphore, #tpu.memory_space<semaphore_mem>>)
        %dma_wait3A_42 = arith.constant 0 : i32
        %dma_wait3A_43 = tpu.memref_slice %arg5[%add3A_9, %dma_wait3A_42] : memref<512x128xi32, #tpu.memory_space<hbm>> -> memref<1x128xi32, #tpu.memory_space<hbm>>
        %dma_wait3A_44 = tpu.memref_squeeze %dma_wait3A_43 : memref<1x128xi32, #tpu.memory_space<hbm>> -> memref<128xi32, #tpu.memory_space<hbm>>
        %dma_wait3A_45 = arith.constant 0 : i32
        %dma_wait3A_46 = tpu.memref_slice %arg5[%add3A_9, %dma_wait3A_45] : memref<512x128xi32, #tpu.memory_space<hbm>> -> memref<1x128xi32, #tpu.memory_space<hbm>>
        %dma_wait3A_47 = tpu.memref_squeeze %dma_wait3A_46 : memref<1x128xi32, #tpu.memory_space<hbm>> -> memref<128xi32, #tpu.memory_space<hbm>>
        tpu.wait_dma2 semaphore(%run_scoped3A : memref<!tpu.dma_semaphore, #tpu.memory_space<semaphore_mem>>) src(%dma_wait3A_47 : memref<128xi32, #tpu.memory_space<hbm>>) dst(%arg7 : memref<128xi32, #tpu.memory_space<vmem>>)
        tpu.yield
      }) : () -> ()
      %dma_start3A = arith.constant 0 : i32
      %dma_start3A_10 = tpu.memref_slice %arg3[%dma_start3A] : memref<320000xi32, #tpu.memory_space<hbm>> -> memref<320000xi32, #tpu.memory_space<hbm>>
      tpu.enqueue_indirect_dma source(%dma_start3A_10 : memref<320000xi32, #tpu.memory_space<hbm>>) target(%arg8 : memref<128xi32, #tpu.memory_space<vmem>>) offsets(%arg7 : memref<128xi32, #tpu.memory_space<vmem>>) semaphore(%arg12 : memref<!tpu.dma_semaphore, #tpu.memory_space<semaphore_mem>>)
      %dma_start3A_11 = arith.constant 0 : i32
      %dma_start3A_12 = tpu.memref_slice %arg4[%dma_start3A_11] : memref<320000xi32, #tpu.memory_space<hbm>> -> memref<320000xi32, #tpu.memory_space<hbm>>
      tpu.enqueue_indirect_dma source(%dma_start3A_12 : memref<320000xi32, #tpu.memory_space<hbm>>) target(%arg9 : memref<128xi32, #tpu.memory_space<vmem>>) offsets(%arg7 : memref<128xi32, #tpu.memory_space<vmem>>) semaphore(%arg13 : memref<!tpu.dma_semaphore, #tpu.memory_space<semaphore_mem>>)
      %dma_wait3A = arith.constant 0 : i32
      %dma_wait3A_13 = tpu.memref_slice %arg3[%dma_wait3A] : memref<320000xi32, #tpu.memory_space<hbm>> -> memref<320000xi32, #tpu.memory_space<hbm>>
      tpu.wait_indirect_dma semaphore(%arg12 : memref<!tpu.dma_semaphore, #tpu.memory_space<semaphore_mem>>) src(%dma_wait3A_13 : memref<320000xi32, #tpu.memory_space<hbm>>) dst(%arg8 : memref<128xi32, #tpu.memory_space<vmem>>)
      %dma_wait3A_14 = arith.constant 0 : i32
      %dma_wait3A_15 = tpu.memref_slice %arg4[%dma_wait3A_14] : memref<320000xi32, #tpu.memory_space<hbm>> -> memref<320000xi32, #tpu.memory_space<hbm>>
      tpu.wait_indirect_dma semaphore(%arg13 : memref<!tpu.dma_semaphore, #tpu.memory_space<semaphore_mem>>) src(%dma_wait3A_15 : memref<320000xi32, #tpu.memory_space<hbm>>) dst(%arg9 : memref<128xi32, #tpu.memory_space<vmem>>)
      %dma_start3A_16 = arith.constant 0 : i32
      %dma_start3A_17 = arith.constant 0 : i32
      %dma_start3A_18 = tpu.memref_slice %arg2[%dma_start3A_16, %dma_start3A_17] : memref<10000x128xf32, #tpu.memory_space<hbm>> -> memref<10000x128xf32, #tpu.memory_space<hbm>>
      tpu.enqueue_indirect_dma source(%dma_start3A_18 : memref<10000x128xf32, #tpu.memory_space<hbm>>) target(%arg10 : memref<128x128xf32, #tpu.memory_space<vmem>>) offsets(%arg8 : memref<128xi32, #tpu.memory_space<vmem>>) semaphore(%arg14 : memref<!tpu.dma_semaphore, #tpu.memory_space<semaphore_mem>>)
      %dma_start3A_19 = arith.constant 0 : i32
      %dma_start3A_20 = arith.constant 0 : i32
      %dma_start3A_21 = tpu.memref_slice %arg2[%dma_start3A_19, %dma_start3A_20] : memref<10000x128xf32, #tpu.memory_space<hbm>> -> memref<10000x128xf32, #tpu.memory_space<hbm>>
      tpu.enqueue_indirect_dma source(%dma_start3A_21 : memref<10000x128xf32, #tpu.memory_space<hbm>>) target(%arg11 : memref<128x128xf32, #tpu.memory_space<vmem>>) offsets(%arg9 : memref<128xi32, #tpu.memory_space<vmem>>) semaphore(%arg12 : memref<!tpu.dma_semaphore, #tpu.memory_space<semaphore_mem>>)
      %dma_wait3A_22 = arith.constant 0 : i32
      %dma_wait3A_23 = arith.constant 0 : i32
      %dma_wait3A_24 = tpu.memref_slice %arg2[%dma_wait3A_22, %dma_wait3A_23] : memref<10000x128xf32, #tpu.memory_space<hbm>> -> memref<10000x128xf32, #tpu.memory_space<hbm>>
      tpu.wait_indirect_dma semaphore(%arg14 : memref<!tpu.dma_semaphore, #tpu.memory_space<semaphore_mem>>) src(%dma_wait3A_24 : memref<10000x128xf32, #tpu.memory_space<hbm>>) dst(%arg10 : memref<128x128xf32, #tpu.memory_space<vmem>>)
      %dma_wait3A_25 = arith.constant 0 : i32
      %dma_wait3A_26 = arith.constant 0 : i32
      %dma_wait3A_27 = tpu.memref_slice %arg2[%dma_wait3A_25, %dma_wait3A_26] : memref<10000x128xf32, #tpu.memory_space<hbm>> -> memref<10000x128xf32, #tpu.memory_space<hbm>>
      tpu.wait_indirect_dma semaphore(%arg12 : memref<!tpu.dma_semaphore, #tpu.memory_space<semaphore_mem>>) src(%dma_wait3A_27 : memref<10000x128xf32, #tpu.memory_space<hbm>>) dst(%arg11 : memref<128x128xf32, #tpu.memory_space<vmem>>)
      %scan3A_28 = arith.constant 0 : i32
      %scan3A_29 = arith.constant 0 : i32
      %scan3A_30 = arith.constant 128 : i32
      %scan3A_31 = arith.addi %scan3A_29, %scan3A_30 : i32
      %scan3A_32 = arith.constant 1 : i32
      scf.for %scan3A_36 = %scan3A_29 to %scan3A_31 step %scan3A_32  : i32 {
        %get3A = arith.index_cast %scan3A_36 : i32 to index
        %get3A_37 = arith.constant 0 : index
        %get3A_38 = tpu.vector_load %arg10[%get3A, %get3A_37] {strides = array<i32>} : memref<128x128xf32, #tpu.memory_space<vmem>>, vector<1x16xf32>,
        %get3A_39 = vector.shape_cast %get3A_38 : vector<1x16xf32> to vector<16xf32>
        %get3A_40 = arith.index_cast %scan3A_36 : i32 to index
        %get3A_41 = arith.constant 0 : index
        %get3A_42 = tpu.vector_load %arg11[%get3A_40, %get3A_41] {strides = array<i32>} : memref<128x128xf32, #tpu.memory_space<vmem>>, vector<1x16xf32>,
        %get3A_43 = vector.shape_cast %get3A_42 : vector<1x16xf32> to vector<16xf32>
        %mul3A_44 = arith.mulf %get3A_39, %get3A_43 : vector<16xf32>
        %swap3A = arith.index_cast %scan3A_36 : i32 to index
        %swap3A_45 = arith.constant 0 : index
        %swap3A_46 = tpu.vector_load %arg10[%swap3A, %swap3A_45] {strides = array<i32>} : memref<128x128xf32, #tpu.memory_space<vmem>>, vector<1x16xf32>,
        %swap3A_47 = vector.shape_cast %swap3A_46 : vector<1x16xf32> to vector<16xf32>
        %swap3A_48 = vector.shape_cast %mul3A_44 : vector<16xf32> to vector<1x16xf32>
        tpu.vector_store %arg10[%swap3A, %swap3A_45], %swap3A_48 {strides = array<i32>} : memref<128x128xf32, #tpu.memory_space<vmem>>, vector<1x16xf32>,
        %get3A_49 = arith.index_cast %scan3A_36 : i32 to index
        %get3A_50 = arith.constant 16 : index
        %get3A_51 = tpu.vector_load %arg10[%get3A_49, %get3A_50] {strides = array<i32>} : memref<128x128xf32, #tpu.memory_space<vmem>>, vector<1x16xf32>,
        %get3A_52 = vector.shape_cast %get3A_51 : vector<1x16xf32> to vector<16xf32>
        %get3A_53 = arith.index_cast %scan3A_36 : i32 to index
        %get3A_54 = arith.constant 16 : index
        %get3A_55 = tpu.vector_load %arg11[%get3A_53, %get3A_54] {strides = array<i32>} : memref<128x128xf32, #tpu.memory_space<vmem>>, vector<1x16xf32>,
        %get3A_56 = vector.shape_cast %get3A_55 : vector<1x16xf32> to vector<16xf32>
        %mul3A_57 = arith.mulf %get3A_52, %get3A_56 : vector<16xf32>
        %swap3A_58 = arith.index_cast %scan3A_36 : i32 to index
        %swap3A_59 = arith.constant 16 : index
        %swap3A_60 = tpu.vector_load %arg10[%swap3A_58, %swap3A_59] {strides = array<i32>} : memref<128x128xf32, #tpu.memory_space<vmem>>, vector<1x16xf32>,
        %swap3A_61 = vector.shape_cast %swap3A_60 : vector<1x16xf32> to vector<16xf32>
        %swap3A_62 = vector.shape_cast %mul3A_57 : vector<16xf32> to vector<1x16xf32>
        tpu.vector_store %arg10[%swap3A_58, %swap3A_59], %swap3A_62 {strides = array<i32>} : memref<128x128xf32, #tpu.memory_space<vmem>>, vector<1x16xf32>,
        %get3A_63 = arith.index_cast %scan3A_36 : i32 to index
        %get3A_64 = arith.constant 32 : index
        %get3A_65 = tpu.vector_load %arg10[%get3A_63, %get3A_64] {strides = array<i32>} : memref<128x128xf32, #tpu.memory_space<vmem>>, vector<1x16xf32>,
        %get3A_66 = vector.shape_cast %get3A_65 : vector<1x16xf32> to vector<16xf32>
        %get3A_67 = arith.index_cast %scan3A_36 : i32 to index
        %get3A_68 = arith.constant 32 : index
        %get3A_69 = tpu.vector_load %arg11[%get3A_67, %get3A_68] {strides = array<i32>} : memref<128x128xf32, #tpu.memory_space<vmem>>, vector<1x16xf32>,
        %get3A_70 = vector.shape_cast %get3A_69 : vector<1x16xf32> to vector<16xf32>
        %mul3A_71 = arith.mulf %get3A_66, %get3A_70 : vector<16xf32>
        %swap3A_72 = arith.index_cast %scan3A_36 : i32 to index
        %swap3A_73 = arith.constant 32 : index
        %swap3A_74 = tpu.vector_load %arg10[%swap3A_72, %swap3A_73] {strides = array<i32>} : memref<128x128xf32, #tpu.memory_space<vmem>>, vector<1x16xf32>,
        %swap3A_75 = vector.shape_cast %swap3A_74 : vector<1x16xf32> to vector<16xf32>
        %swap3A_76 = vector.shape_cast %mul3A_71 : vector<16xf32> to vector<1x16xf32>
        tpu.vector_store %arg10[%swap3A_72, %swap3A_73], %swap3A_76 {strides = array<i32>} : memref<128x128xf32, #tpu.memory_space<vmem>>, vector<1x16xf32>,
        %get3A_77 = arith.index_cast %scan3A_36 : i32 to index
        %get3A_78 = arith.constant 48 : index
        %get3A_79 = tpu.vector_load %arg10[%get3A_77, %get3A_78] {strides = array<i32>} : memref<128x128xf32, #tpu.memory_space<vmem>>, vector<1x16xf32>,
        %get3A_80 = vector.shape_cast %get3A_79 : vector<1x16xf32> to vector<16xf32>
        %get3A_81 = arith.index_cast %scan3A_36 : i32 to index
        %get3A_82 = arith.constant 48 : index
        %get3A_83 = tpu.vector_load %arg11[%get3A_81, %get3A_82] {strides = array<i32>} : memref<128x128xf32, #tpu.memory_space<vmem>>, vector<1x16xf32>,
        %get3A_84 = vector.shape_cast %get3A_83 : vector<1x16xf32> to vector<16xf32>
        %mul3A_85 = arith.mulf %get3A_80, %get3A_84 : vector<16xf32>
        %swap3A_86 = arith.index_cast %scan3A_36 : i32 to index
        %swap3A_87 = arith.constant 48 : index
        %swap3A_88 = tpu.vector_load %arg10[%swap3A_86, %swap3A_87] {strides = array<i32>} : memref<128x128xf32, #tpu.memory_space<vmem>>, vector<1x16xf32>,
        %swap3A_89 = vector.shape_cast %swap3A_88 : vector<1x16xf32> to vector<16xf32>
        %swap3A_90 = vector.shape_cast %mul3A_85 : vector<16xf32> to vector<1x16xf32>
        tpu.vector_store %arg10[%swap3A_86, %swap3A_87], %swap3A_90 {strides = array<i32>} : memref<128x128xf32, #tpu.memory_space<vmem>>, vector<1x16xf32>,
        %get3A_91 = arith.index_cast %scan3A_36 : i32 to index
        %get3A_92 = arith.constant 64 : index
        %get3A_93 = tpu.vector_load %arg10[%get3A_91, %get3A_92] {strides = array<i32>} : memref<128x128xf32, #tpu.memory_space<vmem>>, vector<1x16xf32>,
        %get3A_94 = vector.shape_cast %get3A_93 : vector<1x16xf32> to vector<16xf32>
        %get3A_95 = arith.index_cast %scan3A_36 : i32 to index
        %get3A_96 = arith.constant 64 : index
        %get3A_97 = tpu.vector_load %arg11[%get3A_95, %get3A_96] {strides = array<i32>} : memref<128x128xf32, #tpu.memory_space<vmem>>, vector<1x16xf32>,
        %get3A_98 = vector.shape_cast %get3A_97 : vector<1x16xf32> to vector<16xf32>
        %mul3A_99 = arith.mulf %get3A_94, %get3A_98 : vector<16xf32>
        %swap3A_100 = arith.index_cast %scan3A_36 : i32 to index
        %swap3A_101 = arith.constant 64 : index
        %swap3A_102 = tpu.vector_load %arg10[%swap3A_100, %swap3A_101] {strides = array<i32>} : memref<128x128xf32, #tpu.memory_space<vmem>>, vector<1x16xf32>,
        %swap3A_103 = vector.shape_cast %swap3A_102 : vector<1x16xf32> to vector<16xf32>
        %swap3A_104 = vector.shape_cast %mul3A_99 : vector<16xf32> to vector<1x16xf32>
        tpu.vector_store %arg10[%swap3A_100, %swap3A_101], %swap3A_104 {strides = array<i32>} : memref<128x128xf32, #tpu.memory_space<vmem>>, vector<1x16xf32>,
        %get3A_105 = arith.index_cast %scan3A_36 : i32 to index
        %get3A_106 = arith.constant 80 : index
        %get3A_107 = tpu.vector_load %arg10[%get3A_105, %get3A_106] {strides = array<i32>} : memref<128x128xf32, #tpu.memory_space<vmem>>, vector<1x16xf32>,
        %get3A_108 = vector.shape_cast %get3A_107 : vector<1x16xf32> to vector<16xf32>
        %get3A_109 = arith.index_cast %scan3A_36 : i32 to index
        %get3A_110 = arith.constant 80 : index
        %get3A_111 = tpu.vector_load %arg11[%get3A_109, %get3A_110] {strides = array<i32>} : memref<128x128xf32, #tpu.memory_space<vmem>>, vector<1x16xf32>,
        %get3A_112 = vector.shape_cast %get3A_111 : vector<1x16xf32> to vector<16xf32>
        %mul3A_113 = arith.mulf %get3A_108, %get3A_112 : vector<16xf32>
        %swap3A_114 = arith.index_cast %scan3A_36 : i32 to index
        %swap3A_115 = arith.constant 80 : index
        %swap3A_116 = tpu.vector_load %arg10[%swap3A_114, %swap3A_115] {strides = array<i32>} : memref<128x128xf32, #tpu.memory_space<vmem>>, vector<1x16xf32>,
        %swap3A_117 = vector.shape_cast %swap3A_116 : vector<1x16xf32> to vector<16xf32>
        %swap3A_118 = vector.shape_cast %mul3A_113 : vector<16xf32> to vector<1x16xf32>
        tpu.vector_store %arg10[%swap3A_114, %swap3A_115], %swap3A_118 {strides = array<i32>} : memref<128x128xf32, #tpu.memory_space<vmem>>, vector<1x16xf32>,
        %get3A_119 = arith.index_cast %scan3A_36 : i32 to index
        %get3A_120 = arith.constant 96 : index
        %get3A_121 = tpu.vector_load %arg10[%get3A_119, %get3A_120] {strides = array<i32>} : memref<128x128xf32, #tpu.memory_space<vmem>>, vector<1x16xf32>,
        %get3A_122 = vector.shape_cast %get3A_121 : vector<1x16xf32> to vector<16xf32>
        %get3A_123 = arith.index_cast %scan3A_36 : i32 to index
        %get3A_124 = arith.constant 96 : index
        %get3A_125 = tpu.vector_load %arg11[%get3A_123, %get3A_124] {strides = array<i32>} : memref<128x128xf32, #tpu.memory_space<vmem>>, vector<1x16xf32>,
        %get3A_126 = vector.shape_cast %get3A_125 : vector<1x16xf32> to vector<16xf32>
        %mul3A_127 = arith.mulf %get3A_122, %get3A_126 : vector<16xf32>
        %swap3A_128 = arith.index_cast %scan3A_36 : i32 to index
        %swap3A_129 = arith.constant 96 : index
        %swap3A_130 = tpu.vector_load %arg10[%swap3A_128, %swap3A_129] {strides = array<i32>} : memref<128x128xf32, #tpu.memory_space<vmem>>, vector<1x16xf32>,
        %swap3A_131 = vector.shape_cast %swap3A_130 : vector<1x16xf32> to vector<16xf32>
        %swap3A_132 = vector.shape_cast %mul3A_127 : vector<16xf32> to vector<1x16xf32>
        tpu.vector_store %arg10[%swap3A_128, %swap3A_129], %swap3A_132 {strides = array<i32>} : memref<128x128xf32, #tpu.memory_space<vmem>>, vector<1x16xf32>,
        %get3A_133 = arith.index_cast %scan3A_36 : i32 to index
        %get3A_134 = arith.constant 112 : index
        %get3A_135 = tpu.vector_load %arg10[%get3A_133, %get3A_134] {strides = array<i32>} : memref<128x128xf32, #tpu.memory_space<vmem>>, vector<1x16xf32>,
        %get3A_136 = vector.shape_cast %get3A_135 : vector<1x16xf32> to vector<16xf32>
        %get3A_137 = arith.index_cast %scan3A_36 : i32 to index
        %get3A_138 = arith.constant 112 : index
        %get3A_139 = tpu.vector_load %arg11[%get3A_137, %get3A_138] {strides = array<i32>} : memref<128x128xf32, #tpu.memory_space<vmem>>, vector<1x16xf32>,
        %get3A_140 = vector.shape_cast %get3A_139 : vector<1x16xf32> to vector<16xf32>
        %mul3A_141 = arith.mulf %get3A_136, %get3A_140 : vector<16xf32>
        %swap3A_142 = arith.index_cast %scan3A_36 : i32 to index
        %swap3A_143 = arith.constant 112 : index
        %swap3A_144 = tpu.vector_load %arg10[%swap3A_142, %swap3A_143] {strides = array<i32>} : memref<128x128xf32, #tpu.memory_space<vmem>>, vector<1x16xf32>,
        %swap3A_145 = vector.shape_cast %swap3A_144 : vector<1x16xf32> to vector<16xf32>
        %swap3A_146 = vector.shape_cast %mul3A_141 : vector<16xf32> to vector<1x16xf32>
        tpu.vector_store %arg10[%swap3A_142, %swap3A_143], %swap3A_146 {strides = array<i32>} : memref<128x128xf32, #tpu.memory_space<vmem>>, vector<1x16xf32>,
      }
      %scan3A_33 = arith.constant 128 : i32
      %mul3A_34 = arith.constant 128 : i32
      %mul3A_35 = arith.muli %add3A_9, %mul3A_34 : i32
      "tpu.region"() ({
        %run_scoped3A = tpu.sem_alloc : memref<!tpu.dma_semaphore, #tpu.memory_space<semaphore_mem>>
        %dma_start3A_36 = arith.constant 0 : i32
        %dma_start3A_37 = tpu.memref_slice %arg6[%mul3A_35, %dma_start3A_36] : memref<65536x128xf32, #tpu.memory_space<hbm>> -> memref<128x128xf32, #tpu.memory_space<hbm>>
        %dma_start3A_38 = arith.constant 0 : i32
        %dma_start3A_39 = tpu.memref_slice %arg6[%mul3A_35, %dma_start3A_38] : memref<65536x128xf32, #tpu.memory_space<hbm>> -> memref<128x128xf32, #tpu.memory_space<hbm>>
        tpu.enqueue_dma source(%arg10 : memref<128x128xf32, #tpu.memory_space<vmem>>) target(%dma_start3A_39 : memref<128x128xf32, #tpu.memory_space<hbm>>) target_semaphore(%run_scoped3A : memref<!tpu.dma_semaphore, #tpu.memory_space<semaphore_mem>>)
        %dma_wait3A_40 = arith.constant 0 : i32
        %dma_wait3A_41 = tpu.memref_slice %arg6[%mul3A_35, %dma_wait3A_40] : memref<65536x128xf32, #tpu.memory_space<hbm>> -> memref<128x128xf32, #tpu.memory_space<hbm>>
        %dma_wait3A_42 = arith.constant 0 : i32
        %dma_wait3A_43 = tpu.memref_slice %arg6[%mul3A_35, %dma_wait3A_42] : memref<65536x128xf32, #tpu.memory_space<hbm>> -> memref<128x128xf32, #tpu.memory_space<hbm>>
        tpu.wait_dma2 semaphore(%run_scoped3A : memref<!tpu.dma_semaphore, #tpu.memory_space<semaphore_mem>>) src(%arg10 : memref<128x128xf32, #tpu.memory_space<vmem>>) dst(%dma_wait3A_43 : memref<128x128xf32, #tpu.memory_space<hbm>>)
        tpu.yield
      }) : () -> ()
    }
    %scan3A_5 = arith.constant 16 : i32
    return
  }
}

module attributes {stable_mosaic.version = 14 : i64} {
  func.func @body(%arg0: memref<1xf32, #tpu.memory_space<smem>>, %arg1: memref<10000x128xf32, #tpu.memory_space<vmem>>, %arg2: memref<10000x128xf32, #tpu.memory_space<vmem>>, %arg3: memref<10000x128xf32, #tpu.memory_space<vmem>>, %arg4: memref<128x128xf32, #tpu.memory_space<vmem>>, %arg5: memref<1x128xf32, #tpu.memory_space<vmem>>, %arg6: memref<128x128xf32, #tpu.memory_space<vmem>>, %arg7: memref<1x128xf32, #tpu.memory_space<vmem>>, %arg8: memref<128x128xf32, #tpu.memory_space<vmem>>, %arg9: memref<1x128xf32, #tpu.memory_space<vmem>>, %arg10: memref<1x128xf32, #tpu.memory_space<vmem>>, %arg11: memref<1x128xf32, #tpu.memory_space<vmem>>, %arg12: memref<10000x128xf32, #tpu.memory_space<vmem>>) attributes {dimension_semantics = [], scalar_prefetch = 0 : i64, scratch_operands = 0 : i64, tpu.core_type = #tpu.core_type<tc>} {
    %get3A = arith.constant 0 : index
    %get3A_0 = memref.load %arg0[%get3A] : memref<1xf32, #tpu.memory_space<smem>>
    %add3A = arith.constant 1.000000e+00 : f32
    %add3A_1 = arith.addf %add3A, %get3A_0 : f32
    %get3A_2 = arith.constant 0 : index
    %get3A_3 = arith.constant 0 : index
    %get3A_4 = vector.load %arg1[%get3A_2, %get3A_3] : memref<10000x128xf32, #tpu.memory_space<vmem>>, vector<10000x128xf32>
    %mul3A = vector.broadcast %add3A_1 : f32 to vector<10000x128xf32>
    %mul3A_5 = arith.mulf %mul3A, %get3A_4 : vector<10000x128xf32>
    %get3A_6 = arith.constant 0 : index
    %get3A_7 = arith.constant 0 : index
    %get3A_8 = vector.load %arg2[%get3A_6, %get3A_7] : memref<10000x128xf32, #tpu.memory_space<vmem>>, vector<10000x128xf32>
    %add3A_9 = arith.addf %mul3A_5, %get3A_8 : vector<10000x128xf32>
    %get3A_10 = arith.constant 0 : index
    %get3A_11 = arith.constant 0 : index
    %get3A_12 = vector.load %arg3[%get3A_10, %get3A_11] : memref<10000x128xf32, #tpu.memory_space<vmem>>, vector<10000x128xf32>
    %add3A_13 = arith.addf %add3A_9, %get3A_12 : vector<10000x128xf32>
    %get3A_14 = arith.constant 0 : index
    %get3A_15 = arith.constant 0 : index
    %get3A_16 = vector.load %arg4[%get3A_14, %get3A_15] : memref<128x128xf32, #tpu.memory_space<vmem>>, vector<128x128xf32>
    %dot_general3A = arith.constant dense<0.000000e+00> : vector<10000x128xf32>
    %dot_general3A_17 = tpu.matmul %add3A_13, %get3A_16, %dot_general3A {dimension_numbers = #tpu.dot_dimension_numbers<[1], [0], [0], [1], [0, 0, 1, 1], [], []>, transpose_lhs_hint = false} : vector<10000x128xf32>, vector<128x128xf32>, vector<10000x128xf32> -> vector<10000x128xf32>
    %get3A_18 = arith.constant 0 : index
    %get3A_19 = arith.constant 0 : index
    %get3A_20 = vector.load %arg5[%get3A_18, %get3A_19] : memref<1x128xf32, #tpu.memory_space<vmem>>, vector<1x128xf32>
    %add3A_21 = vector.broadcast %get3A_20 : vector<1x128xf32> to vector<10000x128xf32>
    %add3A_22 = arith.addf %dot_general3A_17, %add3A_21 : vector<10000x128xf32>
    %max3A = arith.constant 0.000000e+00 : f32
    %max3A_23 = vector.broadcast %max3A : f32 to vector<10000x128xf32>
    %max3A_24 = arith.maximumf %add3A_22, %max3A_23 : vector<10000x128xf32>
    %get3A_25 = arith.constant 0 : index
    %get3A_26 = arith.constant 0 : index
    %get3A_27 = vector.load %arg6[%get3A_25, %get3A_26] : memref<128x128xf32, #tpu.memory_space<vmem>>, vector<128x128xf32>
    %dot_general3A_28 = arith.constant dense<0.000000e+00> : vector<10000x128xf32>
    %dot_general3A_29 = tpu.matmul %max3A_24, %get3A_27, %dot_general3A_28 {dimension_numbers = #tpu.dot_dimension_numbers<[1], [0], [0], [1], [0, 0, 1, 1], [], []>, transpose_lhs_hint = false} : vector<10000x128xf32>, vector<128x128xf32>, vector<10000x128xf32> -> vector<10000x128xf32>
    %get3A_30 = arith.constant 0 : index
    %get3A_31 = arith.constant 0 : index
    %get3A_32 = vector.load %arg7[%get3A_30, %get3A_31] : memref<1x128xf32, #tpu.memory_space<vmem>>, vector<1x128xf32>
    %add3A_33 = vector.broadcast %get3A_32 : vector<1x128xf32> to vector<10000x128xf32>
    %add3A_34 = arith.addf %dot_general3A_29, %add3A_33 : vector<10000x128xf32>
    %max3A_35 = arith.constant 0.000000e+00 : f32
    %max3A_36 = vector.broadcast %max3A_35 : f32 to vector<10000x128xf32>
    %max3A_37 = arith.maximumf %add3A_34, %max3A_36 : vector<10000x128xf32>
    %get3A_38 = arith.constant 0 : index
    %get3A_39 = arith.constant 0 : index
    %get3A_40 = vector.load %arg8[%get3A_38, %get3A_39] : memref<128x128xf32, #tpu.memory_space<vmem>>, vector<128x128xf32>
    %dot_general3A_41 = arith.constant dense<0.000000e+00> : vector<10000x128xf32>
    %dot_general3A_42 = tpu.matmul %max3A_37, %get3A_40, %dot_general3A_41 {dimension_numbers = #tpu.dot_dimension_numbers<[1], [0], [0], [1], [0, 0, 1, 1], [], []>, transpose_lhs_hint = false} : vector<10000x128xf32>, vector<128x128xf32>, vector<10000x128xf32> -> vector<10000x128xf32>
    %get3A_43 = arith.constant 0 : index
    %get3A_44 = arith.constant 0 : index
    %get3A_45 = vector.load %arg9[%get3A_43, %get3A_44] : memref<1x128xf32, #tpu.memory_space<vmem>>, vector<1x128xf32>
    %add3A_46 = vector.broadcast %get3A_45 : vector<1x128xf32> to vector<10000x128xf32>
    %add3A_47 = arith.addf %dot_general3A_42, %add3A_46 : vector<10000x128xf32>
    %max3A_48 = arith.constant 0.000000e+00 : f32
    %max3A_49 = vector.broadcast %max3A_48 : f32 to vector<10000x128xf32>
    %max3A_50 = arith.maximumf %add3A_47, %max3A_49 : vector<10000x128xf32>
    %reduce_sum3A = arith.constant dense<0.000000e+00> : vector<128xf32>
    %reduce_sum3A_51 = vector.multi_reduction <add>, %max3A_50, %reduce_sum3A [0] : vector<10000x128xf32> to vector<128xf32>
    %broadcast_in_dim3A = vector.shape_cast %reduce_sum3A_51 : vector<128xf32> to vector<1x128xf32>
    %mul3A_52 = arith.constant 9.99999974E-5 : f32
    %mul3A_53 = vector.broadcast %mul3A_52 : f32 to vector<1x128xf32>
    %mul3A_54 = arith.mulf %broadcast_in_dim3A, %mul3A_53 : vector<1x128xf32>
    %mul3A_55 = arith.mulf %max3A_50, %max3A_50 : vector<10000x128xf32>
    %reduce_sum3A_56 = arith.constant dense<0.000000e+00> : vector<128xf32>
    %reduce_sum3A_57 = vector.multi_reduction <add>, %mul3A_55, %reduce_sum3A_56 [0] : vector<10000x128xf32> to vector<128xf32>
    %broadcast_in_dim3A_58 = vector.shape_cast %reduce_sum3A_57 : vector<128xf32> to vector<1x128xf32>
    %mul3A_59 = arith.constant 9.99999974E-5 : f32
    %mul3A_60 = vector.broadcast %mul3A_59 : f32 to vector<1x128xf32>
    %mul3A_61 = arith.mulf %broadcast_in_dim3A_58, %mul3A_60 : vector<1x128xf32>
    %mul3A_62 = arith.mulf %mul3A_54, %mul3A_54 : vector<1x128xf32>
    %sub3A = arith.subf %mul3A_61, %mul3A_62 : vector<1x128xf32>
    %add3A_63 = arith.constant 9.99999974E-6 : f32
    %add3A_64 = vector.broadcast %add3A_63 : f32 to vector<1x128xf32>
    %add3A_65 = arith.addf %sub3A, %add3A_64 : vector<1x128xf32>
    %rsqrt3A = math.rsqrt %add3A_65 : vector<1x128xf32>
    %sub3A_66 = vector.broadcast %mul3A_54 : vector<1x128xf32> to vector<10000x128xf32>
    %sub3A_67 = arith.subf %max3A_50, %sub3A_66 : vector<10000x128xf32>
    %mul3A_68 = vector.broadcast %rsqrt3A : vector<1x128xf32> to vector<10000x128xf32>
    %mul3A_69 = arith.mulf %sub3A_67, %mul3A_68 : vector<10000x128xf32>
    %get3A_70 = arith.constant 0 : index
    %get3A_71 = arith.constant 0 : index
    %get3A_72 = vector.load %arg10[%get3A_70, %get3A_71] : memref<1x128xf32, #tpu.memory_space<vmem>>, vector<1x128xf32>
    %mul3A_73 = vector.broadcast %get3A_72 : vector<1x128xf32> to vector<10000x128xf32>
    %mul3A_74 = arith.mulf %mul3A_69, %mul3A_73 : vector<10000x128xf32>
    %get3A_75 = arith.constant 0 : index
    %get3A_76 = arith.constant 0 : index
    %get3A_77 = vector.load %arg11[%get3A_75, %get3A_76] : memref<1x128xf32, #tpu.memory_space<vmem>>, vector<1x128xf32>
    %add3A_78 = vector.broadcast %get3A_77 : vector<1x128xf32> to vector<10000x128xf32>
    %add3A_79 = arith.addf %mul3A_74, %add3A_78 : vector<10000x128xf32>
    %swap3A = arith.constant 0 : index
    %swap3A_80 = arith.constant 0 : index
    %swap3A_81 = vector.load %arg12[%swap3A, %swap3A_80] : memref<10000x128xf32, #tpu.memory_space<vmem>>, vector<10000x128xf32>
    tpu.vector_store %arg12[%swap3A, %swap3A_80], %add3A_79 {strides = array<i32>} : memref<10000x128xf32, #tpu.memory_space<vmem>>, vector<10000x128xf32>,
    return
  }
}

module attributes {stable_mosaic.version = 14 : i64} {
  func.func @body(%arg0: memref<1xf32, #tpu.memory_space<smem>>, %arg1: memref<10000x128xf32, #tpu.memory_space<vmem>>, %arg2: memref<10000x128xf32, #tpu.memory_space<vmem>>, %arg3: memref<10000x128xf32, #tpu.memory_space<vmem>>, %arg4: memref<128x128xf32, #tpu.memory_space<vmem>>, %arg5: memref<1x128xf32, #tpu.memory_space<vmem>>, %arg6: memref<1x128xf32, #tpu.memory_space<vmem>>, %arg7: memref<1x128xf32, #tpu.memory_space<vmem>>, %arg8: memref<128x128xf32, #tpu.memory_space<vmem>>, %arg9: memref<1x128xf32, #tpu.memory_space<vmem>>, %arg10: memref<128x128xf32, #tpu.memory_space<vmem>>, %arg11: memref<1x128xf32, #tpu.memory_space<vmem>>, %arg12: memref<10000x128xf32, #tpu.memory_space<vmem>>) attributes {dimension_semantics = [], scalar_prefetch = 0 : i64, scratch_operands = 0 : i64, tpu.core_type = #tpu.core_type<tc>} {
    %get3A = arith.constant 0 : index
    %get3A_0 = memref.load %arg0[%get3A] : memref<1xf32, #tpu.memory_space<smem>>
    %add3A = arith.constant 1.000000e+00 : f32
    %add3A_1 = arith.addf %add3A, %get3A_0 : f32
    %get3A_2 = arith.constant 0 : index
    %get3A_3 = arith.constant 0 : index
    %get3A_4 = vector.load %arg1[%get3A_2, %get3A_3] : memref<10000x128xf32, #tpu.memory_space<vmem>>, vector<10000x128xf32>
    %mul3A = vector.broadcast %add3A_1 : f32 to vector<10000x128xf32>
    %mul3A_5 = arith.mulf %mul3A, %get3A_4 : vector<10000x128xf32>
    %get3A_6 = arith.constant 0 : index
    %get3A_7 = arith.constant 0 : index
    %get3A_8 = vector.load %arg2[%get3A_6, %get3A_7] : memref<10000x128xf32, #tpu.memory_space<vmem>>, vector<10000x128xf32>
    %add3A_9 = arith.addf %mul3A_5, %get3A_8 : vector<10000x128xf32>
    %get3A_10 = arith.constant 0 : index
    %get3A_11 = arith.constant 0 : index
    %get3A_12 = vector.load %arg3[%get3A_10, %get3A_11] : memref<10000x128xf32, #tpu.memory_space<vmem>>, vector<10000x128xf32>
    %add3A_13 = arith.addf %add3A_9, %get3A_12 : vector<10000x128xf32>
    %get3A_14 = arith.constant 0 : index
    %get3A_15 = arith.constant 0 : index
    %get3A_16 = vector.load %arg4[%get3A_14, %get3A_15] : memref<128x128xf32, #tpu.memory_space<vmem>>, vector<128x128xf32>
    %dot_general3A = arith.constant dense<0.000000e+00> : vector<10000x128xf32>
    %dot_general3A_17 = tpu.matmul %add3A_13, %get3A_16, %dot_general3A {dimension_numbers = #tpu.dot_dimension_numbers<[1], [0], [0], [1], [0, 0, 1, 1], [], []>, transpose_lhs_hint = false} : vector<10000x128xf32>, vector<128x128xf32>, vector<10000x128xf32> -> vector<10000x128xf32>
    %get3A_18 = arith.constant 0 : index
    %get3A_19 = arith.constant 0 : index
    %get3A_20 = vector.load %arg5[%get3A_18, %get3A_19] : memref<1x128xf32, #tpu.memory_space<vmem>>, vector<1x128xf32>
    %add3A_21 = vector.broadcast %get3A_20 : vector<1x128xf32> to vector<10000x128xf32>
    %add3A_22 = arith.addf %dot_general3A_17, %add3A_21 : vector<10000x128xf32>
    %max3A = arith.constant 0.000000e+00 : f32
    %max3A_23 = vector.broadcast %max3A : f32 to vector<10000x128xf32>
    %max3A_24 = arith.maximumf %add3A_22, %max3A_23 : vector<10000x128xf32>
    %reduce_sum3A = arith.constant dense<0.000000e+00> : vector<128xf32>
    %reduce_sum3A_25 = vector.multi_reduction <add>, %max3A_24, %reduce_sum3A [0] : vector<10000x128xf32> to vector<128xf32>
    %broadcast_in_dim3A = vector.shape_cast %reduce_sum3A_25 : vector<128xf32> to vector<1x128xf32>
    %mul3A_26 = arith.constant 9.99999974E-5 : f32
    %mul3A_27 = vector.broadcast %mul3A_26 : f32 to vector<1x128xf32>
    %mul3A_28 = arith.mulf %broadcast_in_dim3A, %mul3A_27 : vector<1x128xf32>
    %mul3A_29 = arith.mulf %max3A_24, %max3A_24 : vector<10000x128xf32>
    %reduce_sum3A_30 = arith.constant dense<0.000000e+00> : vector<128xf32>
    %reduce_sum3A_31 = vector.multi_reduction <add>, %mul3A_29, %reduce_sum3A_30 [0] : vector<10000x128xf32> to vector<128xf32>
    %broadcast_in_dim3A_32 = vector.shape_cast %reduce_sum3A_31 : vector<128xf32> to vector<1x128xf32>
    %mul3A_33 = arith.constant 9.99999974E-5 : f32
    %mul3A_34 = vector.broadcast %mul3A_33 : f32 to vector<1x128xf32>
    %mul3A_35 = arith.mulf %broadcast_in_dim3A_32, %mul3A_34 : vector<1x128xf32>
    %mul3A_36 = arith.mulf %mul3A_28, %mul3A_28 : vector<1x128xf32>
    %sub3A = arith.subf %mul3A_35, %mul3A_36 : vector<1x128xf32>
    %add3A_37 = arith.constant 9.99999974E-6 : f32
    %add3A_38 = vector.broadcast %add3A_37 : f32 to vector<1x128xf32>
    %add3A_39 = arith.addf %sub3A, %add3A_38 : vector<1x128xf32>
    %rsqrt3A = math.rsqrt %add3A_39 : vector<1x128xf32>
    %sub3A_40 = vector.broadcast %mul3A_28 : vector<1x128xf32> to vector<10000x128xf32>
    %sub3A_41 = arith.subf %max3A_24, %sub3A_40 : vector<10000x128xf32>
    %mul3A_42 = vector.broadcast %rsqrt3A : vector<1x128xf32> to vector<10000x128xf32>
    %mul3A_43 = arith.mulf %sub3A_41, %mul3A_42 : vector<10000x128xf32>
    %get3A_44 = arith.constant 0 : index
    %get3A_45 = arith.constant 0 : index
    %get3A_46 = vector.load %arg6[%get3A_44, %get3A_45] : memref<1x128xf32, #tpu.memory_space<vmem>>, vector<1x128xf32>
    %mul3A_47 = vector.broadcast %get3A_46 : vector<1x128xf32> to vector<10000x128xf32>
    %mul3A_48 = arith.mulf %mul3A_43, %mul3A_47 : vector<10000x128xf32>
    %get3A_49 = arith.constant 0 : index
    %get3A_50 = arith.constant 0 : index
    %get3A_51 = vector.load %arg7[%get3A_49, %get3A_50] : memref<1x128xf32, #tpu.memory_space<vmem>>, vector<1x128xf32>
    %add3A_52 = vector.broadcast %get3A_51 : vector<1x128xf32> to vector<10000x128xf32>
    %add3A_53 = arith.addf %mul3A_48, %add3A_52 : vector<10000x128xf32>
    %get3A_54 = arith.constant 0 : index
    %get3A_55 = arith.constant 0 : index
    %get3A_56 = vector.load %arg8[%get3A_54, %get3A_55] : memref<128x128xf32, #tpu.memory_space<vmem>>, vector<128x128xf32>
    %dot_general3A_57 = arith.constant dense<0.000000e+00> : vector<10000x128xf32>
    %dot_general3A_58 = tpu.matmul %add3A_53, %get3A_56, %dot_general3A_57 {dimension_numbers = #tpu.dot_dimension_numbers<[1], [0], [0], [1], [0, 0, 1, 1], [], []>, transpose_lhs_hint = false} : vector<10000x128xf32>, vector<128x128xf32>, vector<10000x128xf32> -> vector<10000x128xf32>
    %get3A_59 = arith.constant 0 : index
    %get3A_60 = arith.constant 0 : index
    %get3A_61 = vector.load %arg9[%get3A_59, %get3A_60] : memref<1x128xf32, #tpu.memory_space<vmem>>, vector<1x128xf32>
    %add3A_62 = vector.broadcast %get3A_61 : vector<1x128xf32> to vector<10000x128xf32>
    %add3A_63 = arith.addf %dot_general3A_58, %add3A_62 : vector<10000x128xf32>
    %max3A_64 = arith.constant 0.000000e+00 : f32
    %max3A_65 = vector.broadcast %max3A_64 : f32 to vector<10000x128xf32>
    %max3A_66 = arith.maximumf %add3A_63, %max3A_65 : vector<10000x128xf32>
    %get3A_67 = arith.constant 0 : index
    %get3A_68 = arith.constant 0 : index
    %get3A_69 = vector.load %arg10[%get3A_67, %get3A_68] : memref<128x128xf32, #tpu.memory_space<vmem>>, vector<128x128xf32>
    %dot_general3A_70 = arith.constant dense<0.000000e+00> : vector<10000x128xf32>
    %dot_general3A_71 = tpu.matmul %max3A_66, %get3A_69, %dot_general3A_70 {dimension_numbers = #tpu.dot_dimension_numbers<[1], [0], [0], [1], [0, 0, 1, 1], [], []>, transpose_lhs_hint = false} : vector<10000x128xf32>, vector<128x128xf32>, vector<10000x128xf32> -> vector<10000x128xf32>
    %get3A_72 = arith.constant 0 : index
    %get3A_73 = arith.constant 0 : index
    %get3A_74 = vector.load %arg11[%get3A_72, %get3A_73] : memref<1x128xf32, #tpu.memory_space<vmem>>, vector<1x128xf32>
    %add3A_75 = vector.broadcast %get3A_74 : vector<1x128xf32> to vector<10000x128xf32>
    %add3A_76 = arith.addf %dot_general3A_71, %add3A_75 : vector<10000x128xf32>
    %swap3A = arith.constant 0 : index
    %swap3A_77 = arith.constant 0 : index
    %swap3A_78 = vector.load %arg12[%swap3A, %swap3A_77] : memref<10000x128xf32, #tpu.memory_space<vmem>>, vector<10000x128xf32>
    tpu.vector_store %arg12[%swap3A, %swap3A_77], %add3A_76 {strides = array<i32>} : memref<10000x128xf32, #tpu.memory_space<vmem>>, vector<10000x128xf32>,
    return
  }
}

module attributes {stable_mosaic.version = 14 : i64} {
  func.func @body(%arg0: i32, %arg1: memref<2048x128xf32, #tpu.memory_space<vmem>>, %arg2: memref<128x7xf32, #tpu.memory_space<vmem>>, %arg3: memref<1x7xf32, #tpu.memory_space<vmem>>, %arg4: memref<2048x7xf32, #tpu.memory_space<vmem>>) attributes {dimension_semantics = [#tpu.dimension_semantics<arbitrary>], iteration_bounds = array<i64: 32>, scalar_prefetch = 0 : i64, scratch_operands = 0 : i64, tpu.core_type = #tpu.core_type<tc>, window_params = [{transform_indices = @transform_0, window_bounds = array<i64: 2048, 128>}, {pipeline_mode = #tpu.pipeline_mode<synchronous>, transform_indices = @transform_1, window_bounds = array<i64: 128, 7>}, {pipeline_mode = #tpu.pipeline_mode<synchronous>, transform_indices = @transform_2, window_bounds = array<i64: 1, 7>}, {transform_indices = @transform_3, window_bounds = array<i64: 2048, 7>}]} {
    %get3A = arith.constant 0 : index
    %get3A_0 = arith.constant 0 : index
    %get3A_1 = vector.load %arg1[%get3A, %get3A_0] : memref<2048x128xf32, #tpu.memory_space<vmem>>, vector<2048x128xf32>
    %get3A_2 = arith.constant 0 : index
    %get3A_3 = arith.constant 0 : index
    %get3A_4 = vector.load %arg2[%get3A_2, %get3A_3] : memref<128x7xf32, #tpu.memory_space<vmem>>, vector<128x7xf32>
    %dot_general3A = arith.constant dense<0.000000e+00> : vector<2048x7xf32>
    %dot_general3A_5 = tpu.matmul %get3A_1, %get3A_4, %dot_general3A {dimension_numbers = #tpu.dot_dimension_numbers<[1], [0], [0], [1], [0, 0, 1, 1], [], []>, transpose_lhs_hint = false} : vector<2048x128xf32>, vector<128x7xf32>, vector<2048x7xf32> -> vector<2048x7xf32>
    %get3A_6 = arith.constant 0 : index
    %get3A_7 = arith.constant 0 : index
    %get3A_8 = vector.load %arg3[%get3A_6, %get3A_7] : memref<1x7xf32, #tpu.memory_space<vmem>>, vector<1x7xf32>
    %add3A = vector.broadcast %get3A_8 : vector<1x7xf32> to vector<2048x7xf32>
    %add3A_9 = arith.addf %dot_general3A_5, %add3A : vector<2048x7xf32>
    %swap3A = arith.constant 0 : index
    %swap3A_10 = arith.constant 0 : index
    %swap3A_11 = vector.load %arg4[%swap3A, %swap3A_10] : memref<2048x7xf32, #tpu.memory_space<vmem>>, vector<2048x7xf32>
    tpu.vector_store %arg4[%swap3A, %swap3A_10], %add3A_9 {strides = array<i32>} : memref<2048x7xf32, #tpu.memory_space<vmem>>, vector<2048x7xf32>,
    return
  }
  func.func @transform_0(%arg0: i32) -> (i32, i32) {
    %c0_i32 = arith.constant 0 : i32
    %c0_i32_0 = arith.constant 0 : i32
    return %arg0, %c0_i32 : i32, i32
  }
  func.func @transform_1(%arg0: i32) -> (i32, i32) {
    %c0_i32 = arith.constant 0 : i32
    %c0_i32_0 = arith.constant 0 : i32
    %c0_i32_1 = arith.constant 0 : i32
    return %c0_i32, %c0_i32_0 : i32, i32
  }
  func.func @transform_2(%arg0: i32) -> (i32, i32) {
    %c0_i32 = arith.constant 0 : i32
    %c0_i32_0 = arith.constant 0 : i32
    %c0_i32_1 = arith.constant 0 : i32
    return %c0_i32, %c0_i32_0 : i32, i32
  }
  func.func @transform_3(%arg0: i32) -> (i32, i32) {
    %c0_i32 = arith.constant 0 : i32
    %c0_i32_0 = arith.constant 0 : i32
    return %arg0, %c0_i32 : i32, i32
  }
}

</mosaic_0001>

<sc_bundles>
// kernel: kernel.11.cloned.1.call-start
scs
__scs_entry_jumppad:
0x0: {  	(pc) =	sbr.rel $0x88, $3  }
0x1: {  	(tag) =	ssettag $0x0;
	lr =	simm.s32 $0x1  }
0x2: {  	[smem:$0x3F8A] =	sst lr;
	_ =	strace $0xD0000000  }
0x3: {  	_ = 	snop  }
0x4: {  	_ = 	snop  }
0x5: {  	_ = 	snop  }
0x6: {  	_ = 	snop  }
0x7: {  	_ = 	snop  }
__scs_overlays_trampoline_lowered:
0x8: {  	[smem:$0x3F99] =	sst s0  }
0x9: {  	[smem:$0x3F9A] =	sst s1  }
0xa: {  	[smem:$0x3F9B] =	sst s2  }
0xb: {  	[smem:$0x3F9C] =	sst s3  }
0xc: {  	[smem:$0x3F9D] =	sst s4  }
0xd: {  	[smem:$0x3F9E] =	sst s5  }
0xe: {  	[smem:$0x3F9F] =	sst s6  }
0xf: {  	[smem:$0x3FA0] =	sst s7  }
0x10: {  	[smem:$0x3FA1] =	sst s8  }
0x11: {  	[smem:$0x3FA2] =	sst s9;
	s0 =	simm.s32 @!p0 $0x0  }
0x12: {  	s1 =	sld [smem:$0x3F88];
	s0 =	simm.s32 @p0 $0x1  }
0x13: {  	[smem:$0x3FA3] =	sst s0;
	s0 =	simm.s32 @!p1 $0x0  }
0x14: {  	s2 =	sld [smem:$0x3F87];
	s0 =	simm.s32 @p1 $0x1  }
0x15: {  	[smem:$0x3FA4] =	sst s0;
	s0 =	simm.s32 @!p2 $0x0  }
0x16: {  	s3 =	sld [smem:$0x3FDB];
	s0 =	simm.s32 @p2 $0x1  }
0x17: {  	s4 =	simm.s32 $0x1BF5;
	[smem:$0x3FA6] =	sst s0  }
0x18: {  	s0 =	sld [smem:$0x3F89];
	_ =	swait.ge [sflag:s4], $0x0  }
0x19: {  	s7 =	sld [smem:$0x3F8A]  }
0x1a: {  	s8 =	sadd.s32 $0xFFFFE003, lr  }
0x1b: {  	s9 =	sadd.s32 $0xFFFFFEF7, lr;
	s5 =	simm.s32 $0xFFFFFFFF;
	p2 =	slt.u32 s8, $0xFFFFF086  }
0x1c: {  	p1 =	slt.u32 s9, $0xF7A;
	s5 =	simm.s32 @!p2 $0x0  }
0x1d: {  	s5 =	simm.s32 @p1 $0x1;
	p0 =	seq.s32 s7, s2  }
0x1e: {  	s7 =	smul.u32 @!p0 $0xF7A, s2;
	p2 =	seq.s32 @!p0 s5, $0x0  }
0x1f: {  	s9 =	smul.u32 $0xF7A, s1;
	s8 =	simm.s32 @!p0 $0x1BF5;
	p2 =	por !p2, p0  }
0x20: {  	[sflag:s8] =	ssyncset.s32 @!p0 $0xFFFFF086;
	s6 =	sadd.s32 @!p0 s3, s7;
	s7 =	simm.s32 @!p0 $0x108  }
0x21: {  	s3 =	sadd.s32 s3, s9;
	s6 =	sadd.s32 @!p0 $0x88, s6;
	s7 =	simm.s32 @p2 $0x1082  }
0x22: {  	[simem:s7], [sflag:s8] =	dma.local @!p0 [hbm:s6], $0xF7A  }
0x23: {  	s9 =	sor.u32 $0xD0000000, s2;
	s6 =	simm.s32 $0x108;
	_ =	swait.ge @!p0 [sflag:s8], $0x0  }
0x24: {  	s3 =	sadd.s32 $0x88, s3;
	s6 =	simm.s32 @!p1 $0x1082;
	[sflag:s4] =	ssyncset.s32 $0xFFFFF086  }
0x25: {  	[simem:s6], [sflag:s4] =	dma.local [hbm:s3], $0xF7A  }
0x26: {  	[smem:$0x3F8A] =	sst s1;
	(tag) =	ssettag s2;
	_ =	strace s9  }
0x27: {  	s1 =	sld [smem:$0x3F9A]  }
0x28: {  	s2 =	sld [smem:$0x3F9B]  }
0x29: {  	s4 =	sld [smem:$0x3F9D]  }
0x2a: {  	p0 =	seq.s32 s5, $0x0;
	s5 =	sld [smem:$0x3F9E]  }
0x2b: {  	s6 =	sld [smem:$0x3F9F]  }
0x2c: {  	s7 =	sld [smem:$0x3FA0]  }
0x2d: {  	s3 =	simm.s32 $0x108;
	s8 =	sld [smem:$0x3FA1]  }
0x2e: {  	s3 =	simm.s32 @!p0 $0x1082;
	s9 =	sld [smem:$0x3FA2]  }
0x2f: {  	lr =	sadd.s32 s0, s3;
	s0 =	sld [smem:$0x3F99]  }
0x30: {  	s3 =	sld [smem:$0x3F9C]  }
0x31: {  	[smem:$0x3FA5] =	sst s10  }
0x32: {  	s10 =	sld [smem:$0x3FA3];
	_ =	sdelay $0x3  }
0x33: {  	p0 =	seq.s32 s10, $0x1;
	s10 =	sld [smem:$0x3FA5];
	_ =	sdelay $0x3  }
0x34: {  	[smem:$0x3FA5] =	sst s10  }
0x35: {  	s10 =	sld [smem:$0x3FA4];
	_ =	sdelay $0x3  }
0x36: {  	p1 =	seq.s32 s10, $0x1;
	s10 =	sld [smem:$0x3FA5];
	_ =	sdelay $0x3  }
0x37: {  	[smem:$0x3FA5] =	sst s10  }
0x38: {  	s10 =	sld [smem:$0x3FA6]  }
0x39: {  	_ = 	snop;
	(pc) =	sbr.ind lr, $3  }
0x3a: {  	_ = 	snop  }
0x3b: {  	_ = 	snop  }
0x3c: {  	p2 =	seq.s32 s10, $0x1;
	s10 =	sld [smem:$0x3FA5]  }
0x3d: {  	_ =	shalt  }
0x3e: {  	_ =	shalt  }
0x3f: {  	_ =	shalt  }
0x40: {  	_ =	shalt  }
0x41: {  	_ =	shalt  }
0x42: {  	_ =	shalt  }
0x43: {  	_ =	shalt  }
0x44: {  	_ =	shalt  }
0x45: {  	_ =	shalt  }
0x46: {  	_ =	shalt  }
0x47: {  	_ =	shalt  }
0x48: {  	_ =	shalt  }
0x49: {  	_ =	shalt  }
0x4a: {  	_ =	shalt  }
0x4b: {  	_ =	shalt  }
0x4c: {  	_ =	shalt  }
0x4d: {  	_ =	shalt  }
0x4e: {  	_ =	shalt  }
0x4f: {  	_ =	shalt  }
0x50: {  	_ =	shalt  }
0x51: {  	_ =	shalt  }
0x52: {  	_ =	shalt  }
0x53: {  	_ =	shalt  }
0x54: {  	_ =	shalt  }
0x55: {  	_ =	shalt  }
0x56: {  	_ =	shalt  }
0x57: {  	_ =	shalt  }
0x58: {  	_ =	shalt  }
0x59: {  	_ =	shalt  }
0x5a: {  	_ =	shalt  }
0x5b: {  	_ =	shalt  }
0x5c: {  	_ =	shalt  }
0x5d: {  	_ =	shalt  }
0x5e: {  	_ =	shalt  }
0x5f: {  	_ =	shalt  }
0x60: {  	_ =	shalt  }
0x61: {  	_ =	shalt  }
0x62: {  	_ =	shalt  }
0x63: {  	_ =	shalt  }
0x64: {  	_ =	shalt  }
0x65: {  	_ =	shalt  }
0x66: {  	_ =	shalt  }
0x67: {  	_ =	shalt  }
0x68: {  	_ =	shalt  }
0x69: {  	_ =	shalt  }
0x6a: {  	_ =	shalt  }
0x6b: {  	_ =	shalt  }
0x6c: {  	_ =	shalt  }
0x6d: {  	_ =	shalt  }
0x6e: {  	_ =	shalt  }
0x6f: {  	_ =	shalt  }
0x70: {  	_ =	shalt  }
0x71: {  	_ =	shalt  }
0x72: {  	_ =	shalt  }
0x73: {  	_ =	shalt  }
0x74: {  	_ =	shalt  }
0x75: {  	_ =	shalt  }
0x76: {  	_ =	shalt  }
0x77: {  	_ =	shalt  }
0x78: {  	_ =	shalt  }
0x79: {  	_ =	shalt  }
0x7a: {  	_ =	shalt  }
0x7b: {  	_ =	shalt  }
0x7c: {  	_ =	shalt  }
0x7d: {  	_ =	shalt  }
0x7e: {  	_ =	shalt  }
0x7f: {  	_ =	shalt  }
0x80: {  	_ =	shalt  }
0x81: {  	_ =	shalt  }
0x82: {  	_ =	shalt  }
0x83: {  	_ =	shalt  }
0x84: {  	_ =	shalt  }
0x85: {  	_ =	shalt  }
0x86: {  	_ =	shalt  }
0x87: {  	_ =	shalt  }
.Lfunc_end0:
.L_simem_size_0:
called_computation.1_lowered:
.L_overlay_start_0:
0x88: {  	s2 =	sld [smem:$0x3FD9]  }
0x89: {  	s3 =	sld [smem:$0x3FFE];
	_ =	sdelay $0x1  }
0x8a: {  	s1 =	srdreg.scid  }
0x8b: {  	s0 =	sand.u32 $0x1, s1  }
0x8c: {  	s16 =	sshll.u32 s0, $0xA;
	s2 =	sadd.s32 s3, s2  }
0x8d: {  	s2 =	sadd.s32 s2, s16  }
0x8e: {  	[smem:$0x3FB1] =	sst s2  }
0x8f: {  	_ = 	snop  }
0x90: {  	(tm) =	ssettm $0x1  }
0x91: {  	s17 =	sld [smem:$0x3FFB];
	_ =	sdelay $0x3  }
0x92: {  	_ =	strace s17  }
0x93: {  	s2 =	sld [smem:$0x3FFC];
	_ =	sdelay $0x3  }
0x94: {  	_ =	strace s2  }
0x95: {  	s2 =	sld [smem:$0x3FFD];
	_ =	sdelay $0x3  }
0x96: {  	_ =	strace s2  }
0x97: {  	_ =	strace $0x8FFFFFFF  }
0x98: {  	s18 =	sld [smem:$0x3FDB];
	_ =	sdelay $0x1  }
0x99: {  	s19 =	simm.s32 $_scs_section_size  }
0x9a: {  	s4 =	simm.s32 $_size__tile_overlayer_lowered;
	s5 =	simm.s32 $_tile_overlayer_lowered  }
0x9b: {  	s22 =	simm.s32 $0x1BFF;
	s21 =	sshll.u32 s5, $0x1;
	s2 =	sadd.s32 s19, s18  }
0x9c: {  	s6 =	simm.s32 $0x0;
	s20 =	sshll.u32 s4, $0x1;
	s4 =	sadd.s32 s21, s2  }
0x9d: {  	[timem:s6], [sflag:s22] =	dma.local [hbm:s4], s20  }
0x9e: {  	_ =	swait.ge [sflag:s22], s20  }
0x9f: {  	s3 =	ssub.s32 $0x0, s20;
	[sflag:s22] =	ssyncset.done $0x0  }
0xa0: {  	[sflag:s22] =	ssyncadd.s32 s3;
	_ =	sdelay $0x1  }
0xa1: {  	s23 =	simm.s32 $0x1B8B  }
0xa2: {  	_ =	swait.ge [sflag:s23], $0x1  }
0xa3: {  	[sflag:s23] =	ssyncset.done $0x0  }
0xa4: {  	s25 =	simm.s32 $0x1B8E;
	s24 =	sld [smem:$0x3FFE];
	[sflag:s23] =	ssyncadd.s32 $0xFFFFFFFF  }
0xa5: {  	s26 =	simm.s32 $execute0_lowered;
	[smem:$0x3FD2] =	sst s25  }
0xa6: {  	s4 =	sshll.u32 s26, $0x1;
	_ =	strace $0x80000049;
	[dreg:$0x1] =	wrdreg $0xFFFFFFFF  }
0xa7: {  	s28 =	simm.s32 $_size_execute0_lowered;
	s2 =	sadd.s32 s2, s4;
	[dreg:$0x0] =	wrdreg $0x0  }
0xa8: {  	s4 =	sshll.u32 s28, $0x1;
	[dreg:$0x2] =	wrdreg s2  }
0xa9: {  	[dreg:$0x3] =	wrdreg s4  }
0xaa: {  	[dreg:$0x4] =	wrdreg $0xC0  }
0xab: {  	_ =	task [dreg:s6], $0x5FFFF  }
0xac: {  	[dreg:$0x1] =	wrdreg $0xFFFFFFFF  }
0xad: {  	[dreg:$0x0] =	wrdreg $0x60  }
0xae: {  	[dreg:$0x2] =	wrdreg s24  }
0xaf: {  	[dreg:$0x3] =	wrdreg $0x84000  }
0xb0: {  	[dreg:$0x4] =	wrdreg $0x9  }
0xb1: {  	_ =	task.clear_ibuf [dreg:s6], $0x5FFFF;
	_ =	strace $0x90000049  }
0xb2: {  	s29 =	simm.s32 $0x9;
	_ =	strace $0x8000004B  }
0xb3: {  	_ =	swait.ge [sflag:s29], $0x1  }
0xb4: {  	[sflag:s29] =	ssyncadd.s32 $0xFFFFFFFF  }
0xb5: {  	_ =	strace $0x9000004B  }
0xb6: {  	_ =	sfence  }
0xb7: {  	s30 =	sld [smem:$0x0];
	_ =	sdelay $0x2  }
0xb8: {  	s31 =	sshll.u32 s1, $0xD;
	s1 =	sshrl.u32 s1, $0x2  }
0xb9: {  	s3 =	sand.u32 $0x4000, s31;
	s1 =	sadd.s32 s1, s30  }
0xba: {  	s0 =	sor.u32 s3, s0;
	s1 =	sshll.u32 s1, $0x11  }
0xbb: {  	s0 =	sor.u32 s1, s0  }
0xbc: {  	s0 =	sadd.s32 $0x8F2B, s0  }
0xbd: {  	[sflag:s0] =	ssyncadd.remote.s32 $0x1  }
0xbe: {  	_ =	sfence.sel $0xFFFF  }
0xbf: {  	[dreg:$0x0] =	wrdreg $0xFFFFFFFF;
	(pc) =	sbr.abs _section_cstart, $3  }
0xc0: {  	[dreg:$0x1] =	wrdreg $0xFFFFFFFF  }
0xc1: {  	_ =	task.clear_ibuf [dreg:s6], $0x2FFFF;
	_ =	strace $0x9FFFFFFF  }
0xc2: {  	(tm) =	ssettm $0x7FFFFFFF  }
0xc3: {  	_ =	shalt  }
tec
execute0_lowered:
.L_overlay_start_1:
0x0: {  	(tag) =	ssettag $0x1  }
0x1: {  	s0 =	rddreg [dreg:$0x0]  }
0x2: {  	s1 =	rddreg [dreg:$0x1];
	s2 =	simm.s32 $0x0  }
0x3: {  	s3 =	srdreg.scid;
	s24 =	stileid.u32;
	s29 =	simm.s32 $0x400  }
0x4: {  	s30 =	simm.s32 $0x7;
	s31 =	simm.s32 $0x100;
	[smem:$0x7FF] =	sst s2  }
0x5: {  	s4 =	sand.u32 $0x1, s3;
	s3 =	sadd.s32 $0x21800, s0;
	s11 =	smul.u32 $0x2800, s24  }
0x6: {  	s5 =	sadd.s32 $0xDE00, s0;
	s10 =	sor.u32 $0x10, s24;
	s8 =	smul.u32 $0x138800, s4  }
0x7: {  	s0 =	sadd.s32 $0x48A00, s0;
	s14 =	sor.u32 $0x30, s24;
	s12 =	smul.u32 $0x2800, s10  }
0x8: {  	s9 =	sshll.u32 s24, $0x1;
	s17 =	sor.u32 $0x40, s24;
	s18 =	smul.u32 $0x2800, s14  }
0x9: {  	s20 =	sor.u32 $0x60, s24;
	_ =	strace $0x8000004A;
	s19 =	smul.u32 $0x2800, s17  }
0xa: {  	s6 =	ssub.s32 $0x2, s4;
	s16 =	ssub.s32 $0x984, s9;
	s22 =	smul.u32 $0x2800, s20  }
0xb: {  	s7 =	sshrl.u32 s6, $0x1;
	[dreg:$0x3] =	wrdreg s16;
	s16 =	sor.u32 $0x50, s24  }
0xc: {  	s7 =	ssub.s32 s6, s7;
	s6 =	sor.u32 s4, s9;
	s4 =	sor.u32 $0x20, s24  }
0xd: {  	s9 =	ssub.s32 $0x964, s9;
	s21 =	smul.u32 $0x2800, s16;
	s11 =	sadd.s32 s8, s11  }
0xe: {  	s12 =	sadd.s32 s8, s12;
	s18 =	sadd.s32 s8, s18;
	s19 =	sadd.s32 s8, s19  }
0xf: {  	s22 =	sadd.s32 s8, s22;
	s16 =	smul.u32 $0xA000, s16;
	s13 =	sshll.u32 s6, $0x5  }
0x10: {  	s15 =	smul.u32 $0x2800, s4;
	[dreg:$0x4] =	wrdreg s9;
	s9 =	sor.u32 $0x70, s24  }
0x11: {  	s11 =	sshrl.u32 s11, $0x3;
	s12 =	sshrl.u32 s12, $0x3;
	s25 =	sshrl.u32 s18, $0x3  }
0x12: {  	s26 =	sshrl.u32 s19, $0x3;
	s19 =	sshrl.u32 s22, $0x3;
	s22 =	smul.u32 $0xA000, s10  }
0x13: {  	s23 =	smul.u32 $0x2800, s9;
	s21 =	sadd.s32 s8, s21;
	s11 =	sadd.s32 s0, s11  }
0x14: {  	s12 =	sadd.s32 s0, s12;
	p0 =	sgt.u32 s9, $0x7C;
	[dreg:$0x6] =	wrdreg s11  }
0x15: {  	s15 =	sadd.s32 s8, s15;
	[dreg:$0x7] =	wrdreg s12;
	s18 =	sshrl.u32 s21, $0x3  }
0x16: {  	s21 =	simm.s32 $0x180;
	s12 =	sshrl.u32 s22, $0x2;
	s8 =	sadd.s32 s8, s23  }
0x17: {  	s23 =	smul.u32 $0xA000, s24;
	s24 =	sshrl.u32 s15, $0x3;
	s15 =	sadd.s32 s0, s26  }
0x18: {  	[dreg:$0x5] =	wrdreg s21;
	s26 =	smul.u32 $0xA000, s4;
	s22 =	sadd.s32 s12, s1  }
0x19: {  	s12 =	simm.s32 $0x3;
	s11 =	sadd.s32 s0, s24;
	[dreg:$0xa] =	wrdreg s15  }
0x1a: {  	s8 =	sshrl.u32 s8, $0x3;
	[dreg:$0x8] =	wrdreg s11;
	s11 =	sadd.s32 s0, s25  }
0x1b: {  	s25 =	smax.u32 s7, $0x1;
	s10 =	sshrl.u32 s23, $0x2;
	[dreg:$0x9] =	wrdreg s11  }
0x1c: {  	s7 =	simm.s32 $0x1;
	s11 =	sadd.s32 s0, s18;
	[dreg:$0x10] =	wrdreg s25  }
0x1d: {  	s21 =	sadd.s32 s10, s1;
	s18 =	smul.u32 $0xA000, s9;
	s9 =	simm.s32 $0x2  }
0x1e: {  	s10 =	simm.s32 $0x4400;
	[dreg:$0xb] =	wrdreg s11;
	s11 =	sadd.s32 s0, s19  }
0x1f: {  	s0 =	sadd.s32 s0, s8;
	s19 =	sshrl.u32 s16, $0x2;
	s8 =	simm.s32 $0x80  }
0x20: {  	[dreg:$0xc] =	wrdreg s11;
	s11 =	sadd.s32 s5, s13;
	s13 =	smul.u32 $0xA000, s14  }
0x21: {  	s16 =	simm.s32 $0x8;
	[dreg:$0xd] =	wrdreg s0;
	s14 =	smul.u32 $0xA000, s17  }
0x22: {  	s0 =	sshrl.u32 s26, $0x2;
	s17 =	smul.u32 $0xA000, s20;
	s23 =	sshrl.u32 s18, $0x2  }
0x23: {  	s24 =	sadd.s32 $0x400, s11;
	s26 =	sadd.s32 s0, s1;
	[dreg:$0xe] =	wrdreg s11  }
0x24: {  	s25 =	sadd.s32 $0xC00, s11;
	[dreg:$0xf] =	wrdreg s24;
	s4 =	sshrl.u32 s14, $0x2  }
0x25: {  	s0 =	sshrl.u32 s17, $0x2;
	s24 =	sadd.s32 $0x800, s11;
	[dreg:$0x17] =	wrdreg s25  }
0x26: {  	s20 =	sadd.s32 s4, s1;
	s4 =	sadd.s32 s19, s1;
	[dreg:$0x16] =	wrdreg s24  }
0x27: {  	s15 =	sshrl.u32 s13, $0x2;
	s0 =	sadd.s32 s0, s1;
	[dreg:$0x13] =	wrdreg s4  }
0x28: {  	s11 =	simm.s32 $0x5;
	s28 =	sadd.s32 s15, s1;
	[dreg:$0x14] =	wrdreg s0  }
0x29: {  	s13 =	simm.s32 $0x6;
	s14 =	simm.s32 $0x4;
	[dreg:$0x11] =	wrdreg s28  }
0x2a: {  	s17 =	simm.s32 $0x0;
	s0 =	sadd.s32 s23, s1;
	[dreg:$0x12] =	wrdreg s20  }
0x2b: {  	v0 =	vimm.f32 $0.0e+00;
	s4 =	simm.s32 $0x300;
	[dreg:$0x15] =	wrdreg s0;
	s0 =	simm.s32 $0x200  }
.LBB2_1:
0x2c: {  	s15 =	simm.s32 $0x0;
	s18 =	simm.s32 $0x200  }
.LBB2_2:
0x2d: {  	p1 =	sne.s32 s18, $0xFE00;
	[tilespmem:s15+$0x470] =	vst v0  }
0x2e: {  	[tilespmem:s15+$0x400] =	vst v0  }
0x2f: {  	[tilespmem:s15+$0x410] =	vst v0  }
.Ltmp0:
0x30: {  	[tilespmem:s15+$0x420] =	vst v0;
	(pc) =	sbr.rel @p1 .LBB2_2-.Ltmp0, $4  }
0x31: {  	[tilespmem:s15+$0x430] =	vst v0  }
0x32: {  	[tilespmem:s15+$0x440] =	vst v0  }
0x33: {  	[tilespmem:s15+$0x450] =	vst v0  }
0x34: {  	[tilespmem:s15+$0x460] =	vst v0;
	s15 =	sshra.s32 s18, $0x2;
	s18 =	sadd.s32 $0x200, s18  }
0x35: {  	[tilespmem:s15+$0x470] =	vst v0  }
0x36: {  	[tilespmem:s15+$0x400] =	vst v0  }
0x37: {  	[tilespmem:s15+$0x410] =	vst v0  }
0x38: {  	[tilespmem:s15+$0x420] =	vst v0  }
0x39: {  	[tilespmem:s15+$0x430] =	vst v0  }
0x3a: {  	[tilespmem:s15+$0x440] =	vst v0  }
0x3b: {  	[tilespmem:s15+$0x450] =	vst v0  }
0x3c: {  	[tilespmem:s15+$0x460] =	vst v0  }
0x3d: {  	[spmem:s21] =	stream.linear.scatter [tilespmem:s29], [sflag:$0x7], $0x2800, $0x38;
	[tilespmem:$0x1BC80] =	vst v63  }
0x3e: {  	_ =	swait.ge [sflag:s30], $0x2800  }
0x3f: {  	[sflag:s30] =	ssyncset.done $0x0  }
0x40: {  	[sflag:s30] =	ssyncadd.s32 $0xFFFFD800  }
0x41: {  	[spmem:s22] =	stream.linear.scatter [tilespmem:s29], [sflag:$0x7], $0x2800, $0x38;
	[tilespmem:$0x1BC80] =	vst v63  }
0x42: {  	_ =	swait.ge [sflag:s30], $0x2800  }
0x43: {  	[sflag:s30] =	ssyncset.done $0x0  }
0x44: {  	[sflag:s30] =	ssyncadd.s32 $0xFFFFD800  }
0x45: {  	[spmem:s26] =	stream.linear.scatter [tilespmem:s29], [sflag:$0x7], $0x2800, $0x38;
	[tilespmem:$0x1BC80] =	vst v63  }
0x46: {  	_ =	swait.ge [sflag:s30], $0x2800  }
0x47: {  	[sflag:s30] =	ssyncset.done $0x0  }
0x48: {  	[sflag:s30] =	ssyncadd.s32 $0xFFFFD800  }
0x49: {  	[spmem:s28] =	stream.linear.scatter [tilespmem:s29], [sflag:$0x7], $0x2800, $0x38;
	[tilespmem:$0x1BC80] =	vst v63  }
0x4a: {  	_ =	swait.ge [sflag:s30], $0x2800  }
0x4b: {  	[sflag:s30] =	ssyncset.done $0x0  }
0x4c: {  	[sflag:s30] =	ssyncadd.s32 $0xFFFFD800  }
0x4d: {  	[spmem:s20] =	stream.linear.scatter [tilespmem:s29], [sflag:$0x7], $0x2800, $0x38;
	[tilespmem:$0x1BC80] =	vst v63  }
0x4e: {  	_ =	swait.ge [sflag:s30], $0x2800  }
0x4f: {  	[sflag:s30] =	ssyncset.done $0x0  }
0x50: {  	s28 =	rddreg [dreg:$0x13];
	[sflag:s30] =	ssyncadd.s32 $0xFFFFD800  }
0x51: {  	[spmem:s28] =	stream.linear.scatter [tilespmem:s29], [sflag:$0x7], $0x2800, $0x38;
	[tilespmem:$0x1BC80] =	vst v63  }
0x52: {  	_ =	swait.ge [sflag:s30], $0x2800  }
0x53: {  	[sflag:s30] =	ssyncset.done $0x0  }
0x54: {  	s18 =	rddreg [dreg:$0x14];
	[sflag:s30] =	ssyncadd.s32 $0xFFFFD800  }
0x55: {  	[spmem:s18] =	stream.linear.scatter [tilespmem:s29], [sflag:$0x7], $0x2800, $0x38;
	[tilespmem:$0x1BC80] =	vst v63  }
0x56: {  	_ =	swait.ge [sflag:s30], $0x2800  }
0x57: {  	[sflag:s30] =	ssyncset.done $0x0  }
0x58: {  	s15 =	simm.s32 @!p0 $0x400;
	s18 =	rddreg [dreg:$0x15];
	[sflag:s30] =	ssyncadd.s32 $0xFFFFD800  }
0x59: {  	[spmem:s18] =	stream.linear.scatter @!p0 [tilespmem:s15], [sflag:$0x7], $0x2800, $0x38;
	[tilespmem:$0x1BC80] =	vst v63  }
0x5a: {  	s15 =	simm.s32 @!p0 $0x7  }
0x5b: {  	_ =	swait.ge @!p0 [sflag:s15], $0x2800  }
0x5c: {  	[sflag:s15] =	ssyncset.done @!p0 $0x0  }
0x5d: {  	[sflag:s15] =	ssyncadd.s32 @!p0 $0xFFFFD800  }
0x5e: {  	[bflag:$0x0] =	sbarrier.arrive $0xFFFF  }
0x5f: {  	s19 =	simm.s32 $0x0;
	s20 =	rddreg [dreg:$0xe]  }
0x60: {  	[tilespmem:s19], [sflag:$0x1] =	stream.linear.gather [hbm4b:s20+s19], $0x100, $0x38;
	[tilespmem:$0x1BC80] =	vst v63  }
0x61: {  	s23 =	smov.u32 s21;
	s21 =	rddreg [dreg:$0xf]  }
0x62: {  	[tilespmem:s31], [sflag:$0x2] =	stream.linear.gather [hbm4b:s21+s19], $0x100, $0x38;
	[tilespmem:$0x1BC80] =	vst v63  }
0x63: {  	s24 =	smov.u32 s22;
	s22 =	rddreg [dreg:$0x16]  }
0x64: {  	[tilespmem:s0], [sflag:$0x3] =	stream.linear.gather [hbm4b:s22+s19], $0x100, $0x38;
	[tilespmem:$0x1BC80] =	vst v63  }
0x65: {  	s25 =	smov.u32 s26;
	s26 =	rddreg [dreg:$0x17]  }
0x66: {  	[tilespmem:s4], [sflag:$0x4] =	stream.linear.gather [hbm4b:s26+s19], $0x100, $0x38;
	[tilespmem:$0x1BC80] =	vst v63  }
0x67: {  	_ =	swait.ge [sflag:s7], $0x100  }
0x68: {  	[sflag:s7] =	ssyncset.done $0x0  }
0x69: {  	[sflag:s7] =	ssyncadd.s32 $0xFFFFFF00  }
0x6a: {  	[tilespmem:s29], [sflag:$0x5] =	stream.indirect.gather [hbm4b:s3+s8], $0x80, s19, s8, $0xb8;
	[tilespmem:$0x1BC80] =	vst v63  }
0x6b: {  	_ =	swait.ge [sflag:s9], $0x100  }
0x6c: {  	[sflag:s9] =	ssyncset.done $0x0  }
0x6d: {  	[sflag:s9] =	ssyncadd.s32 $0xFFFFFF00  }
0x6e: {  	[tilespmem:s10], [sflag:$0x6] =	stream.indirect.gather [hbm4b:s3+s8], $0x80, s31, s8, $0xb8;
	[tilespmem:$0x1BC80] =	vst v63  }
0x6f: {  	s28 =	sadd.s32 $0x0, s6;
	_ =	swait.ge [sflag:s11], $0x4000  }
0x70: {  	s18 =	sadd.s32 $0x80, s28;
	[sflag:s11] =	ssyncset.done $0x0  }
0x71: {  	p1 =	slt.s32 s18, $0x9C3;
	[sflag:s11] =	ssyncadd.s32 $0xFFFFC000  }
0x72: {  	[spmem:s1] =	stream.indirect.scatter.add.f32 [tilespmem:s29], [sflag:$0x7], $0x80, s8, s8, $0xb8;
	[tilespmem:$0x1BC80] =	vst v63  }
0x73: {  	s18 =	simm.s32 @!p1 $0x9C3;
	_ =	swait.ge [sflag:s30], $0x4000  }
0x74: {  	s18 =	sshll.u32 s18, $0x5;
	[sflag:s30] =	ssyncset.done $0x0  }
0x75: {  	s18 =	sadd.s32 s5, s18;
	[sflag:s30] =	ssyncadd.s32 $0xFFFFC000  }
0x76: {  	[tilespmem:s2], [sflag:$0x1] =	stream.linear.gather [hbm4b:s18+s2], $0x100, $0x38;
	[tilespmem:$0x1BC80] =	vst v63  }
0x77: {  	_ =	swait.ge [sflag:s12], $0x100  }
0x78: {  	[sflag:s12] =	ssyncset.done $0x0  }
0x79: {  	[sflag:s12] =	ssyncadd.s32 $0xFFFFFF00  }
0x7a: {  	[tilespmem:s29], [sflag:$0x5] =	stream.indirect.gather [hbm4b:s3+s8], $0x80, s0, s8, $0xb8;
	[tilespmem:$0x1BC80] =	vst v63  }
0x7b: {  	_ =	swait.ge [sflag:s13], $0x4000  }
0x7c: {  	s19 =	sadd.s32 $0xA0, s28;
	[sflag:s13] =	ssyncset.done $0x0  }
0x7d: {  	p1 =	slt.s32 s19, $0x9C3;
	s20 =	rddreg [dreg:$0x5];
	[sflag:s13] =	ssyncadd.s32 $0xFFFFC000  }
0x7e: {  	[spmem:s1] =	stream.indirect.scatter.add.f32 [tilespmem:s10], [sflag:$0x7], $0x80, s20, s8, $0xb8;
	[tilespmem:$0x1BC80] =	vst v63  }
0x7f: {  	s19 =	simm.s32 @!p1 $0x9C3;
	_ =	swait.ge [sflag:s30], $0x4000  }
0x80: {  	s21 =	sshll.u32 s19, $0x5;
	[sflag:s30] =	ssyncset.done $0x0  }
0x81: {  	s18 =	sadd.s32 s5, s21;
	[sflag:s30] =	ssyncadd.s32 $0xFFFFC000  }
0x82: {  	[tilespmem:s31], [sflag:$0x2] =	stream.linear.gather [hbm4b:s18+s2], $0x100, $0x38;
	[tilespmem:$0x1BC80] =	vst v63  }
0x83: {  	_ =	swait.ge [sflag:s14], $0x100  }
0x84: {  	[sflag:s14] =	ssyncset.done $0x0  }
0x85: {  	[sflag:s14] =	ssyncadd.s32 $0xFFFFFF00  }
0x86: {  	[tilespmem:s10], [sflag:$0x6] =	stream.indirect.gather [hbm4b:s3+s8], $0x80, s4, s8, $0xb8;
	[tilespmem:$0x1BC80] =	vst v63  }
0x87: {  	_ =	swait.ge [sflag:s11], $0x4000  }
0x88: {  	s22 =	rddreg [dreg:$0x3];
	[sflag:s11] =	ssyncset.done $0x0  }
0x89: {  	s19 =	sadd.s32 $0xC0, s28;
	[sflag:s11] =	ssyncadd.s32 $0xFFFFC000;
	p1 =	sle.u32 s22, $0x0  }
0x8a: {  	s18 =	simm.s32 @!p1 $0x280;
	s20 =	simm.s32 @!p1 $0x80;
	s26 =	simm.s32 @!p1 $0x400  }
0x8b: {  	[spmem:s1] =	stream.indirect.scatter.add.f32 @!p1 [tilespmem:s26], [sflag:$0x7], $0x80, s18, s20, $0xb8;
	[tilespmem:$0x1BC80] =	vst v63  }
0x8c: {  	p2 =	slt.s32 s19, $0x9C3;
	s18 =	simm.s32 @!p1 $0x7  }
0x8d: {  	s19 =	simm.s32 @!p2 $0x9C3;
	_ =	swait.ge @!p1 [sflag:s18], $0x4000  }
0x8e: {  	s19 =	sshll.u32 s19, $0x5;
	[sflag:s18] =	ssyncset.done @!p1 $0x0  }
0x8f: {  	s15 =	sadd.s32 $0xE0, s28;
	s26 =	sadd.s32 s5, s19;
	[sflag:s18] =	ssyncadd.s32 @!p1 $0xFFFFC000  }
0x90: {  	[tilespmem:s0], [sflag:$0x3] =	stream.linear.gather [hbm4b:s26+s2], $0x100, $0x38;
	[tilespmem:$0x1BC80] =	vst v63  }
0x91: {  	p1 =	slt.s32 s15, $0x9C3;
	_ =	swait.ge [sflag:s13], $0x4000  }
0x92: {  	s26 =	simm.s32 $0x80;
	s15 =	simm.s32 @!p1 $0x9C3;
	s28 =	rddreg [dreg:$0x4]  }
0x93: {  	s15 =	sshll.u32 s15, $0x5;
	[sflag:s13] =	ssyncset.done $0x0;
	p2 =	sle.u32 s28, $0x0  }
0x94: {  	s18 =	simm.s32 @!p2 $0x80;
	s19 =	simm.s32 @!p2 $0x380;
	s20 =	simm.s32 @!p2 $0x4400  }
.LBB2_4:
0x95: {  	[sflag:s13] =	ssyncadd.s32 $0xFFFFC000;
	s21 =	simm.s32 @!p2 $0x7  }
0x96: {  	[spmem:s1] =	stream.indirect.scatter.add.f32 @!p2 [tilespmem:s20], [sflag:$0x7], $0x80, s19, s18, $0xb8;
	[tilespmem:$0x1BC80] =	vst v63  }
0x97: {  	_ =	swait.ge @!p2 [sflag:s21], $0x4000  }
0x98: {  	[sflag:s21] =	ssyncset.done @!p2 $0x0  }
0x99: {  	s15 =	sadd.s32 s5, s15;
	[sflag:s21] =	ssyncadd.s32 @!p2 $0xFFFFC000  }
0x9a: {  	[tilespmem:s4], [sflag:$0x4] =	stream.linear.gather [hbm4b:s15+s2], $0x100, $0x38;
	[tilespmem:$0x1BC80] =	vst v63  }
0x9b: {  	_ =	swait.ge [sflag:s7], $0x100  }
0x9c: {  	[sflag:s7] =	ssyncset.done $0x0  }
0x9d: {  	[sflag:s7] =	ssyncadd.s32 $0xFFFFFF00  }
0x9e: {  	[tilespmem:s29], [sflag:$0x5] =	stream.indirect.gather [hbm4b:s3+s8], $0x80, s2, s8, $0xb8;
	[tilespmem:$0x1BC80] =	vst v63  }
0x9f: {  	_ =	swait.ge [sflag:s9], $0x100  }
0xa0: {  	[sflag:s9] =	ssyncset.done $0x0  }
0xa1: {  	s28 =	smov.u32 s26;
	[sflag:s9] =	ssyncadd.s32 $0xFFFFFF00  }
0xa2: {  	[tilespmem:s10], [sflag:$0x6] =	stream.indirect.gather [hbm4b:s3+s8], $0x80, s31, s8, $0xb8;
	[tilespmem:$0x1BC80] =	vst v63  }
0xa3: {  	s21 =	sadd.s32 s28, s6;
	_ =	swait.ge [sflag:s11], $0x4000  }
0xa4: {  	s18 =	sadd.s32 $0x80, s21;
	[sflag:s11] =	ssyncset.done $0x0  }
0xa5: {  	p3 =	slt.s32 s18, $0x9C3;
	[sflag:s11] =	ssyncadd.s32 $0xFFFFC000  }
0xa6: {  	[spmem:s1] =	stream.indirect.scatter.add.f32 [tilespmem:s29], [sflag:$0x7], $0x80, s8, s8, $0xb8;
	[tilespmem:$0x1BC80] =	vst v63  }
0xa7: {  	s19 =	sadd.s32 $0xA0, s21;
	s18 =	simm.s32 @!p3 $0x9C3;
	_ =	swait.ge [sflag:s30], $0x4000  }
0xa8: {  	s20 =	sadd.s32 $0xC0, s21;
	s22 =	sshll.u32 s18, $0x5;
	[sflag:s30] =	ssyncset.done $0x0  }
0xa9: {  	s15 =	sadd.s32 $0xE0, s21;
	s21 =	sadd.s32 s5, s22;
	[sflag:s30] =	ssyncadd.s32 $0xFFFFC000  }
0xaa: {  	[tilespmem:s2], [sflag:$0x1] =	stream.linear.gather [hbm4b:s21+s2], $0x100, $0x38;
	[tilespmem:$0x1BC80] =	vst v63  }
0xab: {  	_ =	swait.ge [sflag:s12], $0x100  }
0xac: {  	[sflag:s12] =	ssyncset.done $0x0  }
0xad: {  	[sflag:s12] =	ssyncadd.s32 $0xFFFFFF00  }
0xae: {  	[tilespmem:s29], [sflag:$0x5] =	stream.indirect.gather [hbm4b:s3+s8], $0x80, s0, s8, $0xb8;
	[tilespmem:$0x1BC80] =	vst v63  }
0xaf: {  	_ =	swait.ge [sflag:s13], $0x4000  }
0xb0: {  	[sflag:s13] =	ssyncset.done $0x0  }
0xb1: {  	p2 =	slt.s32 s19, $0x9C3;
	s22 =	rddreg [dreg:$0x5];
	[sflag:s13] =	ssyncadd.s32 $0xFFFFC000  }
0xb2: {  	[spmem:s1] =	stream.indirect.scatter.add.f32 [tilespmem:s10], [sflag:$0x7], $0x80, s22, s8, $0xb8;
	[tilespmem:$0x1BC80] =	vst v63  }
0xb3: {  	s19 =	simm.s32 @!p2 $0x9C3;
	_ =	swait.ge [sflag:s30], $0x4000  }
0xb4: {  	s19 =	sshll.u32 s19, $0x5;
	[sflag:s30] =	ssyncset.done $0x0  }
0xb5: {  	s19 =	sadd.s32 s5, s19;
	[sflag:s30] =	ssyncadd.s32 $0xFFFFC000  }
0xb6: {  	[tilespmem:s31], [sflag:$0x2] =	stream.linear.gather [hbm4b:s19+s2], $0x100, $0x38;
	[tilespmem:$0x1BC80] =	vst v63  }
0xb7: {  	_ =	swait.ge [sflag:s14], $0x100  }
0xb8: {  	[sflag:s14] =	ssyncset.done $0x0  }
0xb9: {  	[sflag:s14] =	ssyncadd.s32 $0xFFFFFF00  }
0xba: {  	[tilespmem:s10], [sflag:$0x6] =	stream.indirect.gather [hbm4b:s3+s8], $0x80, s4, s8, $0xb8;
	[tilespmem:$0x1BC80] =	vst v63  }
0xbb: {  	p2 =	slt.s32 s20, $0x9C3;
	_ =	swait.ge [sflag:s11], $0x4000  }
0xbc: {  	s20 =	simm.s32 @!p2 $0x9C3;
	p2 =	slt.s32 s15, $0x9C3;
	s21 =	rddreg [dreg:$0x3]  }
0xbd: {  	s15 =	simm.s32 @!p2 $0x9C3;
	[sflag:s11] =	ssyncset.done $0x0;
	p2 =	sge.u32 s28, s21  }
0xbe: {  	s18 =	sshll.u32 s20, $0x5;
	[sflag:s11] =	ssyncadd.s32 $0xFFFFC000;
	s19 =	simm.s32 @!p2 $0x280  }
0xbf: {  	s20 =	simm.s32 @!p2 $0x80;
	s21 =	simm.s32 @!p2 $0x400;
	s22 =	simm.s32 @!p2 $0x7  }
0xc0: {  	[spmem:s1] =	stream.indirect.scatter.add.f32 @!p2 [tilespmem:s21], [sflag:$0x7], $0x80, s19, s20, $0xb8;
	[tilespmem:$0x1BC80] =	vst v63  }
0xc1: {  	_ =	swait.ge @!p2 [sflag:s22], $0x4000  }
0xc2: {  	s26 =	sadd.s32 $0x80, s26;
	[sflag:s22] =	ssyncset.done @!p2 $0x0  }
0xc3: {  	p1 =	sne.s32 s26, $0xA00;
	s18 =	sadd.s32 s5, s18;
	[sflag:s22] =	ssyncadd.s32 @!p2 $0xFFFFC000  }
0xc4: {  	[tilespmem:s0], [sflag:$0x3] =	stream.linear.gather [hbm4b:s18+s2], $0x100, $0x38;
	[tilespmem:$0x1BC80] =	vst v63  }
.Ltmp1:
0xc5: {  	_ = 	snop;
	(pc) =	sbr.rel @p1 .LBB2_4-.Ltmp1, $4  }
0xc6: {  	_ =	swait.ge [sflag:s13], $0x4000  }
0xc7: {  	s22 =	rddreg [dreg:$0x4]  }
0xc8: {  	s15 =	sshll.u32 s15, $0x5;
	[sflag:s13] =	ssyncset.done $0x0;
	p2 =	sge.u32 s28, s22  }
0xc9: {  	s18 =	simm.s32 @!p2 $0x80;
	s19 =	simm.s32 @!p2 $0x380;
	s20 =	simm.s32 @!p2 $0x4400  }
0xca: {  	[sflag:s13] =	ssyncadd.s32 $0xFFFFC000  }
0xcb: {  	[spmem:s1] =	stream.indirect.scatter.add.f32 @!p2 [tilespmem:s20], [sflag:$0x7], $0x80, s19, s18, $0xb8;
	[tilespmem:$0x1BC80] =	vst v63  }
0xcc: {  	s18 =	simm.s32 @!p2 $0x7  }
0xcd: {  	_ =	swait.ge @!p2 [sflag:s18], $0x4000  }
0xce: {  	[sflag:s18] =	ssyncset.done @!p2 $0x0  }
0xcf: {  	s15 =	sadd.s32 s5, s15;
	[sflag:s18] =	ssyncadd.s32 @!p2 $0xFFFFC000  }
0xd0: {  	[tilespmem:s4], [sflag:$0x4] =	stream.linear.gather [hbm4b:s15+s2], $0x100, $0x38;
	[tilespmem:$0x1BC80] =	vst v63  }
0xd1: {  	_ =	swait.ge [sflag:s7], $0x100  }
0xd2: {  	[sflag:s7] =	ssyncset.done $0x0  }
0xd3: {  	[sflag:s7] =	ssyncadd.s32 $0xFFFFFF00  }
0xd4: {  	[tilespmem:s29], [sflag:$0x5] =	stream.indirect.gather [hbm4b:s3+s8], $0x80, s2, s8, $0xb8;
	[tilespmem:$0x1BC80] =	vst v63  }
0xd5: {  	_ =	swait.ge [sflag:s11], $0x4000  }
0xd6: {  	[sflag:s11] =	ssyncset.done $0x0  }
0xd7: {  	[sflag:s11] =	ssyncadd.s32 $0xFFFFC000  }
0xd8: {  	_ =	swait.ge [sflag:s9], $0x100  }
0xd9: {  	[sflag:s9] =	ssyncset.done $0x0  }
0xda: {  	[sflag:s9] =	ssyncadd.s32 $0xFFFFFF00  }
0xdb: {  	_ =	swait.ge [sflag:s12], $0x100  }
0xdc: {  	[sflag:s12] =	ssyncset.done $0x0  }
0xdd: {  	[sflag:s12] =	ssyncadd.s32 $0xFFFFFF00  }
0xde: {  	_ =	swait.ge [sflag:s14], $0x100  }
0xdf: {  	[sflag:s14] =	ssyncset.done $0x0  }
0xe0: {  	[sflag:s14] =	ssyncadd.s32 $0xFFFFFF00  }
0xe1: {  	[bflag:$0x0] =	sbarrier.arrive $0xFFFF  }
0xe2: {  	[tilespmem:s29], [sflag:$0x8] =	stream.linear.gather [spmem:s23], $0x2800, $0x38;
	[tilespmem:$0x1BC80] =	vst v63  }
0xe3: {  	_ =	swait.ge [sflag:s16], $0x2800  }
0xe4: {  	[sflag:s16] =	ssyncset.done $0x0  }
0xe5: {  	s19 =	rddreg [dreg:$0x6];
	[sflag:s16] =	ssyncadd.s32 $0xFFFFD800  }
0xe6: {  	[hbm4b:s19+s2] =	stream.linear.scatter [tilespmem:s29], [sflag:$0x7], $0x2800, $0x38;
	[tilespmem:$0x1BC80] =	vst v63  }
0xe7: {  	_ =	swait.ge [sflag:s30], $0x2800  }
0xe8: {  	[sflag:s30] =	ssyncset.done $0x0  }
0xe9: {  	[sflag:s30] =	ssyncadd.s32 $0xFFFFD800  }
0xea: {  	[tilespmem:s29], [sflag:$0x8] =	stream.linear.gather [spmem:s24], $0x2800, $0x38;
	[tilespmem:$0x1BC80] =	vst v63  }
0xeb: {  	_ =	swait.ge [sflag:s16], $0x2800  }
0xec: {  	[sflag:s16] =	ssyncset.done $0x0  }
0xed: {  	s20 =	rddreg [dreg:$0x7];
	[sflag:s16] =	ssyncadd.s32 $0xFFFFD800  }
0xee: {  	[hbm4b:s20+s2] =	stream.linear.scatter [tilespmem:s29], [sflag:$0x7], $0x2800, $0x38;
	[tilespmem:$0x1BC80] =	vst v63  }
0xef: {  	_ =	swait.ge [sflag:s30], $0x2800  }
0xf0: {  	[sflag:s30] =	ssyncset.done $0x0  }
0xf1: {  	[sflag:s30] =	ssyncadd.s32 $0xFFFFD800  }
0xf2: {  	[tilespmem:s29], [sflag:$0x8] =	stream.linear.gather [spmem:s25], $0x2800, $0x38;
	[tilespmem:$0x1BC80] =	vst v63  }
0xf3: {  	_ =	swait.ge [sflag:s16], $0x2800  }
0xf4: {  	[sflag:s16] =	ssyncset.done $0x0  }
0xf5: {  	s21 =	smov.u32 s23;
	s23 =	rddreg [dreg:$0x8];
	[sflag:s16] =	ssyncadd.s32 $0xFFFFD800  }
0xf6: {  	[hbm4b:s23+s2] =	stream.linear.scatter [tilespmem:s29], [sflag:$0x7], $0x2800, $0x38;
	[tilespmem:$0x1BC80] =	vst v63  }
0xf7: {  	_ =	swait.ge [sflag:s30], $0x2800  }
0xf8: {  	[sflag:s30] =	ssyncset.done $0x0  }
0xf9: {  	s28 =	rddreg [dreg:$0x11];
	[sflag:s30] =	ssyncadd.s32 $0xFFFFD800  }
0xfa: {  	[tilespmem:s29], [sflag:$0x8] =	stream.linear.gather [spmem:s28], $0x2800, $0x38;
	[tilespmem:$0x1BC80] =	vst v63  }
0xfb: {  	_ =	swait.ge [sflag:s16], $0x2800  }
0xfc: {  	[sflag:s16] =	ssyncset.done $0x0  }
0xfd: {  	s22 =	smov.u32 s24;
	s24 =	rddreg [dreg:$0x9];
	[sflag:s16] =	ssyncadd.s32 $0xFFFFD800  }
0xfe: {  	[hbm4b:s24+s2] =	stream.linear.scatter [tilespmem:s29], [sflag:$0x7], $0x2800, $0x38;
	[tilespmem:$0x1BC80] =	vst v63  }
0xff: {  	_ =	swait.ge [sflag:s30], $0x2800  }
0x100: {  	[sflag:s30] =	ssyncset.done $0x0  }
0x101: {  	s20 =	rddreg [dreg:$0x12];
	[sflag:s30] =	ssyncadd.s32 $0xFFFFD800  }
0x102: {  	[tilespmem:s29], [sflag:$0x8] =	stream.linear.gather [spmem:s20], $0x2800, $0x38;
	[tilespmem:$0x1BC80] =	vst v63  }
0x103: {  	_ =	swait.ge [sflag:s16], $0x2800  }
0x104: {  	[sflag:s16] =	ssyncset.done $0x0  }
0x105: {  	s26 =	smov.u32 s25;
	s25 =	rddreg [dreg:$0xa];
	[sflag:s16] =	ssyncadd.s32 $0xFFFFD800  }
0x106: {  	[hbm4b:s25+s2] =	stream.linear.scatter [tilespmem:s29], [sflag:$0x7], $0x2800, $0x38;
	[tilespmem:$0x1BC80] =	vst v63  }
0x107: {  	_ =	swait.ge [sflag:s30], $0x2800  }
0x108: {  	[sflag:s30] =	ssyncset.done $0x0  }
0x109: {  	s18 =	rddreg [dreg:$0x13];
	[sflag:s30] =	ssyncadd.s32 $0xFFFFD800  }
0x10a: {  	[tilespmem:s29], [sflag:$0x8] =	stream.linear.gather [spmem:s18], $0x2800, $0x38;
	[tilespmem:$0x1BC80] =	vst v63  }
0x10b: {  	_ =	swait.ge [sflag:s16], $0x2800  }
0x10c: {  	[sflag:s16] =	ssyncset.done $0x0  }
0x10d: {  	s19 =	rddreg [dreg:$0xb];
	[sflag:s16] =	ssyncadd.s32 $0xFFFFD800  }
0x10e: {  	[hbm4b:s19+s2] =	stream.linear.scatter [tilespmem:s29], [sflag:$0x7], $0x2800, $0x38;
	[tilespmem:$0x1BC80] =	vst v63  }
0x10f: {  	_ =	swait.ge [sflag:s30], $0x2800  }
0x110: {  	[sflag:s30] =	ssyncset.done $0x0  }
0x111: {  	s23 =	rddreg [dreg:$0x14];
	[sflag:s30] =	ssyncadd.s32 $0xFFFFD800  }
0x112: {  	[tilespmem:s29], [sflag:$0x8] =	stream.linear.gather [spmem:s23], $0x2800, $0x38;
	[tilespmem:$0x1BC80] =	vst v63  }
0x113: {  	_ =	swait.ge [sflag:s16], $0x2800  }
0x114: {  	[sflag:s16] =	ssyncset.done $0x0  }
0x115: {  	s24 =	rddreg [dreg:$0xc];
	[sflag:s16] =	ssyncadd.s32 $0xFFFFD800  }
0x116: {  	[hbm4b:s24+s2] =	stream.linear.scatter [tilespmem:s29], [sflag:$0x7], $0x2800, $0x38;
	[tilespmem:$0x1BC80] =	vst v63  }
0x117: {  	_ =	swait.ge [sflag:s30], $0x2800  }
0x118: {  	[sflag:s30] =	ssyncset.done $0x0  }
0x119: {  	s15 =	simm.s32 @!p0 $0x400;
	s18 =	rddreg [dreg:$0x15];
	[sflag:s30] =	ssyncadd.s32 $0xFFFFD800  }
0x11a: {  	[tilespmem:s15], [sflag:$0x8] =	stream.linear.gather @!p0 [spmem:s18], $0x2800, $0x38;
	[tilespmem:$0x1BC80] =	vst v63  }
0x11b: {  	s18 =	simm.s32 @!p0 $0x8  }
0x11c: {  	_ =	swait.ge @!p0 [sflag:s18], $0x2800  }
0x11d: {  	[sflag:s18] =	ssyncset.done @!p0 $0x0  }
0x11e: {  	s19 =	rddreg [dreg:$0xd];
	[sflag:s18] =	ssyncadd.s32 @!p0 $0xFFFFD800;
	s18 =	simm.s32 @!p0 $0x0  }
0x11f: {  	[hbm4b:s19+s18] =	stream.linear.scatter @!p0 [tilespmem:s15], [sflag:$0x7], $0x2800, $0x38;
	[tilespmem:$0x1BC80] =	vst v63  }
0x120: {  	s15 =	simm.s32 @!p0 $0x7  }
0x121: {  	_ =	swait.ge @!p0 [sflag:s15], $0x2800  }
0x122: {  	s17 =	sadd.s32 $0x1, s17;
	s25 =	rddreg [dreg:$0x10]  }
0x123: {  	p1 =	sne.s32 s17, s25  }
.Ltmp2:
0x124: {  	_ = 	snop;
	(pc) =	sbr.rel @p1 .LBB2_1-.Ltmp2, $3  }
0x125: {  	_ =	sdelay $0x1  }
0x126: {  	[sflag:s15] =	ssyncset.done @!p0 $0x0  }
0x127: {  	[sflag:s15] =	ssyncadd.s32 @!p0 $0xFFFFD800  }
0x128: {  	_ =	sfence.sel $0x180000  }
0x129: {  	[bflag:$0x0] =	sbarrier.arrive $0xFFFF  }
0x12a: {  	_ =	strace $0x9000004A  }
0x12b: {  	s0 =	stileid.u32;
	[bflag:$0x2] =	sbarrier.arrive $0xFFFF  }
0x12c: {  	p0 =	sne.s32 s0, $0x0;
	s0 =	rddreg [dreg:$0x2]  }
0x12d: {  	s0 =	sadd.s32 @!p0 $0x100000, s0  }
0x12e: {  	[sflag:s0] =	ssyncadd.tile.s32 @!p0 $0x1;
	_ =	shalt  }
.Lfunc_end2:
_tile_overlayer_lowered:
.L_overlay_start_2:
0x12f: {  	(tag) =	ssettag $0x2  }
0x130: {  	s0 =	rddreg [dreg:$0x0];
	s2 =	stileid.u32  }
0x131: {  	s1 =	rddreg [dreg:$0x1];
	p0 =	sne.s32 s2, $0x0  }
0x132: {  	s3 =	rddreg [dreg:$0x2];
	[bflag:$0x3] =	sbarrier.arrive $0xFFFF;
	s2 =	simm.s32 @!p0 $0x1C07  }
0x133: {  	[timem:s3], [sflag:s2] =	dma.local @!p0 [hbm:s0], s1  }
0x134: {  	s0 =	simm.s32 @!p0 $0x7  }
0x135: {  	_ =	swait.ge @!p0 [sflag:s0], s1  }
0x136: {  	s1 =	ssub.s32 @!p0 $0x0, s1;
	[sflag:s0] =	ssyncset.done @!p0 $0x0  }
0x137: {  	[sflag:s0] =	ssyncadd.s32 @!p0 s1  }
0x138: {  	[bflag:$0x3] =	sbarrier.arrive $0xFFFF  }
0x139: {  	_ =	shalt  }

// kernel: kernel.14.cloned.1.call-start
scs
__scs_entry_jumppad:
0x0: {  	(pc) =	sbr.rel $0x88, $3  }
0x1: {  	(tag) =	ssettag $0x0;
	lr =	simm.s32 $0x1  }
0x2: {  	[smem:$0x3F8A] =	sst lr;
	_ =	strace $0xD0000000  }
0x3: {  	_ = 	snop  }
0x4: {  	_ = 	snop  }
0x5: {  	_ = 	snop  }
0x6: {  	_ = 	snop  }
0x7: {  	_ = 	snop  }
__scs_overlays_trampoline_lowered:
0x8: {  	[smem:$0x3F99] =	sst s0  }
0x9: {  	[smem:$0x3F9A] =	sst s1  }
0xa: {  	[smem:$0x3F9B] =	sst s2  }
0xb: {  	[smem:$0x3F9C] =	sst s3  }
0xc: {  	[smem:$0x3F9D] =	sst s4  }
0xd: {  	[smem:$0x3F9E] =	sst s5  }
0xe: {  	[smem:$0x3F9F] =	sst s6  }
0xf: {  	[smem:$0x3FA0] =	sst s7  }
0x10: {  	[smem:$0x3FA1] =	sst s8  }
0x11: {  	[smem:$0x3FA2] =	sst s9;
	s0 =	simm.s32 @!p0 $0x0  }
0x12: {  	s1 =	sld [smem:$0x3F88];
	s0 =	simm.s32 @p0 $0x1  }
0x13: {  	[smem:$0x3FA3] =	sst s0;
	s0 =	simm.s32 @!p1 $0x0  }
0x14: {  	s2 =	sld [smem:$0x3F87];
	s0 =	simm.s32 @p1 $0x1  }
0x15: {  	[smem:$0x3FA4] =	sst s0;
	s0 =	simm.s32 @!p2 $0x0  }
0x16: {  	s3 =	sld [smem:$0x3FDB];
	s0 =	simm.s32 @p2 $0x1  }
0x17: {  	s4 =	simm.s32 $0x1BF5;
	[smem:$0x3FA6] =	sst s0  }
0x18: {  	s0 =	sld [smem:$0x3F89];
	_ =	swait.ge [sflag:s4], $0x0  }
0x19: {  	s7 =	sld [smem:$0x3F8A]  }
0x1a: {  	s8 =	sadd.s32 $0xFFFFE003, lr  }
0x1b: {  	s9 =	sadd.s32 $0xFFFFFEF7, lr;
	s5 =	simm.s32 $0xFFFFFFFF;
	p2 =	slt.u32 s8, $0xFFFFF086  }
0x1c: {  	p1 =	slt.u32 s9, $0xF7A;
	s5 =	simm.s32 @!p2 $0x0  }
0x1d: {  	s5 =	simm.s32 @p1 $0x1;
	p0 =	seq.s32 s7, s2  }
0x1e: {  	s7 =	smul.u32 @!p0 $0xF7A, s2;
	p2 =	seq.s32 @!p0 s5, $0x0  }
0x1f: {  	s9 =	smul.u32 $0xF7A, s1;
	s8 =	simm.s32 @!p0 $0x1BF5;
	p2 =	por !p2, p0  }
0x20: {  	[sflag:s8] =	ssyncset.s32 @!p0 $0xFFFFF086;
	s6 =	sadd.s32 @!p0 s3, s7;
	s7 =	simm.s32 @!p0 $0x108  }
0x21: {  	s3 =	sadd.s32 s3, s9;
	s6 =	sadd.s32 @!p0 $0x88, s6;
	s7 =	simm.s32 @p2 $0x1082  }
0x22: {  	[simem:s7], [sflag:s8] =	dma.local @!p0 [hbm:s6], $0xF7A  }
0x23: {  	s9 =	sor.u32 $0xD0000000, s2;
	s6 =	simm.s32 $0x108;
	_ =	swait.ge @!p0 [sflag:s8], $0x0  }
0x24: {  	s3 =	sadd.s32 $0x88, s3;
	s6 =	simm.s32 @!p1 $0x1082;
	[sflag:s4] =	ssyncset.s32 $0xFFFFF086  }
0x25: {  	[simem:s6], [sflag:s4] =	dma.local [hbm:s3], $0xF7A  }
0x26: {  	[smem:$0x3F8A] =	sst s1;
	(tag) =	ssettag s2;
	_ =	strace s9  }
0x27: {  	s1 =	sld [smem:$0x3F9A]  }
0x28: {  	s2 =	sld [smem:$0x3F9B]  }
0x29: {  	s4 =	sld [smem:$0x3F9D]  }
0x2a: {  	p0 =	seq.s32 s5, $0x0;
	s5 =	sld [smem:$0x3F9E]  }
0x2b: {  	s6 =	sld [smem:$0x3F9F]  }
0x2c: {  	s7 =	sld [smem:$0x3FA0]  }
0x2d: {  	s3 =	simm.s32 $0x108;
	s8 =	sld [smem:$0x3FA1]  }
0x2e: {  	s3 =	simm.s32 @!p0 $0x1082;
	s9 =	sld [smem:$0x3FA2]  }
0x2f: {  	lr =	sadd.s32 s0, s3;
	s0 =	sld [smem:$0x3F99]  }
0x30: {  	s3 =	sld [smem:$0x3F9C]  }
0x31: {  	[smem:$0x3FA5] =	sst s10  }
0x32: {  	s10 =	sld [smem:$0x3FA3];
	_ =	sdelay $0x3  }
0x33: {  	p0 =	seq.s32 s10, $0x1;
	s10 =	sld [smem:$0x3FA5];
	_ =	sdelay $0x3  }
0x34: {  	[smem:$0x3FA5] =	sst s10  }
0x35: {  	s10 =	sld [smem:$0x3FA4];
	_ =	sdelay $0x3  }
0x36: {  	p1 =	seq.s32 s10, $0x1;
	s10 =	sld [smem:$0x3FA5];
	_ =	sdelay $0x3  }
0x37: {  	[smem:$0x3FA5] =	sst s10  }
0x38: {  	s10 =	sld [smem:$0x3FA6]  }
0x39: {  	_ = 	snop;
	(pc) =	sbr.ind lr, $3  }
0x3a: {  	_ = 	snop  }
0x3b: {  	_ = 	snop  }
0x3c: {  	p2 =	seq.s32 s10, $0x1;
	s10 =	sld [smem:$0x3FA5]  }
0x3d: {  	_ =	shalt  }
0x3e: {  	_ =	shalt  }
0x3f: {  	_ =	shalt  }
0x40: {  	_ =	shalt  }
0x41: {  	_ =	shalt  }
0x42: {  	_ =	shalt  }
0x43: {  	_ =	shalt  }
0x44: {  	_ =	shalt  }
0x45: {  	_ =	shalt  }
0x46: {  	_ =	shalt  }
0x47: {  	_ =	shalt  }
0x48: {  	_ =	shalt  }
0x49: {  	_ =	shalt  }
0x4a: {  	_ =	shalt  }
0x4b: {  	_ =	shalt  }
0x4c: {  	_ =	shalt  }
0x4d: {  	_ =	shalt  }
0x4e: {  	_ =	shalt  }
0x4f: {  	_ =	shalt  }
0x50: {  	_ =	shalt  }
0x51: {  	_ =	shalt  }
0x52: {  	_ =	shalt  }
0x53: {  	_ =	shalt  }
0x54: {  	_ =	shalt  }
0x55: {  	_ =	shalt  }
0x56: {  	_ =	shalt  }
0x57: {  	_ =	shalt  }
0x58: {  	_ =	shalt  }
0x59: {  	_ =	shalt  }
0x5a: {  	_ =	shalt  }
0x5b: {  	_ =	shalt  }
0x5c: {  	_ =	shalt  }
0x5d: {  	_ =	shalt  }
0x5e: {  	_ =	shalt  }
0x5f: {  	_ =	shalt  }
0x60: {  	_ =	shalt  }
0x61: {  	_ =	shalt  }
0x62: {  	_ =	shalt  }
0x63: {  	_ =	shalt  }
0x64: {  	_ =	shalt  }
0x65: {  	_ =	shalt  }
0x66: {  	_ =	shalt  }
0x67: {  	_ =	shalt  }
0x68: {  	_ =	shalt  }
0x69: {  	_ =	shalt  }
0x6a: {  	_ =	shalt  }
0x6b: {  	_ =	shalt  }
0x6c: {  	_ =	shalt  }
0x6d: {  	_ =	shalt  }
0x6e: {  	_ =	shalt  }
0x6f: {  	_ =	shalt  }
0x70: {  	_ =	shalt  }
0x71: {  	_ =	shalt  }
0x72: {  	_ =	shalt  }
0x73: {  	_ =	shalt  }
0x74: {  	_ =	shalt  }
0x75: {  	_ =	shalt  }
0x76: {  	_ =	shalt  }
0x77: {  	_ =	shalt  }
0x78: {  	_ =	shalt  }
0x79: {  	_ =	shalt  }
0x7a: {  	_ =	shalt  }
0x7b: {  	_ =	shalt  }
0x7c: {  	_ =	shalt  }
0x7d: {  	_ =	shalt  }
0x7e: {  	_ =	shalt  }
0x7f: {  	_ =	shalt  }
0x80: {  	_ =	shalt  }
0x81: {  	_ =	shalt  }
0x82: {  	_ =	shalt  }
0x83: {  	_ =	shalt  }
0x84: {  	_ =	shalt  }
0x85: {  	_ =	shalt  }
0x86: {  	_ =	shalt  }
0x87: {  	_ =	shalt  }
.Lfunc_end0:
.L_simem_size_0:
called_computation.2_lowered:
.L_overlay_start_0:
0x88: {  	s2 =	sld [smem:$0x3FD9]  }
0x89: {  	s3 =	sld [smem:$0x3FFE];
	_ =	sdelay $0x1  }
0x8a: {  	s1 =	srdreg.scid  }
0x8b: {  	s0 =	sand.u32 $0x1, s1  }
0x8c: {  	s17 =	sshll.u32 s0, $0xA;
	s2 =	sadd.s32 s3, s2  }
0x8d: {  	s2 =	sadd.s32 s2, s17  }
0x8e: {  	[smem:$0x3FB1] =	sst s2  }
0x8f: {  	_ = 	snop  }
0x90: {  	s2 =	sld [smem:$0x3FC7]  }
0x91: {  	s18 =	sld [smem:$0x3FD0];
	(tm) =	ssettm $0x1  }
0x92: {  	s4 =	sld [smem:$0x3FFB];
	_ =	sdelay $0x3  }
0x93: {  	_ =	strace s4  }
0x94: {  	s4 =	sld [smem:$0x3FFC];
	_ =	sdelay $0x3  }
0x95: {  	_ =	strace s4  }
0x96: {  	s4 =	sld [smem:$0x3FFD];
	_ =	sdelay $0x3  }
0x97: {  	_ =	strace s4  }
0x98: {  	_ =	strace $0x8FFFFFFF  }
0x99: {  	s19 =	sld [smem:$0x3FDB];
	_ =	sdelay $0x1  }
0x9a: {  	s5 =	simm.s32 $_scs_section_size  }
0x9b: {  	s6 =	simm.s32 $_size__tile_overlayer_lowered;
	s7 =	simm.s32 $_tile_overlayer_lowered  }
0x9c: {  	s22 =	simm.s32 $0x1BFF;
	s21 =	sshll.u32 s7, $0x1;
	s4 =	sadd.s32 s5, s19  }
0x9d: {  	s8 =	simm.s32 $0x0;
	s20 =	sshll.u32 s6, $0x1;
	s6 =	sadd.s32 s21, s4  }
0x9e: {  	[timem:s8], [sflag:s22] =	dma.local [hbm:s6], s20  }
0x9f: {  	_ =	swait.ge [sflag:s22], s20  }
0xa0: {  	s5 =	ssub.s32 $0x0, s20;
	[sflag:s22] =	ssyncset.done $0x0  }
0xa1: {  	[sflag:s22] =	ssyncadd.s32 s5;
	_ =	sdelay $0x1  }
0xa2: {  	s23 =	simm.s32 $0x1B8B  }
0xa3: {  	_ =	swait.ge [sflag:s23], $0x1  }
0xa4: {  	[sflag:s23] =	ssyncset.done $0x0  }
0xa5: {  	s25 =	simm.s32 $0x1B8E;
	s24 =	sld [smem:$0x3FFE];
	[sflag:s23] =	ssyncadd.s32 $0xFFFFFFFF  }
0xa6: {  	s26 =	simm.s32 $execute0_lowered;
	[smem:$0x3FD2] =	sst s25  }
0xa7: {  	s6 =	sshll.u32 s26, $0x1;
	_ =	strace $0x8000004C;
	[dreg:$0x1] =	wrdreg $0xFFFFFFFF  }
0xa8: {  	s28 =	simm.s32 $_size_execute0_lowered;
	s4 =	sadd.s32 s4, s6;
	[dreg:$0x0] =	wrdreg $0x0  }
0xa9: {  	s6 =	sshll.u32 s28, $0x1;
	[dreg:$0x2] =	wrdreg s4  }
0xaa: {  	[dreg:$0x3] =	wrdreg s6  }
0xab: {  	[dreg:$0x4] =	wrdreg $0xC0  }
0xac: {  	_ =	task [dreg:s8], $0x5FFFF  }
0xad: {  	[dreg:$0x1] =	wrdreg $0xFFFFFFFF  }
0xae: {  	[dreg:$0x0] =	wrdreg $0x60  }
0xaf: {  	[dreg:$0x2] =	wrdreg s24  }
0xb0: {  	[dreg:$0x3] =	wrdreg s18  }
0xb1: {  	[dreg:$0x4] =	wrdreg s2  }
0xb2: {  	[dreg:$0x5] =	wrdreg $0x9  }
0xb3: {  	_ =	task.clear_ibuf [dreg:s8], $0x6FFFF;
	_ =	strace $0x9000004C  }
0xb4: {  	s29 =	simm.s32 $0x9;
	_ =	strace $0x8000004E  }
0xb5: {  	_ =	swait.ge [sflag:s29], $0x1  }
0xb6: {  	[sflag:s29] =	ssyncadd.s32 $0xFFFFFFFF  }
0xb7: {  	_ =	strace $0x9000004E  }
0xb8: {  	_ =	sfence  }
0xb9: {  	s30 =	sld [smem:$0x0];
	_ =	sdelay $0x2  }
0xba: {  	s31 =	sshll.u32 s1, $0xD;
	s1 =	sshrl.u32 s1, $0x2  }
0xbb: {  	s3 =	sand.u32 $0x4000, s31;
	s1 =	sadd.s32 s1, s30  }
0xbc: {  	s0 =	sor.u32 s3, s0;
	s1 =	sshll.u32 s1, $0x11  }
0xbd: {  	s0 =	sor.u32 s1, s0  }
0xbe: {  	s0 =	sadd.s32 $0x8F2B, s0  }
0xbf: {  	[sflag:s0] =	ssyncadd.remote.s32 $0x1  }
0xc0: {  	_ =	sfence.sel $0xFFFF  }
0xc1: {  	[dreg:$0x0] =	wrdreg $0xFFFFFFFF;
	(pc) =	sbr.abs _section_cstart, $3  }
0xc2: {  	[dreg:$0x1] =	wrdreg $0xFFFFFFFF  }
0xc3: {  	_ =	task.clear_ibuf [dreg:s8], $0x2FFFF;
	_ =	strace $0x9FFFFFFF  }
0xc4: {  	(tm) =	ssettm $0x7FFFFFFF  }
0xc5: {  	_ =	shalt  }
tec
execute0_lowered:
.L_overlay_start_1:
0x0: {  	(tag) =	ssettag $0x1  }
0x1: {  	s7 =	rddreg [dreg:$0x0]  }
0x2: {  	s1 =	rddreg [dreg:$0x1]  }
0x3: {  	s8 =	rddreg [dreg:$0x2]  }
0x4: {  	s0 =	rddreg [dreg:$0x3]  }
0x5: {  	s3 =	simm.s32 $0x0;
	s4 =	srdreg.scid;
	s2 =	stileid.u32  }
0x6: {  	s12 =	simm.s32 $0x100;
	s13 =	simm.s32 $0x1;
	s14 =	simm.s32 $0x2  }
0x7: {  	s15 =	simm.s32 $0x180;
	s16 =	simm.s32 $0x4180;
	s17 =	simm.s32 $0x3  }
0x8: {  	s18 =	simm.s32 $0x0;
	[smem:$0x7FF] =	sst s3;
	s4 =	sand.u32 $0x1, s4  }
0x9: {  	s5 =	sshll.u32 s2, $0x1;
	s6 =	sadd.s32 $0x4000, s7;
	_ =	strace $0x8000004D  }
0xa: {  	s9 =	ssub.s32 $0x2, s4;
	s4 =	sor.u32 s4, s5;
	s5 =	sadd.s32 $0xDE00, s7  }
0xb: {  	s7 =	sadd.s32 $0x35000, s7;
	s10 =	sshrl.u32 s9, $0x1;
	s11 =	sshll.u32 s4, $0x4  }
0xc: {  	s9 =	ssub.s32 s9, s10;
	s31 =	sand.u32 $0x70, s11;
	s10 =	simm.s32 $0x4  }
0xd: {  	s11 =	simm.s32 $0x80;
	s8 =	sadd.s32 s8, s31;
	s9 =	smax.u32 s9, $0x1  }
.LBB2_1:
0xe: {  	s19 =	simm.s32 $0x0  }
.LBB2_2:
0xf: {  	s20 =	sshll.u32 s19, $0x5  }
0x10: {  	s20 =	sor.u32 s4, s20  }
0x11: {  	s21 =	sshll.u32 s20, $0x4  }
0x12: {  	s21 =	sand.u32 $0x1F80, s21  }
0x13: {  	s22 =	simm.s32 $0x0;
	s21 =	sadd.s32 s21, s8  }
0x14: {  	[tilespmem:s22], [sflag:$0x4] =	stream.linear.gather [hbm4b:s21+s22], $0x80, $0x38;
	[tilespmem:$0x8180] =	vst v63  }
0x15: {  	_ =	swait.ge [sflag:s10], $0x80  }
0x16: {  	[sflag:s10] =	ssyncset.done $0x0  }
0x17: {  	[sflag:s10] =	ssyncadd.s32 $0xFFFFFF80  }
0x18: {  	[tilespmem:s11], [sflag:$0x1] =	stream.indirect.gather [hbm4b:s6+s11], $0x1, s22, s11, $0xb8;
	[tilespmem:$0x8180] =	vst v63  }
0x19: {  	_ = 	snop  }
0x1a: {  	[tilespmem:s12], [sflag:$0x2] =	stream.indirect.gather [hbm4b:s1+s11], $0x1, s22, s11, $0xb8;
	[tilespmem:$0x8180] =	vst v63  }
0x1b: {  	_ =	swait.ge [sflag:s13], $0x80  }
0x1c: {  	[sflag:s13] =	ssyncset.done $0x0  }
0x1d: {  	[sflag:s13] =	ssyncadd.s32 $0xFFFFFF80  }
0x1e: {  	_ =	swait.ge [sflag:s14], $0x80  }
0x1f: {  	[sflag:s14] =	ssyncset.done $0x0  }
0x20: {  	[sflag:s14] =	ssyncadd.s32 $0xFFFFFF80  }
0x21: {  	[tilespmem:s15], [sflag:$0x3] =	stream.indirect.gather [hbm4b:s5+s11], $0x80, s11, s11, $0xb8;
	[tilespmem:$0x8180] =	vst v63  }
0x22: {  	_ = 	snop  }
0x23: {  	[tilespmem:s16], [sflag:$0x1] =	stream.indirect.gather [hbm4b:s5+s11], $0x80, s12, s11, $0xb8;
	[tilespmem:$0x8180] =	vst v63  }
0x24: {  	_ =	swait.ge [sflag:s17], $0x4000  }
0x25: {  	[sflag:s17] =	ssyncset.done $0x0  }
0x26: {  	[sflag:s17] =	ssyncadd.s32 $0xFFFFC000  }
0x27: {  	_ =	swait.ge [sflag:s13], $0x4000  }
0x28: {  	[sflag:s13] =	ssyncset.done $0x0  }
0x29: {  	s21 =	simm.s32 $0x0;
	[sflag:s13] =	ssyncadd.s32 $0xFFFFC000  }
0x2a: {  	v7 =	vld [tilespmem:s21+$0x4180]  }
0x2b: {  	v11 =	vld [tilespmem:s21+$0x4190]  }
0x2c: {  	v5 =	vld [tilespmem:s21+$0x41A0]  }
0x2d: {  	v4 =	vld [tilespmem:s21+$0x41B0]  }
0x2e: {  	v3 =	vld [tilespmem:s21+$0x41C0]  }
0x2f: {  	v2 =	vld [tilespmem:s21+$0x41D0]  }
0x30: {  	v1 =	vld [tilespmem:s21+$0x41E0]  }
0x31: {  	v0 =	vld [tilespmem:s21+$0x41F0]  }
0x32: {  	v12 =	vld [tilespmem:s21+$0x180]  }
0x33: {  	v13 =	vld [tilespmem:s21+$0x190]  }
0x34: {  	v10 =	vld [tilespmem:s21+$0x1A0]  }
0x35: {  	v9 =	vld [tilespmem:s21+$0x1B0]  }
0x36: {  	v8 =	vld [tilespmem:s21+$0x1C0]  }
0x37: {  	v6 =	vld [tilespmem:s21+$0x1D0];
	v12 =	vmul.f32 v7, v12  }
0x38: {  	s22 =	simm.s32 $0x200;
	v11 =	vmul.f32 v11, v13;
	v7 =	vld [tilespmem:s21+$0x1E0]  }
.LBB2_3:
0x39: {  	s23 =	sshra.s32 s22, $0x2;
	p0 =	sne.s32 s22, $0xFE00;
	[tilespmem:s21+$0x180] =	vst v12;
	v5 =	vmul.f32 v5, v10;
	v10 =	vld [tilespmem:s21+$0x1F0]  }
0x3a: {  	v12 =	vld [tilespmem:s23+$0x4180];
	[tilespmem:s21+$0x190] =	vst v11;
	v4 =	vmul.f32 v4, v9  }
0x3b: {  	v11 =	vld [tilespmem:s23+$0x4190];
	[tilespmem:s21+$0x1A0] =	vst v5;
	v3 =	vmul.f32 v3, v8  }
0x3c: {  	v5 =	vld [tilespmem:s23+$0x41A0];
	[tilespmem:s21+$0x1B0] =	vst v4;
	v2 =	vmul.f32 v2, v6  }
0x3d: {  	v4 =	vld [tilespmem:s23+$0x41B0];
	[tilespmem:s21+$0x1C0] =	vst v3;
	v1 =	vmul.f32 v1, v7  }
0x3e: {  	v3 =	vld [tilespmem:s23+$0x41C0];
	[tilespmem:s21+$0x1D0] =	vst v2;
	v0 =	vmul.f32 v0, v10  }
0x3f: {  	v2 =	vld [tilespmem:s23+$0x41D0];
	[tilespmem:s21+$0x1E0] =	vst v1  }
0x40: {  	v1 =	vld [tilespmem:s23+$0x41E0];
	[tilespmem:s21+$0x1F0] =	vst v0;
	s21 =	smov.u32 s23  }
0x41: {  	v0 =	vld [tilespmem:s21+$0x41F0]  }
0x42: {  	v6 =	vld [tilespmem:s21+$0x180]  }
0x43: {  	v7 =	vld [tilespmem:s21+$0x190]  }
.Ltmp0:
0x44: {  	v10 =	vld [tilespmem:s21+$0x1A0];
	(pc) =	sbr.rel @p0 .LBB2_3-.Ltmp0, $4  }
0x45: {  	v9 =	vld [tilespmem:s21+$0x1B0]  }
0x46: {  	v8 =	vld [tilespmem:s21+$0x1C0]  }
0x47: {  	v12 =	vmul.f32 v12, v6;
	v6 =	vld [tilespmem:s21+$0x1D0]  }
0x48: {  	s22 =	sadd.s32 $0x200, s22;
	v11 =	vmul.f32 v11, v7;
	v7 =	vld [tilespmem:s21+$0x1E0]  }
0x49: {  	[tilespmem:s21+$0x180] =	vst v12;
	v5 =	vmul.f32 v5, v10;
	v63 =	vld [tilespmem:s21+$0x1F0]  }
0x4a: {  	[tilespmem:s21+$0x190] =	vst v11;
	v4 =	vmul.f32 v4, v9  }
0x4b: {  	[tilespmem:s21+$0x1A0] =	vst v5;
	v3 =	vmul.f32 v3, v8  }
0x4c: {  	[tilespmem:s21+$0x1B0] =	vst v4;
	v2 =	vmul.f32 v2, v6  }
0x4d: {  	[tilespmem:s21+$0x1C0] =	vst v3;
	v1 =	vmul.f32 v1, v7  }
0x4e: {  	s19 =	sadd.s32 $0x1, s19;
	[tilespmem:s21+$0x1D0] =	vst v2;
	v0 =	vmul.f32 v0, v63  }
0x4f: {  	s20 =	sshll.u32 s20, $0xB;
	p0 =	sne.s32 s19, $0x10;
	[tilespmem:s21+$0x1E0] =	vst v1  }
.Ltmp1:
0x50: {  	s20 =	sadd.s32 s7, s20;
	[tilespmem:s21+$0x1F0] =	vst v0;
	(pc) =	sbr.rel @p0 .LBB2_2-.Ltmp1, $4  }
0x51: {  	[hbm4b:s20+s3] =	stream.linear.scatter [tilespmem:s15], [sflag:$0x4], $0x4000, $0x38;
	[tilespmem:$0x8180] =	vst v63  }
0x52: {  	_ =	swait.ge [sflag:s10], $0x4000  }
0x53: {  	[sflag:s10] =	ssyncset.done $0x0  }
0x54: {  	[sflag:s10] =	ssyncadd.s32 $0xFFFFC000  }
0x55: {  	s18 =	sadd.s32 $0x1, s18  }
0x56: {  	p0 =	sne.s32 s18, s9  }
.Ltmp2:
0x57: {  	_ = 	snop;
	(pc) =	sbr.rel @p0 .LBB2_1-.Ltmp2, $1  }
0x58: {  	_ =	sdelay $0x3  }
0x59: {  	_ =	sfence.sel $0x180000  }
0x5a: {  	[bflag:$0x0] =	sbarrier.arrive $0xFFFF  }
0x5b: {  	p0 =	sne.s32 s2, $0x0;
	_ =	strace $0x9000004D  }
0x5c: {  	s0 =	sadd.s32 @!p0 $0x100000, s0;
	[bflag:$0x2] =	sbarrier.arrive $0xFFFF  }
0x5d: {  	[sflag:s0] =	ssyncadd.tile.s32 @!p0 $0x1;
	_ =	shalt  }
.Lfunc_end2:
_tile_overlayer_lowered:
.L_overlay_start_2:
0x5e: {  	(tag) =	ssettag $0x2  }
0x5f: {  	s0 =	rddreg [dreg:$0x0];
	s2 =	stileid.u32  }
0x60: {  	s1 =	rddreg [dreg:$0x1];
	p0 =	sne.s32 s2, $0x0  }
0x61: {  	s3 =	rddreg [dreg:$0x2];
	[bflag:$0x3] =	sbarrier.arrive $0xFFFF;
	s2 =	simm.s32 @!p0 $0x1C04  }
0x62: {  	[timem:s3], [sflag:s2] =	dma.local @!p0 [hbm:s0], s1  }
0x63: {  	s0 =	simm.s32 @!p0 $0x4  }
0x64: {  	_ =	swait.ge @!p0 [sflag:s0], s1  }
0x65: {  	s1 =	ssub.s32 @!p0 $0x0, s1;
	[sflag:s0] =	ssyncset.done @!p0 $0x0  }
0x66: {  	[sflag:s0] =	ssyncadd.s32 @!p0 s1  }
0x67: {  	[bflag:$0x3] =	sbarrier.arrive $0xFFFF  }
0x68: {  	_ =	shalt  }

// kernel: kernel.8.cloned.1.call-start
scs
__scs_entry_jumppad:
0x0: {  	(pc) =	sbr.rel $0x88, $3  }
0x1: {  	(tag) =	ssettag $0x0;
	lr =	simm.s32 $0x1  }
0x2: {  	[smem:$0x3F8A] =	sst lr;
	_ =	strace $0xD0000000  }
0x3: {  	_ = 	snop  }
0x4: {  	_ = 	snop  }
0x5: {  	_ = 	snop  }
0x6: {  	_ = 	snop  }
0x7: {  	_ = 	snop  }
__scs_overlays_trampoline_lowered:
0x8: {  	[smem:$0x3F99] =	sst s0  }
0x9: {  	[smem:$0x3F9A] =	sst s1  }
0xa: {  	[smem:$0x3F9B] =	sst s2  }
0xb: {  	[smem:$0x3F9C] =	sst s3  }
0xc: {  	[smem:$0x3F9D] =	sst s4  }
0xd: {  	[smem:$0x3F9E] =	sst s5  }
0xe: {  	[smem:$0x3F9F] =	sst s6  }
0xf: {  	[smem:$0x3FA0] =	sst s7  }
0x10: {  	[smem:$0x3FA1] =	sst s8  }
0x11: {  	[smem:$0x3FA2] =	sst s9;
	s0 =	simm.s32 @!p0 $0x0  }
0x12: {  	s1 =	sld [smem:$0x3F88];
	s0 =	simm.s32 @p0 $0x1  }
0x13: {  	[smem:$0x3FA3] =	sst s0;
	s0 =	simm.s32 @!p1 $0x0  }
0x14: {  	s2 =	sld [smem:$0x3F87];
	s0 =	simm.s32 @p1 $0x1  }
0x15: {  	[smem:$0x3FA4] =	sst s0;
	s0 =	simm.s32 @!p2 $0x0  }
0x16: {  	s3 =	sld [smem:$0x3FDB];
	s0 =	simm.s32 @p2 $0x1  }
0x17: {  	s4 =	simm.s32 $0x1BF5;
	[smem:$0x3FA6] =	sst s0  }
0x18: {  	s0 =	sld [smem:$0x3F89];
	_ =	swait.ge [sflag:s4], $0x0  }
0x19: {  	s7 =	sld [smem:$0x3F8A]  }
0x1a: {  	s8 =	sadd.s32 $0xFFFFE003, lr  }
0x1b: {  	s9 =	sadd.s32 $0xFFFFFEF7, lr;
	s5 =	simm.s32 $0xFFFFFFFF;
	p2 =	slt.u32 s8, $0xFFFFF086  }
0x1c: {  	p1 =	slt.u32 s9, $0xF7A;
	s5 =	simm.s32 @!p2 $0x0  }
0x1d: {  	s5 =	simm.s32 @p1 $0x1;
	p0 =	seq.s32 s7, s2  }
0x1e: {  	s7 =	smul.u32 @!p0 $0xF7A, s2;
	p2 =	seq.s32 @!p0 s5, $0x0  }
0x1f: {  	s9 =	smul.u32 $0xF7A, s1;
	s8 =	simm.s32 @!p0 $0x1BF5;
	p2 =	por !p2, p0  }
0x20: {  	[sflag:s8] =	ssyncset.s32 @!p0 $0xFFFFF086;
	s6 =	sadd.s32 @!p0 s3, s7;
	s7 =	simm.s32 @!p0 $0x108  }
0x21: {  	s3 =	sadd.s32 s3, s9;
	s6 =	sadd.s32 @!p0 $0x88, s6;
	s7 =	simm.s32 @p2 $0x1082  }
0x22: {  	[simem:s7], [sflag:s8] =	dma.local @!p0 [hbm:s6], $0xF7A  }
0x23: {  	s9 =	sor.u32 $0xD0000000, s2;
	s6 =	simm.s32 $0x108;
	_ =	swait.ge @!p0 [sflag:s8], $0x0  }
0x24: {  	s3 =	sadd.s32 $0x88, s3;
	s6 =	simm.s32 @!p1 $0x1082;
	[sflag:s4] =	ssyncset.s32 $0xFFFFF086  }
0x25: {  	[simem:s6], [sflag:s4] =	dma.local [hbm:s3], $0xF7A  }
0x26: {  	[smem:$0x3F8A] =	sst s1;
	(tag) =	ssettag s2;
	_ =	strace s9  }
0x27: {  	s1 =	sld [smem:$0x3F9A]  }
0x28: {  	s2 =	sld [smem:$0x3F9B]  }
0x29: {  	s4 =	sld [smem:$0x3F9D]  }
0x2a: {  	p0 =	seq.s32 s5, $0x0;
	s5 =	sld [smem:$0x3F9E]  }
0x2b: {  	s6 =	sld [smem:$0x3F9F]  }
0x2c: {  	s7 =	sld [smem:$0x3FA0]  }
0x2d: {  	s3 =	simm.s32 $0x108;
	s8 =	sld [smem:$0x3FA1]  }
0x2e: {  	s3 =	simm.s32 @!p0 $0x1082;
	s9 =	sld [smem:$0x3FA2]  }
0x2f: {  	lr =	sadd.s32 s0, s3;
	s0 =	sld [smem:$0x3F99]  }
0x30: {  	s3 =	sld [smem:$0x3F9C]  }
0x31: {  	[smem:$0x3FA5] =	sst s10  }
0x32: {  	s10 =	sld [smem:$0x3FA3];
	_ =	sdelay $0x3  }
0x33: {  	p0 =	seq.s32 s10, $0x1;
	s10 =	sld [smem:$0x3FA5];
	_ =	sdelay $0x3  }
0x34: {  	[smem:$0x3FA5] =	sst s10  }
0x35: {  	s10 =	sld [smem:$0x3FA4];
	_ =	sdelay $0x3  }
0x36: {  	p1 =	seq.s32 s10, $0x1;
	s10 =	sld [smem:$0x3FA5];
	_ =	sdelay $0x3  }
0x37: {  	[smem:$0x3FA5] =	sst s10  }
0x38: {  	s10 =	sld [smem:$0x3FA6]  }
0x39: {  	_ = 	snop;
	(pc) =	sbr.ind lr, $3  }
0x3a: {  	_ = 	snop  }
0x3b: {  	_ = 	snop  }
0x3c: {  	p2 =	seq.s32 s10, $0x1;
	s10 =	sld [smem:$0x3FA5]  }
0x3d: {  	_ =	shalt  }
0x3e: {  	_ =	shalt  }
0x3f: {  	_ =	shalt  }
0x40: {  	_ =	shalt  }
0x41: {  	_ =	shalt  }
0x42: {  	_ =	shalt  }
0x43: {  	_ =	shalt  }
0x44: {  	_ =	shalt  }
0x45: {  	_ =	shalt  }
0x46: {  	_ =	shalt  }
0x47: {  	_ =	shalt  }
0x48: {  	_ =	shalt  }
0x49: {  	_ =	shalt  }
0x4a: {  	_ =	shalt  }
0x4b: {  	_ =	shalt  }
0x4c: {  	_ =	shalt  }
0x4d: {  	_ =	shalt  }
0x4e: {  	_ =	shalt  }
0x4f: {  	_ =	shalt  }
0x50: {  	_ =	shalt  }
0x51: {  	_ =	shalt  }
0x52: {  	_ =	shalt  }
0x53: {  	_ =	shalt  }
0x54: {  	_ =	shalt  }
0x55: {  	_ =	shalt  }
0x56: {  	_ =	shalt  }
0x57: {  	_ =	shalt  }
0x58: {  	_ =	shalt  }
0x59: {  	_ =	shalt  }
0x5a: {  	_ =	shalt  }
0x5b: {  	_ =	shalt  }
0x5c: {  	_ =	shalt  }
0x5d: {  	_ =	shalt  }
0x5e: {  	_ =	shalt  }
0x5f: {  	_ =	shalt  }
0x60: {  	_ =	shalt  }
0x61: {  	_ =	shalt  }
0x62: {  	_ =	shalt  }
0x63: {  	_ =	shalt  }
0x64: {  	_ =	shalt  }
0x65: {  	_ =	shalt  }
0x66: {  	_ =	shalt  }
0x67: {  	_ =	shalt  }
0x68: {  	_ =	shalt  }
0x69: {  	_ =	shalt  }
0x6a: {  	_ =	shalt  }
0x6b: {  	_ =	shalt  }
0x6c: {  	_ =	shalt  }
0x6d: {  	_ =	shalt  }
0x6e: {  	_ =	shalt  }
0x6f: {  	_ =	shalt  }
0x70: {  	_ =	shalt  }
0x71: {  	_ =	shalt  }
0x72: {  	_ =	shalt  }
0x73: {  	_ =	shalt  }
0x74: {  	_ =	shalt  }
0x75: {  	_ =	shalt  }
0x76: {  	_ =	shalt  }
0x77: {  	_ =	shalt  }
0x78: {  	_ =	shalt  }
0x79: {  	_ =	shalt  }
0x7a: {  	_ =	shalt  }
0x7b: {  	_ =	shalt  }
0x7c: {  	_ =	shalt  }
0x7d: {  	_ =	shalt  }
0x7e: {  	_ =	shalt  }
0x7f: {  	_ =	shalt  }
0x80: {  	_ =	shalt  }
0x81: {  	_ =	shalt  }
0x82: {  	_ =	shalt  }
0x83: {  	_ =	shalt  }
0x84: {  	_ =	shalt  }
0x85: {  	_ =	shalt  }
0x86: {  	_ =	shalt  }
0x87: {  	_ =	shalt  }
.Lfunc_end0:
.L_simem_size_0:
called_computation_lowered:
.L_overlay_start_0:
0x88: {  	s2 =	sld [smem:$0x3FD9]  }
0x89: {  	s3 =	sld [smem:$0x3FFE];
	_ =	sdelay $0x1  }
0x8a: {  	s1 =	srdreg.scid  }
0x8b: {  	s0 =	sand.u32 $0x1, s1  }
0x8c: {  	s17 =	sshll.u32 s0, $0xA;
	s2 =	sadd.s32 s3, s2  }
0x8d: {  	s2 =	sadd.s32 s2, s17  }
0x8e: {  	[smem:$0x3FB1] =	sst s2  }
0x8f: {  	_ = 	snop  }
0x90: {  	s2 =	sld [smem:$0x3FC9];
	(tm) =	ssettm $0x1  }
0x91: {  	s18 =	sld [smem:$0x3FFB];
	_ =	sdelay $0x3  }
0x92: {  	_ =	strace s18  }
0x93: {  	s3 =	sld [smem:$0x3FFC];
	_ =	sdelay $0x3  }
0x94: {  	_ =	strace s3  }
0x95: {  	s3 =	sld [smem:$0x3FFD];
	_ =	sdelay $0x3  }
0x96: {  	_ =	strace s3  }
0x97: {  	_ =	strace $0x8FFFFFFF  }
0x98: {  	s19 =	sld [smem:$0x3FDB];
	_ =	sdelay $0x1  }
0x99: {  	s4 =	simm.s32 $_scs_section_size  }
0x9a: {  	s5 =	simm.s32 $_size__tile_overlayer_lowered;
	s6 =	simm.s32 $_tile_overlayer_lowered  }
0x9b: {  	s22 =	simm.s32 $0x1BFF;
	s21 =	sshll.u32 s6, $0x1;
	s3 =	sadd.s32 s4, s19  }
0x9c: {  	s7 =	simm.s32 $0x0;
	s20 =	sshll.u32 s5, $0x1;
	s5 =	sadd.s32 s21, s3  }
0x9d: {  	[timem:s7], [sflag:s22] =	dma.local [hbm:s5], s20  }
0x9e: {  	_ =	swait.ge [sflag:s22], s20  }
0x9f: {  	s4 =	ssub.s32 $0x0, s20;
	[sflag:s22] =	ssyncset.done $0x0  }
0xa0: {  	[sflag:s22] =	ssyncadd.s32 s4;
	_ =	sdelay $0x1  }
0xa1: {  	s23 =	simm.s32 $0x1B8B  }
0xa2: {  	_ =	swait.ge [sflag:s23], $0x1  }
0xa3: {  	[sflag:s23] =	ssyncset.done $0x0  }
0xa4: {  	s25 =	simm.s32 $0x1B8E;
	s24 =	sld [smem:$0x3FFE];
	[sflag:s23] =	ssyncadd.s32 $0xFFFFFFFF  }
0xa5: {  	s26 =	simm.s32 $execute0_lowered;
	[smem:$0x3FD2] =	sst s25  }
0xa6: {  	s5 =	sshll.u32 s26, $0x1;
	_ =	strace $0x80000046;
	[dreg:$0x1] =	wrdreg $0xFFFFFFFF  }
0xa7: {  	s28 =	simm.s32 $_size_execute0_lowered;
	s3 =	sadd.s32 s3, s5;
	[dreg:$0x0] =	wrdreg $0x0  }
0xa8: {  	s5 =	sshll.u32 s28, $0x1;
	[dreg:$0x2] =	wrdreg s3  }
0xa9: {  	[dreg:$0x3] =	wrdreg s5  }
0xaa: {  	[dreg:$0x4] =	wrdreg $0xC0  }
0xab: {  	_ =	task [dreg:s7], $0x5FFFF  }
0xac: {  	[dreg:$0x1] =	wrdreg $0xFFFFFFFF  }
0xad: {  	[dreg:$0x0] =	wrdreg $0x60  }
0xae: {  	[dreg:$0x2] =	wrdreg s2  }
0xaf: {  	[dreg:$0x3] =	wrdreg s24  }
0xb0: {  	[dreg:$0x4] =	wrdreg $0x84000  }
0xb1: {  	[dreg:$0x5] =	wrdreg $0x9  }
0xb2: {  	_ =	task.clear_ibuf [dreg:s7], $0x6FFFF;
	_ =	strace $0x90000046  }
0xb3: {  	s29 =	simm.s32 $0x9;
	_ =	strace $0x80000048  }
0xb4: {  	_ =	swait.ge [sflag:s29], $0x1  }
0xb5: {  	[sflag:s29] =	ssyncadd.s32 $0xFFFFFFFF  }
0xb6: {  	_ =	strace $0x90000048  }
0xb7: {  	_ =	sfence  }
0xb8: {  	s30 =	sld [smem:$0x0];
	_ =	sdelay $0x2  }
0xb9: {  	s31 =	sshll.u32 s1, $0xD;
	s1 =	sshrl.u32 s1, $0x2  }
0xba: {  	s3 =	sand.u32 $0x4000, s31;
	s1 =	sadd.s32 s1, s30  }
0xbb: {  	s0 =	sor.u32 s3, s0;
	s1 =	sshll.u32 s1, $0x11  }
0xbc: {  	s0 =	sor.u32 s1, s0  }
0xbd: {  	s0 =	sadd.s32 $0x8F2B, s0  }
0xbe: {  	[sflag:s0] =	ssyncadd.remote.s32 $0x1  }
0xbf: {  	_ =	sfence.sel $0xFFFF  }
0xc0: {  	[dreg:$0x0] =	wrdreg $0xFFFFFFFF;
	(pc) =	sbr.abs _section_cstart, $3  }
0xc1: {  	[dreg:$0x1] =	wrdreg $0xFFFFFFFF  }
0xc2: {  	_ =	task.clear_ibuf [dreg:s7], $0x2FFFF;
	_ =	strace $0x9FFFFFFF  }
0xc3: {  	(tm) =	ssettm $0x7FFFFFFF  }
tec
execute0_lowered:
.L_overlay_start_1:
0x0: {  	(tag) =	ssettag $0x1  }
0x1: {  	s1 =	rddreg [dreg:$0x0]  }
0x2: {  	s0 =	rddreg [dreg:$0x1]  }
0x3: {  	s2 =	rddreg [dreg:$0x2]  }
0x4: {  	s3 =	simm.s32 $0x0;
	s4 =	srdreg.scid;
	s24 =	stileid.u32  }
0x5: {  	s29 =	simm.s32 $0x400;
	s30 =	simm.s32 $0x7;
	s31 =	simm.s32 $0x100  }
0x6: {  	[smem:$0x7FF] =	sst s3;
	s4 =	sand.u32 $0x1, s4;
	s11 =	smul.u32 $0x2800, s24  }
0x7: {  	s5 =	sadd.s32 $0xDE00, s0;
	s10 =	sor.u32 $0x10, s24;
	s8 =	smul.u32 $0x138800, s4  }
0x8: {  	s0 =	sadd.s32 $0x21800, s0;
	s14 =	sor.u32 $0x30, s24;
	s12 =	smul.u32 $0x2800, s10  }
0x9: {  	s9 =	sshll.u32 s24, $0x1;
	s17 =	sor.u32 $0x40, s24;
	s18 =	smul.u32 $0x2800, s14  }
0xa: {  	s20 =	sor.u32 $0x60, s24;
	_ =	strace $0x80000047;
	s19 =	smul.u32 $0x2800, s17  }
0xb: {  	s6 =	ssub.s32 $0x2, s4;
	s16 =	ssub.s32 $0x984, s9;
	s22 =	smul.u32 $0x2800, s20  }
0xc: {  	s7 =	sshrl.u32 s6, $0x1;
	[dreg:$0x4] =	wrdreg s16;
	s16 =	sor.u32 $0x50, s24  }
0xd: {  	s7 =	ssub.s32 s6, s7;
	s6 =	sor.u32 s4, s9;
	s4 =	sor.u32 $0x20, s24  }
0xe: {  	s9 =	ssub.s32 $0x964, s9;
	s21 =	smul.u32 $0x2800, s16;
	s11 =	sadd.s32 s8, s11  }
0xf: {  	s12 =	sadd.s32 s8, s12;
	s18 =	sadd.s32 s8, s18;
	s19 =	sadd.s32 s8, s19  }
0x10: {  	s22 =	sadd.s32 s8, s22;
	s16 =	smul.u32 $0xA000, s16;
	s13 =	sshll.u32 s6, $0x5  }
0x11: {  	s15 =	smul.u32 $0x2800, s4;
	[dreg:$0x5] =	wrdreg s9;
	s9 =	sor.u32 $0x70, s24  }
0x12: {  	s11 =	sshrl.u32 s11, $0x3;
	s12 =	sshrl.u32 s12, $0x3;
	s25 =	sshrl.u32 s18, $0x3  }
0x13: {  	s26 =	sshrl.u32 s19, $0x3;
	s19 =	sshrl.u32 s22, $0x3;
	s22 =	smul.u32 $0xA000, s10  }
0x14: {  	s23 =	smul.u32 $0x2800, s9;
	s21 =	sadd.s32 s8, s21;
	s11 =	sadd.s32 s0, s11  }
0x15: {  	s12 =	sadd.s32 s0, s12;
	p0 =	sgt.u32 s9, $0x7C;
	[dreg:$0x7] =	wrdreg s11  }
0x16: {  	s15 =	sadd.s32 s8, s15;
	[dreg:$0x8] =	wrdreg s12;
	s18 =	sshrl.u32 s21, $0x3  }
0x17: {  	s21 =	simm.s32 $0x180;
	s12 =	sshrl.u32 s22, $0x2;
	s8 =	sadd.s32 s8, s23  }
0x18: {  	s23 =	smul.u32 $0xA000, s24;
	s24 =	sshrl.u32 s15, $0x3;
	s15 =	sadd.s32 s0, s26  }
0x19: {  	[dreg:$0x6] =	wrdreg s21;
	s26 =	smul.u32 $0xA000, s4;
	s22 =	sadd.s32 s12, s2  }
0x1a: {  	s12 =	simm.s32 $0x3;
	s11 =	sadd.s32 s0, s24;
	[dreg:$0xb] =	wrdreg s15  }
0x1b: {  	s8 =	sshrl.u32 s8, $0x3;
	[dreg:$0x9] =	wrdreg s11;
	s11 =	sadd.s32 s0, s25  }
0x1c: {  	s25 =	smax.u32 s7, $0x1;
	s10 =	sshrl.u32 s23, $0x2;
	[dreg:$0xa] =	wrdreg s11  }
0x1d: {  	s7 =	simm.s32 $0x1;
	s11 =	sadd.s32 s0, s18;
	[dreg:$0x11] =	wrdreg s25  }
0x1e: {  	s21 =	sadd.s32 s10, s2;
	s18 =	smul.u32 $0xA000, s9;
	s9 =	simm.s32 $0x2  }
0x1f: {  	s10 =	simm.s32 $0x4400;
	[dreg:$0xc] =	wrdreg s11;
	s11 =	sadd.s32 s0, s19  }
0x20: {  	s0 =	sadd.s32 s0, s8;
	s19 =	sshrl.u32 s16, $0x2;
	s8 =	simm.s32 $0x80  }
0x21: {  	[dreg:$0xd] =	wrdreg s11;
	s11 =	sadd.s32 s5, s13;
	s13 =	smul.u32 $0xA000, s14  }
0x22: {  	s16 =	simm.s32 $0x8;
	[dreg:$0xe] =	wrdreg s0;
	s14 =	smul.u32 $0xA000, s17  }
0x23: {  	s0 =	sshrl.u32 s26, $0x2;
	s17 =	smul.u32 $0xA000, s20;
	s23 =	sshrl.u32 s18, $0x2  }
0x24: {  	s24 =	sadd.s32 $0x400, s11;
	s26 =	sadd.s32 s0, s2;
	[dreg:$0xf] =	wrdreg s11  }
0x25: {  	s25 =	sadd.s32 $0xC00, s11;
	[dreg:$0x10] =	wrdreg s24;
	s4 =	sshrl.u32 s14, $0x2  }
0x26: {  	s0 =	sshrl.u32 s17, $0x2;
	s24 =	sadd.s32 $0x800, s11;
	[dreg:$0x18] =	wrdreg s25  }
0x27: {  	s20 =	sadd.s32 s4, s2;
	s4 =	sadd.s32 s19, s2;
	[dreg:$0x17] =	wrdreg s24  }
0x28: {  	s15 =	sshrl.u32 s13, $0x2;
	s0 =	sadd.s32 s0, s2;
	[dreg:$0x14] =	wrdreg s4  }
0x29: {  	s11 =	simm.s32 $0x5;
	s28 =	sadd.s32 s15, s2;
	[dreg:$0x15] =	wrdreg s0  }
0x2a: {  	s13 =	simm.s32 $0x6;
	s14 =	simm.s32 $0x4;
	[dreg:$0x12] =	wrdreg s28  }
0x2b: {  	s17 =	simm.s32 $0x0;
	s0 =	sadd.s32 s23, s2;
	[dreg:$0x13] =	wrdreg s20  }
0x2c: {  	v0 =	vimm.f32 $0.0e+00;
	s4 =	simm.s32 $0x300;
	[dreg:$0x16] =	wrdreg s0;
	s0 =	simm.s32 $0x200  }
.LBB2_1:
0x2d: {  	s15 =	simm.s32 $0x0;
	s18 =	simm.s32 $0x200  }
.LBB2_2:
0x2e: {  	p1 =	sne.s32 s18, $0xFE00;
	[tilespmem:s15+$0x470] =	vst v0  }
0x2f: {  	[tilespmem:s15+$0x400] =	vst v0  }
0x30: {  	[tilespmem:s15+$0x410] =	vst v0  }
.Ltmp0:
0x31: {  	[tilespmem:s15+$0x420] =	vst v0;
	(pc) =	sbr.rel @p1 .LBB2_2-.Ltmp0, $4  }
0x32: {  	[tilespmem:s15+$0x430] =	vst v0  }
0x33: {  	[tilespmem:s15+$0x440] =	vst v0  }
0x34: {  	[tilespmem:s15+$0x450] =	vst v0  }
0x35: {  	[tilespmem:s15+$0x460] =	vst v0;
	s15 =	sshra.s32 s18, $0x2;
	s18 =	sadd.s32 $0x200, s18  }
0x36: {  	[tilespmem:s15+$0x470] =	vst v0  }
0x37: {  	[tilespmem:s15+$0x400] =	vst v0  }
0x38: {  	[tilespmem:s15+$0x410] =	vst v0  }
0x39: {  	[tilespmem:s15+$0x420] =	vst v0  }
0x3a: {  	[tilespmem:s15+$0x430] =	vst v0  }
0x3b: {  	[tilespmem:s15+$0x440] =	vst v0  }
0x3c: {  	[tilespmem:s15+$0x450] =	vst v0  }
0x3d: {  	[tilespmem:s15+$0x460] =	vst v0  }
0x3e: {  	[spmem:s21] =	stream.linear.scatter [tilespmem:s29], [sflag:$0x7], $0x2800, $0x38;
	[tilespmem:$0x1BC80] =	vst v63  }
0x3f: {  	_ =	swait.ge [sflag:s30], $0x2800  }
0x40: {  	[sflag:s30] =	ssyncset.done $0x0  }
0x41: {  	[sflag:s30] =	ssyncadd.s32 $0xFFFFD800  }
0x42: {  	[spmem:s22] =	stream.linear.scatter [tilespmem:s29], [sflag:$0x7], $0x2800, $0x38;
	[tilespmem:$0x1BC80] =	vst v63  }
0x43: {  	_ =	swait.ge [sflag:s30], $0x2800  }
0x44: {  	[sflag:s30] =	ssyncset.done $0x0  }
0x45: {  	[sflag:s30] =	ssyncadd.s32 $0xFFFFD800  }
0x46: {  	[spmem:s26] =	stream.linear.scatter [tilespmem:s29], [sflag:$0x7], $0x2800, $0x38;
	[tilespmem:$0x1BC80] =	vst v63  }
0x47: {  	_ =	swait.ge [sflag:s30], $0x2800  }
0x48: {  	[sflag:s30] =	ssyncset.done $0x0  }
0x49: {  	[sflag:s30] =	ssyncadd.s32 $0xFFFFD800  }
0x4a: {  	[spmem:s28] =	stream.linear.scatter [tilespmem:s29], [sflag:$0x7], $0x2800, $0x38;
	[tilespmem:$0x1BC80] =	vst v63  }
0x4b: {  	_ =	swait.ge [sflag:s30], $0x2800  }
0x4c: {  	[sflag:s30] =	ssyncset.done $0x0  }
0x4d: {  	[sflag:s30] =	ssyncadd.s32 $0xFFFFD800  }
0x4e: {  	[spmem:s20] =	stream.linear.scatter [tilespmem:s29], [sflag:$0x7], $0x2800, $0x38;
	[tilespmem:$0x1BC80] =	vst v63  }
0x4f: {  	_ =	swait.ge [sflag:s30], $0x2800  }
0x50: {  	[sflag:s30] =	ssyncset.done $0x0  }
0x51: {  	s28 =	rddreg [dreg:$0x14];
	[sflag:s30] =	ssyncadd.s32 $0xFFFFD800  }
0x52: {  	[spmem:s28] =	stream.linear.scatter [tilespmem:s29], [sflag:$0x7], $0x2800, $0x38;
	[tilespmem:$0x1BC80] =	vst v63  }
0x53: {  	_ =	swait.ge [sflag:s30], $0x2800  }
0x54: {  	[sflag:s30] =	ssyncset.done $0x0  }
0x55: {  	s18 =	rddreg [dreg:$0x15];
	[sflag:s30] =	ssyncadd.s32 $0xFFFFD800  }
0x56: {  	[spmem:s18] =	stream.linear.scatter [tilespmem:s29], [sflag:$0x7], $0x2800, $0x38;
	[tilespmem:$0x1BC80] =	vst v63  }
0x57: {  	_ =	swait.ge [sflag:s30], $0x2800  }
0x58: {  	[sflag:s30] =	ssyncset.done $0x0  }
0x59: {  	s15 =	simm.s32 @!p0 $0x400;
	s18 =	rddreg [dreg:$0x16];
	[sflag:s30] =	ssyncadd.s32 $0xFFFFD800  }
0x5a: {  	[spmem:s18] =	stream.linear.scatter @!p0 [tilespmem:s15], [sflag:$0x7], $0x2800, $0x38;
	[tilespmem:$0x1BC80] =	vst v63  }
0x5b: {  	s15 =	simm.s32 @!p0 $0x7  }
0x5c: {  	_ =	swait.ge @!p0 [sflag:s15], $0x2800  }
0x5d: {  	[sflag:s15] =	ssyncset.done @!p0 $0x0  }
0x5e: {  	[sflag:s15] =	ssyncadd.s32 @!p0 $0xFFFFD800  }
0x5f: {  	[bflag:$0x0] =	sbarrier.arrive $0xFFFF  }
0x60: {  	s19 =	simm.s32 $0x0;
	s20 =	rddreg [dreg:$0xf]  }
0x61: {  	[tilespmem:s19], [sflag:$0x1] =	stream.linear.gather [hbm4b:s20+s19], $0x100, $0x38;
	[tilespmem:$0x1BC80] =	vst v63  }
0x62: {  	s23 =	smov.u32 s21;
	s21 =	rddreg [dreg:$0x10]  }
0x63: {  	[tilespmem:s31], [sflag:$0x2] =	stream.linear.gather [hbm4b:s21+s19], $0x100, $0x38;
	[tilespmem:$0x1BC80] =	vst v63  }
0x64: {  	s24 =	smov.u32 s22;
	s22 =	rddreg [dreg:$0x17]  }
0x65: {  	[tilespmem:s0], [sflag:$0x3] =	stream.linear.gather [hbm4b:s22+s19], $0x100, $0x38;
	[tilespmem:$0x1BC80] =	vst v63  }
0x66: {  	s25 =	smov.u32 s26;
	s26 =	rddreg [dreg:$0x18]  }
0x67: {  	[tilespmem:s4], [sflag:$0x4] =	stream.linear.gather [hbm4b:s26+s19], $0x100, $0x38;
	[tilespmem:$0x1BC80] =	vst v63  }
0x68: {  	_ =	swait.ge [sflag:s7], $0x100  }
0x69: {  	[sflag:s7] =	ssyncset.done $0x0  }
0x6a: {  	[sflag:s7] =	ssyncadd.s32 $0xFFFFFF00  }
0x6b: {  	[tilespmem:s29], [sflag:$0x5] =	stream.indirect.gather [hbm4b:s1+s8], $0x80, s19, s8, $0xb8;
	[tilespmem:$0x1BC80] =	vst v63  }
0x6c: {  	_ =	swait.ge [sflag:s9], $0x100  }
0x6d: {  	[sflag:s9] =	ssyncset.done $0x0  }
0x6e: {  	[sflag:s9] =	ssyncadd.s32 $0xFFFFFF00  }
0x6f: {  	[tilespmem:s10], [sflag:$0x6] =	stream.indirect.gather [hbm4b:s1+s8], $0x80, s31, s8, $0xb8;
	[tilespmem:$0x1BC80] =	vst v63  }
0x70: {  	s28 =	sadd.s32 $0x0, s6;
	_ =	swait.ge [sflag:s11], $0x4000  }
0x71: {  	s18 =	sadd.s32 $0x80, s28;
	[sflag:s11] =	ssyncset.done $0x0  }
0x72: {  	p1 =	slt.s32 s18, $0x9C3;
	[sflag:s11] =	ssyncadd.s32 $0xFFFFC000  }
0x73: {  	[spmem:s2] =	stream.indirect.scatter.add.f32 [tilespmem:s29], [sflag:$0x7], $0x80, s8, s8, $0xb8;
	[tilespmem:$0x1BC80] =	vst v63  }
0x74: {  	s18 =	simm.s32 @!p1 $0x9C3;
	_ =	swait.ge [sflag:s30], $0x4000  }
0x75: {  	s18 =	sshll.u32 s18, $0x5;
	[sflag:s30] =	ssyncset.done $0x0  }
0x76: {  	s18 =	sadd.s32 s5, s18;
	[sflag:s30] =	ssyncadd.s32 $0xFFFFC000  }
0x77: {  	[tilespmem:s3], [sflag:$0x1] =	stream.linear.gather [hbm4b:s18+s3], $0x100, $0x38;
	[tilespmem:$0x1BC80] =	vst v63  }
0x78: {  	_ =	swait.ge [sflag:s12], $0x100  }
0x79: {  	[sflag:s12] =	ssyncset.done $0x0  }
0x7a: {  	[sflag:s12] =	ssyncadd.s32 $0xFFFFFF00  }
0x7b: {  	[tilespmem:s29], [sflag:$0x5] =	stream.indirect.gather [hbm4b:s1+s8], $0x80, s0, s8, $0xb8;
	[tilespmem:$0x1BC80] =	vst v63  }
0x7c: {  	_ =	swait.ge [sflag:s13], $0x4000  }
0x7d: {  	s19 =	sadd.s32 $0xA0, s28;
	[sflag:s13] =	ssyncset.done $0x0  }
0x7e: {  	p1 =	slt.s32 s19, $0x9C3;
	s20 =	rddreg [dreg:$0x6];
	[sflag:s13] =	ssyncadd.s32 $0xFFFFC000  }
0x7f: {  	[spmem:s2] =	stream.indirect.scatter.add.f32 [tilespmem:s10], [sflag:$0x7], $0x80, s20, s8, $0xb8;
	[tilespmem:$0x1BC80] =	vst v63  }
0x80: {  	s19 =	simm.s32 @!p1 $0x9C3;
	_ =	swait.ge [sflag:s30], $0x4000  }
0x81: {  	s21 =	sshll.u32 s19, $0x5;
	[sflag:s30] =	ssyncset.done $0x0  }
0x82: {  	s18 =	sadd.s32 s5, s21;
	[sflag:s30] =	ssyncadd.s32 $0xFFFFC000  }
0x83: {  	[tilespmem:s31], [sflag:$0x2] =	stream.linear.gather [hbm4b:s18+s3], $0x100, $0x38;
	[tilespmem:$0x1BC80] =	vst v63  }
0x84: {  	_ =	swait.ge [sflag:s14], $0x100  }
0x85: {  	[sflag:s14] =	ssyncset.done $0x0  }
0x86: {  	[sflag:s14] =	ssyncadd.s32 $0xFFFFFF00  }
0x87: {  	[tilespmem:s10], [sflag:$0x6] =	stream.indirect.gather [hbm4b:s1+s8], $0x80, s4, s8, $0xb8;
	[tilespmem:$0x1BC80] =	vst v63  }
0x88: {  	_ =	swait.ge [sflag:s11], $0x4000  }
0x89: {  	s22 =	rddreg [dreg:$0x4];
	[sflag:s11] =	ssyncset.done $0x0  }
0x8a: {  	s19 =	sadd.s32 $0xC0, s28;
	[sflag:s11] =	ssyncadd.s32 $0xFFFFC000;
	p1 =	sle.u32 s22, $0x0  }
0x8b: {  	s18 =	simm.s32 @!p1 $0x280;
	s20 =	simm.s32 @!p1 $0x80;
	s26 =	simm.s32 @!p1 $0x400  }
0x8c: {  	[spmem:s2] =	stream.indirect.scatter.add.f32 @!p1 [tilespmem:s26], [sflag:$0x7], $0x80, s18, s20, $0xb8;
	[tilespmem:$0x1BC80] =	vst v63  }
0x8d: {  	p2 =	slt.s32 s19, $0x9C3;
	s18 =	simm.s32 @!p1 $0x7  }
0x8e: {  	s19 =	simm.s32 @!p2 $0x9C3;
	_ =	swait.ge @!p1 [sflag:s18], $0x4000  }
0x8f: {  	s19 =	sshll.u32 s19, $0x5;
	[sflag:s18] =	ssyncset.done @!p1 $0x0  }
0x90: {  	s15 =	sadd.s32 $0xE0, s28;
	s26 =	sadd.s32 s5, s19;
	[sflag:s18] =	ssyncadd.s32 @!p1 $0xFFFFC000  }
0x91: {  	[tilespmem:s0], [sflag:$0x3] =	stream.linear.gather [hbm4b:s26+s3], $0x100, $0x38;
	[tilespmem:$0x1BC80] =	vst v63  }
0x92: {  	p1 =	slt.s32 s15, $0x9C3;
	_ =	swait.ge [sflag:s13], $0x4000  }
0x93: {  	s26 =	simm.s32 $0x80;
	s15 =	simm.s32 @!p1 $0x9C3;
	s28 =	rddreg [dreg:$0x5]  }
0x94: {  	s15 =	sshll.u32 s15, $0x5;
	[sflag:s13] =	ssyncset.done $0x0;
	p2 =	sle.u32 s28, $0x0  }
0x95: {  	s18 =	simm.s32 @!p2 $0x80;
	s19 =	simm.s32 @!p2 $0x380;
	s20 =	simm.s32 @!p2 $0x4400  }
.LBB2_4:
0x96: {  	[sflag:s13] =	ssyncadd.s32 $0xFFFFC000;
	s21 =	simm.s32 @!p2 $0x7  }
0x97: {  	[spmem:s2] =	stream.indirect.scatter.add.f32 @!p2 [tilespmem:s20], [sflag:$0x7], $0x80, s19, s18, $0xb8;
	[tilespmem:$0x1BC80] =	vst v63  }
0x98: {  	_ =	swait.ge @!p2 [sflag:s21], $0x4000  }
0x99: {  	[sflag:s21] =	ssyncset.done @!p2 $0x0  }
0x9a: {  	s15 =	sadd.s32 s5, s15;
	[sflag:s21] =	ssyncadd.s32 @!p2 $0xFFFFC000  }
0x9b: {  	[tilespmem:s4], [sflag:$0x4] =	stream.linear.gather [hbm4b:s15+s3], $0x100, $0x38;
	[tilespmem:$0x1BC80] =	vst v63  }
0x9c: {  	_ =	swait.ge [sflag:s7], $0x100  }
0x9d: {  	[sflag:s7] =	ssyncset.done $0x0  }
0x9e: {  	[sflag:s7] =	ssyncadd.s32 $0xFFFFFF00  }
0x9f: {  	[tilespmem:s29], [sflag:$0x5] =	stream.indirect.gather [hbm4b:s1+s8], $0x80, s3, s8, $0xb8;
	[tilespmem:$0x1BC80] =	vst v63  }
0xa0: {  	_ =	swait.ge [sflag:s9], $0x100  }
0xa1: {  	[sflag:s9] =	ssyncset.done $0x0  }
0xa2: {  	s28 =	smov.u32 s26;
	[sflag:s9] =	ssyncadd.s32 $0xFFFFFF00  }
0xa3: {  	[tilespmem:s10], [sflag:$0x6] =	stream.indirect.gather [hbm4b:s1+s8], $0x80, s31, s8, $0xb8;
	[tilespmem:$0x1BC80] =	vst v63  }
0xa4: {  	s21 =	sadd.s32 s28, s6;
	_ =	swait.ge [sflag:s11], $0x4000  }
0xa5: {  	s18 =	sadd.s32 $0x80, s21;
	[sflag:s11] =	ssyncset.done $0x0  }
0xa6: {  	p3 =	slt.s32 s18, $0x9C3;
	[sflag:s11] =	ssyncadd.s32 $0xFFFFC000  }
0xa7: {  	[spmem:s2] =	stream.indirect.scatter.add.f32 [tilespmem:s29], [sflag:$0x7], $0x80, s8, s8, $0xb8;
	[tilespmem:$0x1BC80] =	vst v63  }
0xa8: {  	s19 =	sadd.s32 $0xA0, s21;
	s18 =	simm.s32 @!p3 $0x9C3;
	_ =	swait.ge [sflag:s30], $0x4000  }
0xa9: {  	s20 =	sadd.s32 $0xC0, s21;
	s22 =	sshll.u32 s18, $0x5;
	[sflag:s30] =	ssyncset.done $0x0  }
0xaa: {  	s15 =	sadd.s32 $0xE0, s21;
	s21 =	sadd.s32 s5, s22;
	[sflag:s30] =	ssyncadd.s32 $0xFFFFC000  }
0xab: {  	[tilespmem:s3], [sflag:$0x1] =	stream.linear.gather [hbm4b:s21+s3], $0x100, $0x38;
	[tilespmem:$0x1BC80] =	vst v63  }
0xac: {  	_ =	swait.ge [sflag:s12], $0x100  }
0xad: {  	[sflag:s12] =	ssyncset.done $0x0  }
0xae: {  	[sflag:s12] =	ssyncadd.s32 $0xFFFFFF00  }
0xaf: {  	[tilespmem:s29], [sflag:$0x5] =	stream.indirect.gather [hbm4b:s1+s8], $0x80, s0, s8, $0xb8;
	[tilespmem:$0x1BC80] =	vst v63  }
0xb0: {  	_ =	swait.ge [sflag:s13], $0x4000  }
0xb1: {  	[sflag:s13] =	ssyncset.done $0x0  }
0xb2: {  	p2 =	slt.s32 s19, $0x9C3;
	s22 =	rddreg [dreg:$0x6];
	[sflag:s13] =	ssyncadd.s32 $0xFFFFC000  }
0xb3: {  	[spmem:s2] =	stream.indirect.scatter.add.f32 [tilespmem:s10], [sflag:$0x7], $0x80, s22, s8, $0xb8;
	[tilespmem:$0x1BC80] =	vst v63  }
0xb4: {  	s19 =	simm.s32 @!p2 $0x9C3;
	_ =	swait.ge [sflag:s30], $0x4000  }
0xb5: {  	s19 =	sshll.u32 s19, $0x5;
	[sflag:s30] =	ssyncset.done $0x0  }
0xb6: {  	s19 =	sadd.s32 s5, s19;
	[sflag:s30] =	ssyncadd.s32 $0xFFFFC000  }
0xb7: {  	[tilespmem:s31], [sflag:$0x2] =	stream.linear.gather [hbm4b:s19+s3], $0x100, $0x38;
	[tilespmem:$0x1BC80] =	vst v63  }
0xb8: {  	_ =	swait.ge [sflag:s14], $0x100  }
0xb9: {  	[sflag:s14] =	ssyncset.done $0x0  }
0xba: {  	[sflag:s14] =	ssyncadd.s32 $0xFFFFFF00  }
0xbb: {  	[tilespmem:s10], [sflag:$0x6] =	stream.indirect.gather [hbm4b:s1+s8], $0x80, s4, s8, $0xb8;
	[tilespmem:$0x1BC80] =	vst v63  }
0xbc: {  	p2 =	slt.s32 s20, $0x9C3;
	_ =	swait.ge [sflag:s11], $0x4000  }
0xbd: {  	s20 =	simm.s32 @!p2 $0x9C3;
	p2 =	slt.s32 s15, $0x9C3;
	s21 =	rddreg [dreg:$0x4]  }
0xbe: {  	s15 =	simm.s32 @!p2 $0x9C3;
	[sflag:s11] =	ssyncset.done $0x0;
	p2 =	sge.u32 s28, s21  }
0xbf: {  	s18 =	sshll.u32 s20, $0x5;
	[sflag:s11] =	ssyncadd.s32 $0xFFFFC000;
	s19 =	simm.s32 @!p2 $0x280  }
0xc0: {  	s20 =	simm.s32 @!p2 $0x80;
	s21 =	simm.s32 @!p2 $0x400;
	s22 =	simm.s32 @!p2 $0x7  }
0xc1: {  	[spmem:s2] =	stream.indirect.scatter.add.f32 @!p2 [tilespmem:s21], [sflag:$0x7], $0x80, s19, s20, $0xb8;
	[tilespmem:$0x1BC80] =	vst v63  }
0xc2: {  	_ =	swait.ge @!p2 [sflag:s22], $0x4000  }
0xc3: {  	s26 =	sadd.s32 $0x80, s26;
	[sflag:s22] =	ssyncset.done @!p2 $0x0  }
0xc4: {  	p1 =	sne.s32 s26, $0xA00;
	s18 =	sadd.s32 s5, s18;
	[sflag:s22] =	ssyncadd.s32 @!p2 $0xFFFFC000  }
0xc5: {  	[tilespmem:s0], [sflag:$0x3] =	stream.linear.gather [hbm4b:s18+s3], $0x100, $0x38;
	[tilespmem:$0x1BC80] =	vst v63  }
.Ltmp1:
0xc6: {  	_ = 	snop;
	(pc) =	sbr.rel @p1 .LBB2_4-.Ltmp1, $4  }
0xc7: {  	_ =	swait.ge [sflag:s13], $0x4000  }
0xc8: {  	s22 =	rddreg [dreg:$0x5]  }
0xc9: {  	s15 =	sshll.u32 s15, $0x5;
	[sflag:s13] =	ssyncset.done $0x0;
	p2 =	sge.u32 s28, s22  }
0xca: {  	s18 =	simm.s32 @!p2 $0x80;
	s19 =	simm.s32 @!p2 $0x380;
	s20 =	simm.s32 @!p2 $0x4400  }
0xcb: {  	[sflag:s13] =	ssyncadd.s32 $0xFFFFC000  }
0xcc: {  	[spmem:s2] =	stream.indirect.scatter.add.f32 @!p2 [tilespmem:s20], [sflag:$0x7], $0x80, s19, s18, $0xb8;
	[tilespmem:$0x1BC80] =	vst v63  }
0xcd: {  	s18 =	simm.s32 @!p2 $0x7  }
0xce: {  	_ =	swait.ge @!p2 [sflag:s18], $0x4000  }
0xcf: {  	[sflag:s18] =	ssyncset.done @!p2 $0x0  }
0xd0: {  	s15 =	sadd.s32 s5, s15;
	[sflag:s18] =	ssyncadd.s32 @!p2 $0xFFFFC000  }
0xd1: {  	[tilespmem:s4], [sflag:$0x4] =	stream.linear.gather [hbm4b:s15+s3], $0x100, $0x38;
	[tilespmem:$0x1BC80] =	vst v63  }
0xd2: {  	_ =	swait.ge [sflag:s7], $0x100  }
0xd3: {  	[sflag:s7] =	ssyncset.done $0x0  }
0xd4: {  	[sflag:s7] =	ssyncadd.s32 $0xFFFFFF00  }
0xd5: {  	[tilespmem:s29], [sflag:$0x5] =	stream.indirect.gather [hbm4b:s1+s8], $0x80, s3, s8, $0xb8;
	[tilespmem:$0x1BC80] =	vst v63  }
0xd6: {  	_ =	swait.ge [sflag:s11], $0x4000  }
0xd7: {  	[sflag:s11] =	ssyncset.done $0x0  }
0xd8: {  	[sflag:s11] =	ssyncadd.s32 $0xFFFFC000  }
0xd9: {  	_ =	swait.ge [sflag:s9], $0x100  }
0xda: {  	[sflag:s9] =	ssyncset.done $0x0  }
0xdb: {  	[sflag:s9] =	ssyncadd.s32 $0xFFFFFF00  }
0xdc: {  	_ =	swait.ge [sflag:s12], $0x100  }
0xdd: {  	[sflag:s12] =	ssyncset.done $0x0  }
0xde: {  	[sflag:s12] =	ssyncadd.s32 $0xFFFFFF00  }
0xdf: {  	_ =	swait.ge [sflag:s14], $0x100  }
0xe0: {  	[sflag:s14] =	ssyncset.done $0x0  }
0xe1: {  	[sflag:s14] =	ssyncadd.s32 $0xFFFFFF00  }
0xe2: {  	[bflag:$0x0] =	sbarrier.arrive $0xFFFF  }
0xe3: {  	[tilespmem:s29], [sflag:$0x8] =	stream.linear.gather [spmem:s23], $0x2800, $0x38;
	[tilespmem:$0x1BC80] =	vst v63  }
0xe4: {  	_ =	swait.ge [sflag:s16], $0x2800  }
0xe5: {  	[sflag:s16] =	ssyncset.done $0x0  }
0xe6: {  	s19 =	rddreg [dreg:$0x7];
	[sflag:s16] =	ssyncadd.s32 $0xFFFFD800  }
0xe7: {  	[hbm4b:s19+s3] =	stream.linear.scatter [tilespmem:s29], [sflag:$0x7], $0x2800, $0x38;
	[tilespmem:$0x1BC80] =	vst v63  }
0xe8: {  	_ =	swait.ge [sflag:s30], $0x2800  }
0xe9: {  	[sflag:s30] =	ssyncset.done $0x0  }
0xea: {  	[sflag:s30] =	ssyncadd.s32 $0xFFFFD800  }
0xeb: {  	[tilespmem:s29], [sflag:$0x8] =	stream.linear.gather [spmem:s24], $0x2800, $0x38;
	[tilespmem:$0x1BC80] =	vst v63  }
0xec: {  	_ =	swait.ge [sflag:s16], $0x2800  }
0xed: {  	[sflag:s16] =	ssyncset.done $0x0  }
0xee: {  	s20 =	rddreg [dreg:$0x8];
	[sflag:s16] =	ssyncadd.s32 $0xFFFFD800  }
0xef: {  	[hbm4b:s20+s3] =	stream.linear.scatter [tilespmem:s29], [sflag:$0x7], $0x2800, $0x38;
	[tilespmem:$0x1BC80] =	vst v63  }
0xf0: {  	_ =	swait.ge [sflag:s30], $0x2800  }
0xf1: {  	[sflag:s30] =	ssyncset.done $0x0  }
0xf2: {  	[sflag:s30] =	ssyncadd.s32 $0xFFFFD800  }
0xf3: {  	[tilespmem:s29], [sflag:$0x8] =	stream.linear.gather [spmem:s25], $0x2800, $0x38;
	[tilespmem:$0x1BC80] =	vst v63  }
0xf4: {  	_ =	swait.ge [sflag:s16], $0x2800  }
0xf5: {  	[sflag:s16] =	ssyncset.done $0x0  }
0xf6: {  	s21 =	smov.u32 s23;
	s23 =	rddreg [dreg:$0x9];
	[sflag:s16] =	ssyncadd.s32 $0xFFFFD800  }
0xf7: {  	[hbm4b:s23+s3] =	stream.linear.scatter [tilespmem:s29], [sflag:$0x7], $0x2800, $0x38;
	[tilespmem:$0x1BC80] =	vst v63  }
0xf8: {  	_ =	swait.ge [sflag:s30], $0x2800  }
0xf9: {  	[sflag:s30] =	ssyncset.done $0x0  }
0xfa: {  	s28 =	rddreg [dreg:$0x12];
	[sflag:s30] =	ssyncadd.s32 $0xFFFFD800  }
0xfb: {  	[tilespmem:s29], [sflag:$0x8] =	stream.linear.gather [spmem:s28], $0x2800, $0x38;
	[tilespmem:$0x1BC80] =	vst v63  }
0xfc: {  	_ =	swait.ge [sflag:s16], $0x2800  }
0xfd: {  	[sflag:s16] =	ssyncset.done $0x0  }
0xfe: {  	s22 =	smov.u32 s24;
	s24 =	rddreg [dreg:$0xa];
	[sflag:s16] =	ssyncadd.s32 $0xFFFFD800  }
0xff: {  	[hbm4b:s24+s3] =	stream.linear.scatter [tilespmem:s29], [sflag:$0x7], $0x2800, $0x38;
	[tilespmem:$0x1BC80] =	vst v63  }
0x100: {  	_ =	swait.ge [sflag:s30], $0x2800  }
0x101: {  	[sflag:s30] =	ssyncset.done $0x0  }
0x102: {  	s20 =	rddreg [dreg:$0x13];
	[sflag:s30] =	ssyncadd.s32 $0xFFFFD800  }
0x103: {  	[tilespmem:s29], [sflag:$0x8] =	stream.linear.gather [spmem:s20], $0x2800, $0x38;
	[tilespmem:$0x1BC80] =	vst v63  }
0x104: {  	_ =	swait.ge [sflag:s16], $0x2800  }
0x105: {  	[sflag:s16] =	ssyncset.done $0x0  }
0x106: {  	s26 =	smov.u32 s25;
	s25 =	rddreg [dreg:$0xb];
	[sflag:s16] =	ssyncadd.s32 $0xFFFFD800  }
0x107: {  	[hbm4b:s25+s3] =	stream.linear.scatter [tilespmem:s29], [sflag:$0x7], $0x2800, $0x38;
	[tilespmem:$0x1BC80] =	vst v63  }
0x108: {  	_ =	swait.ge [sflag:s30], $0x2800  }
0x109: {  	[sflag:s30] =	ssyncset.done $0x0  }
0x10a: {  	s18 =	rddreg [dreg:$0x14];
	[sflag:s30] =	ssyncadd.s32 $0xFFFFD800  }
0x10b: {  	[tilespmem:s29], [sflag:$0x8] =	stream.linear.gather [spmem:s18], $0x2800, $0x38;
	[tilespmem:$0x1BC80] =	vst v63  }
0x10c: {  	_ =	swait.ge [sflag:s16], $0x2800  }
0x10d: {  	[sflag:s16] =	ssyncset.done $0x0  }
0x10e: {  	s19 =	rddreg [dreg:$0xc];
	[sflag:s16] =	ssyncadd.s32 $0xFFFFD800  }
0x10f: {  	[hbm4b:s19+s3] =	stream.linear.scatter [tilespmem:s29], [sflag:$0x7], $0x2800, $0x38;
	[tilespmem:$0x1BC80] =	vst v63  }
0x110: {  	_ =	swait.ge [sflag:s30], $0x2800  }
0x111: {  	[sflag:s30] =	ssyncset.done $0x0  }
0x112: {  	s23 =	rddreg [dreg:$0x15];
	[sflag:s30] =	ssyncadd.s32 $0xFFFFD800  }
0x113: {  	[tilespmem:s29], [sflag:$0x8] =	stream.linear.gather [spmem:s23], $0x2800, $0x38;
	[tilespmem:$0x1BC80] =	vst v63  }
0x114: {  	_ =	swait.ge [sflag:s16], $0x2800  }
0x115: {  	[sflag:s16] =	ssyncset.done $0x0  }
0x116: {  	s24 =	rddreg [dreg:$0xd];
	[sflag:s16] =	ssyncadd.s32 $0xFFFFD800  }
0x117: {  	[hbm4b:s24+s3] =	stream.linear.scatter [tilespmem:s29], [sflag:$0x7], $0x2800, $0x38;
	[tilespmem:$0x1BC80] =	vst v63  }
0x118: {  	_ =	swait.ge [sflag:s30], $0x2800  }
0x119: {  	[sflag:s30] =	ssyncset.done $0x0  }
0x11a: {  	s15 =	simm.s32 @!p0 $0x400;
	s18 =	rddreg [dreg:$0x16];
	[sflag:s30] =	ssyncadd.s32 $0xFFFFD800  }
0x11b: {  	[tilespmem:s15], [sflag:$0x8] =	stream.linear.gather @!p0 [spmem:s18], $0x2800, $0x38;
	[tilespmem:$0x1BC80] =	vst v63  }
0x11c: {  	s18 =	simm.s32 @!p0 $0x8  }
0x11d: {  	_ =	swait.ge @!p0 [sflag:s18], $0x2800  }
0x11e: {  	[sflag:s18] =	ssyncset.done @!p0 $0x0  }
0x11f: {  	s19 =	rddreg [dreg:$0xe];
	[sflag:s18] =	ssyncadd.s32 @!p0 $0xFFFFD800;
	s18 =	simm.s32 @!p0 $0x0  }
0x120: {  	[hbm4b:s19+s18] =	stream.linear.scatter @!p0 [tilespmem:s15], [sflag:$0x7], $0x2800, $0x38;
	[tilespmem:$0x1BC80] =	vst v63  }
0x121: {  	s15 =	simm.s32 @!p0 $0x7  }
0x122: {  	_ =	swait.ge @!p0 [sflag:s15], $0x2800  }
0x123: {  	s17 =	sadd.s32 $0x1, s17;
	s25 =	rddreg [dreg:$0x11]  }
0x124: {  	p1 =	sne.s32 s17, s25  }
.Ltmp2:
0x125: {  	_ = 	snop;
	(pc) =	sbr.rel @p1 .LBB2_1-.Ltmp2, $3  }
0x126: {  	_ =	sdelay $0x1  }
0x127: {  	[sflag:s15] =	ssyncset.done @!p0 $0x0  }
0x128: {  	[sflag:s15] =	ssyncadd.s32 @!p0 $0xFFFFD800  }
0x129: {  	_ =	sfence.sel $0x180000  }
0x12a: {  	[bflag:$0x0] =	sbarrier.arrive $0xFFFF  }
0x12b: {  	_ =	strace $0x90000047  }
0x12c: {  	s0 =	stileid.u32;
	[bflag:$0x2] =	sbarrier.arrive $0xFFFF  }
0x12d: {  	p0 =	sne.s32 s0, $0x0;
	s0 =	rddreg [dreg:$0x3]  }
0x12e: {  	s0 =	sadd.s32 @!p0 $0x100000, s0  }
0x12f: {  	[sflag:s0] =	ssyncadd.tile.s32 @!p0 $0x1;
	_ =	shalt  }
.Lfunc_end2:
_tile_overlayer_lowered:
.L_overlay_start_2:
0x130: {  	(tag) =	ssettag $0x2  }
0x131: {  	s0 =	rddreg [dreg:$0x0];
	s2 =	stileid.u32  }
0x132: {  	s1 =	rddreg [dreg:$0x1];
	p0 =	sne.s32 s2, $0x0  }
0x133: {  	s3 =	rddreg [dreg:$0x2];
	[bflag:$0x3] =	sbarrier.arrive $0xFFFF;
	s2 =	simm.s32 @!p0 $0x1C07  }
0x134: {  	[timem:s3], [sflag:s2] =	dma.local @!p0 [hbm:s0], s1  }
0x135: {  	s0 =	simm.s32 @!p0 $0x7  }
0x136: {  	_ =	swait.ge @!p0 [sflag:s0], s1  }
0x137: {  	s1 =	ssub.s32 @!p0 $0x0, s1;
	[sflag:s0] =	ssyncset.done @!p0 $0x0  }
0x138: {  	[sflag:s0] =	ssyncadd.s32 @!p0 s1  }
0x139: {  	[bflag:$0x3] =	sbarrier.arrive $0xFFFF  }
0x13a: {  	_ =	shalt  }

</sc_bundles>
